<compile_context>
chip_gen: v7x
topology: tpu7x:2x2x1
jax: 0.10.2.dev20260603
libtpu: 0.0.44.dev20260713+nightly
codegen_flags: <defaults>
</compile_context>

<pallas_src>
import functools

import jax
import jax.numpy as jnp
from jax import lax
from jax.experimental import pallas as pl
from jax.experimental.pallas import tpu as pltpu
from jax.experimental.pallas import tpu_sc as plsc

N = 10000
D = 128
E = 320000
NS = 16
CHUNK = 80
EPT = E // NS
NCHUNK = EPT // CHUNK
ROWS_PT = 624
TAIL = N - NS * ROWS_PT
RB = 1000


def _dense_body(x_ref, w_ref, p_ref, q_ref):
    h = jnp.dot(x_ref[...], w_ref[...], preferred_element_type=jnp.float32)
    r = jnp.maximum(h, 0.0)
    att = jnp.exp(-r)
    m = jnp.where(h > 0, h, jnp.exp(h) - 1.0)
    p_ref[...] = m * att
    q_ref[...] = r * att * att


def _dense(x, w):
    return pl.pallas_call(
        _dense_body,
        grid=(N // RB,),
        in_specs=[
            pl.BlockSpec((RB, D), lambda i: (i, 0)),
            pl.BlockSpec((D, D), lambda i: (0, 0)),
        ],
        out_specs=[
            pl.BlockSpec((RB, D), lambda i: (i, 0)),
            pl.BlockSpec((RB, D), lambda i: (i, 0)),
        ],
        out_shape=[
            jax.ShapeDtypeStruct((N, D), jnp.float32),
            jax.ShapeDtypeStruct((N, D), jnp.float32),
        ],
    )(x, w)


def _sc_body(row_hbm, col_hbm, vals_hbm, pq_hbm, zeros_hbm, out_hbm,
             idx_v, row_v, rows_v, val_v, acc, sem):
    c = lax.axis_index("c")
    s = lax.axis_index("s")
    pltpu.sync_copy(zeros_hbm.at[pl.ds(0, ROWS_PT)],
                    acc.at[pl.ds(s * ROWS_PT, ROWS_PT)])

    @pl.when(s == NS - 1)
    def _():
        pltpu.sync_copy(zeros_hbm.at[pl.ds(0, TAIL)],
                        acc.at[pl.ds(NS * ROWS_PT, TAIL)])

    plsc.subcore_barrier()
    cN = c * N
    base = s * EPT

    def chunk_body(j, carry):
        off = pl.multiple_of(base + j * CHUNK, CHUNK)
        pltpu.sync_copy(col_hbm.at[pl.ds(off, CHUNK)], idx_v)
        pltpu.sync_copy(row_hbm.at[pl.ds(off, CHUNK)], row_v)
        pltpu.sync_copy(vals_hbm.at[pl.ds(c * E + off, CHUNK)], val_v)
        for i in range(CHUNK // 16):
            sl = pl.ds(i * 16, 16)
            idx_v[sl] = idx_v[sl] + cN
        pltpu.async_copy(pq_hbm.at[idx_v], rows_v, sem).wait()

        def grp_body(g, ecarry):
            vv = val_v[pl.ds(g * 16, 16)]
            for l in range(16):
                e = g * 16 + l
                v = vv[l]
                for f in range(D // 16):
                    sl = pl.ds(f * 16, 16)
                    rows_v[e, sl] = rows_v[e, sl] * v
            return ecarry

        lax.fori_loop(0, CHUNK // 16, grp_body, 0)
        pltpu.sync_copy(rows_v, acc.at[row_v], add=True)
        return carry

    lax.fori_loop(0, NCHUNK, chunk_body, 0)
    plsc.subcore_barrier()
    r0 = s * ROWS_PT
    pltpu.sync_copy(acc.at[pl.ds(r0, ROWS_PT)],
                    out_hbm.at[pl.ds(cN + r0, ROWS_PT)])

    @pl.when(s == NS - 1)
    def _():
        pltpu.sync_copy(acc.at[pl.ds(NS * ROWS_PT, TAIL)],
                        out_hbm.at[pl.ds(cN + NS * ROWS_PT, TAIL)])


_sc_call = functools.partial(
    pl.kernel,
    mesh=plsc.VectorSubcoreMesh(core_axis_name="c", subcore_axis_name="s"),
    out_type=jax.ShapeDtypeStruct((2 * N, D), jnp.float32),
    scratch_types=[
        pltpu.VMEM((CHUNK,), jnp.int32),
        pltpu.VMEM((CHUNK,), jnp.int32),
        pltpu.VMEM((CHUNK, D), jnp.float32),
        pltpu.VMEM((CHUNK,), jnp.float32),
        pltpu.VMEM_SHARED((N, D), jnp.float32),
        pltpu.SemaphoreType.DMA,
    ],
)(_sc_body)


def kernel(x, edge_index, adj0_vals, adj1_vals, kernel):
    p, q = _dense(x, kernel)
    pq = jnp.concatenate([p, q], axis=0)
    vals = jnp.concatenate([adj0_vals, adj1_vals])
    row = edge_index[0]
    col = edge_index[1]
    zeros = jnp.zeros((ROWS_PT, D), jnp.float32)
    out = _sc_call(row, col, vals, pq, zeros)
    return out[:N], out[N:]

# --- scband reference (transcript-rebuilt; emitter-appended) ---
"""Pipeline reference for scband-gaussion-convolution-f-27496380629019 (READ-ONLY COPY).

The authoritative reference and input builder live on the scoring server;
editing this copy changes nothing except your own understanding.
"""

import jax, jax.numpy as jnp
import numpy as np

N = 10000
E = 320000
D = 128
UNITS = 128
GAMMA = 1.0


def setup_inputs(seed: int = 0) -> dict:
    key = jax.random.key(seed)
    k1, k2, k3, k4, k5 = jax.random.split(key, 5)
    x = jax.random.normal(k1, (N, D), dtype=jnp.float32)
    edge_index = jax.random.randint(k2, (2, E), 0, N)
    adj0_vals = jax.random.uniform(k3, (E,), dtype=jnp.float32)
    adj1_vals = jax.random.uniform(k4, (E,), dtype=jnp.float32)
    kernel = jax.random.normal(k5, (D, UNITS), dtype=jnp.float32) * (1.0 / np.sqrt(D))
    return {"x": x, "edge_index": edge_index, "adj0_vals": adj0_vals, "adj1_vals": adj1_vals, "kernel": kernel}


def reference(x, edge_index, adj0_vals, adj1_vals, kernel):
    # h = x @ W
    h = x @ kernel
    mean = jax.nn.elu(h)
    var = jax.nn.relu(h)
    attention = jnp.exp(-GAMMA * var)
    row = edge_index[0]  # dst node i
    col = edge_index[1]  # src node j
    # mean = sparse(adj0) @ (mean * attention)
    mean_src = (mean * attention)[col]
    mean_out = jax.ops.segment_sum(adj0_vals[:, None] * mean_src, row, num_segments=N)
    # var = sparse(adj1) @ (var * attention * attention)
    var_src = (var * attention * attention)[col]
    var_out = jax.ops.segment_sum(adj1_vals[:, None] * var_src, row, num_segments=N)
    # activation is None (linear)
    return (mean_out, var_out)

if __name__ == "__main__":
    import jax
    _d = setup_inputs()
    print(jax.jit(kernel)(*tuple(_d.values())))

</pallas_src>

<mosaic_0001>
#map = affine_map<(d0, d1) -> (0)>
#map1 = affine_map<(d0, d1) -> (0, 0)>
module attributes {stable_mosaic.version = 14 : i64} {
  func.func @_sc_body(%arg0: i32, %arg1: i32, %arg2: memref<320000xi32, #tpu.memory_space<hbm>>, %arg3: memref<320000xi32, #tpu.memory_space<hbm>>, %arg4: memref<640000xf32, #tpu.memory_space<hbm>>, %arg5: memref<20000x128xf32, #tpu.memory_space<hbm>>, %arg6: memref<624x128xf32, #tpu.memory_space<hbm>>, %arg7: memref<20000x128xf32, #tpu.memory_space<hbm>>, %arg8: memref<80xi32, #tpu.memory_space<vmem>>, %arg9: memref<80xi32, #tpu.memory_space<vmem>>, %arg10: memref<80x128xf32, #tpu.memory_space<vmem>>, %arg11: memref<80xf32, #tpu.memory_space<vmem>>, %arg12: memref<10000x128xf32, #tpu.memory_space<vmem_shared>>, %arg13: memref<!tpu.dma_semaphore, #tpu.memory_space<semaphore_mem>>) attributes {dimension_semantics = [#tpu.dimension_semantics<core_parallel>, #tpu.dimension_semantics<subcore_parallel>], iteration_bounds = array<i64: 2, 16>, scalar_prefetch = 0 : i64, scratch_operands = 6 : i64, tpu.core_type = #tpu.core_type<sc_vector_subcore>, window_params = [{transform_indices = #map}, {transform_indices = #map}, {transform_indices = #map}, {transform_indices = #map1}, {transform_indices = #map1}, {transform_indices = #map1}]} {
    %mul3A = arith.constant 624 : i32
    %mul3A_0 = arith.muli %arg1, %mul3A : i32
    "tpu.region"() ({
      %run_scoped3A = tpu.sem_alloc : memref<!tpu.dma_semaphore, #tpu.memory_space<semaphore_mem>>
      %dma_start3A = arith.constant 0 : i32
      %dma_start3A_20 = tpu.memref_slice %arg12[%mul3A_0, %dma_start3A] : memref<10000x128xf32, #tpu.memory_space<vmem_shared>> -> memref<624x128xf32, #tpu.memory_space<vmem_shared>>
      %dma_start3A_21 = arith.constant 0 : i32
      %dma_start3A_22 = arith.constant 0 : i32
      %dma_start3A_23 = tpu.memref_slice %arg6[%dma_start3A_21, %dma_start3A_22] : memref<624x128xf32, #tpu.memory_space<hbm>> -> memref<624x128xf32, #tpu.memory_space<hbm>>
      tpu.enqueue_dma source(%dma_start3A_23 : memref<624x128xf32, #tpu.memory_space<hbm>>) target(%dma_start3A_20 : memref<624x128xf32, #tpu.memory_space<vmem_shared>>) target_semaphore(%run_scoped3A : memref<!tpu.dma_semaphore, #tpu.memory_space<semaphore_mem>>)
      %dma_wait3A = arith.constant 0 : i32
      %dma_wait3A_24 = tpu.memref_slice %arg12[%mul3A_0, %dma_wait3A] : memref<10000x128xf32, #tpu.memory_space<vmem_shared>> -> memref<624x128xf32, #tpu.memory_space<vmem_shared>>
      %dma_wait3A_25 = arith.constant 0 : i32
      %dma_wait3A_26 = arith.constant 0 : i32
      %dma_wait3A_27 = tpu.memref_slice %arg6[%dma_wait3A_25, %dma_wait3A_26] : memref<624x128xf32, #tpu.memory_space<hbm>> -> memref<624x128xf32, #tpu.memory_space<hbm>>
      tpu.wait_dma2 semaphore(%run_scoped3A : memref<!tpu.dma_semaphore, #tpu.memory_space<semaphore_mem>>) src(%dma_wait3A_27 : memref<624x128xf32, #tpu.memory_space<hbm>>) dst(%dma_wait3A_24 : memref<624x128xf32, #tpu.memory_space<vmem_shared>>)
      tpu.yield
    }) : () -> ()
    %eq3A = arith.constant 15 : i32
    %eq3A_1 = arith.cmpi eq, %arg1, %eq3A : i32
    %convert_element_type3A = arith.extui %eq3A_1 : i1 to i32
    %cond3A = arith.constant 0 : i32
    %cond3A_2 = arith.cmpi ne, %convert_element_type3A, %cond3A : i32
    scf.if %cond3A_2 {
      "tpu.region"() ({
        %run_scoped3A = tpu.sem_alloc : memref<!tpu.dma_semaphore, #tpu.memory_space<semaphore_mem>>
        %dma_start3A = arith.constant 9984 : i32
        %dma_start3A_20 = arith.constant 0 : i32
        %dma_start3A_21 = tpu.memref_slice %arg12[%dma_start3A, %dma_start3A_20] : memref<10000x128xf32, #tpu.memory_space<vmem_shared>> -> memref<16x128xf32, #tpu.memory_space<vmem_shared>>
        %dma_start3A_22 = arith.constant 0 : i32
        %dma_start3A_23 = arith.constant 0 : i32
        %dma_start3A_24 = tpu.memref_slice %arg6[%dma_start3A_22, %dma_start3A_23] : memref<624x128xf32, #tpu.memory_space<hbm>> -> memref<16x128xf32, #tpu.memory_space<hbm>>
        tpu.enqueue_dma source(%dma_start3A_24 : memref<16x128xf32, #tpu.memory_space<hbm>>) target(%dma_start3A_21 : memref<16x128xf32, #tpu.memory_space<vmem_shared>>) target_semaphore(%run_scoped3A : memref<!tpu.dma_semaphore, #tpu.memory_space<semaphore_mem>>)
        %dma_wait3A = arith.constant 9984 : i32
        %dma_wait3A_25 = arith.constant 0 : i32
        %dma_wait3A_26 = tpu.memref_slice %arg12[%dma_wait3A, %dma_wait3A_25] : memref<10000x128xf32, #tpu.memory_space<vmem_shared>> -> memref<16x128xf32, #tpu.memory_space<vmem_shared>>
        %dma_wait3A_27 = arith.constant 0 : i32
        %dma_wait3A_28 = arith.constant 0 : i32
        %dma_wait3A_29 = tpu.memref_slice %arg6[%dma_wait3A_27, %dma_wait3A_28] : memref<624x128xf32, #tpu.memory_space<hbm>> -> memref<16x128xf32, #tpu.memory_space<hbm>>
        tpu.wait_dma2 semaphore(%run_scoped3A : memref<!tpu.dma_semaphore, #tpu.memory_space<semaphore_mem>>) src(%dma_wait3A_29 : memref<16x128xf32, #tpu.memory_space<hbm>>) dst(%dma_wait3A_26 : memref<16x128xf32, #tpu.memory_space<vmem_shared>>)
        tpu.yield
      }) : () -> ()
    } else {
    }
    %barrier3A = arith.constant 0 : index
    tpu.barrier barrier_id(%barrier3A)
    %mul3A_3 = arith.constant 10000 : i32
    %mul3A_4 = arith.muli %arg0, %mul3A_3 : i32
    %mul3A_5 = arith.constant 20000 : i32
    %mul3A_6 = arith.muli %arg1, %mul3A_5 : i32
    %scan3A = arith.constant 0 : i32
    %scan3A_7 = arith.constant 0 : i32
    %scan3A_8 = arith.constant 250 : i32
    %scan3A_9 = arith.addi %scan3A_7, %scan3A_8 : i32
    %scan3A_10 = arith.constant 1 : i32
    scf.for %scan3A_20 = %scan3A_7 to %scan3A_9 step %scan3A_10  : i32 {
      %mul3A_21 = arith.constant 80 : i32
      %mul3A_22 = arith.muli %scan3A_20, %mul3A_21 : i32
      %add3A_23 = arith.addi %mul3A_6, %mul3A_22 : i32
      %multiple_of3A = tpu.assume_multiple %add3A_23, 80 : i32
      "tpu.region"() ({
        %run_scoped3A = tpu.sem_alloc : memref<!tpu.dma_semaphore, #tpu.memory_space<semaphore_mem>>
        %dma_start3A_80 = tpu.memref_slice %arg3[%multiple_of3A] : memref<320000xi32, #tpu.memory_space<hbm>> -> memref<80xi32, #tpu.memory_space<hbm>>
        %dma_start3A_81 = tpu.memref_slice %arg3[%multiple_of3A] : memref<320000xi32, #tpu.memory_space<hbm>> -> memref<80xi32, #tpu.memory_space<hbm>>
        tpu.enqueue_dma source(%dma_start3A_81 : memref<80xi32, #tpu.memory_space<hbm>>) target(%arg8 : memref<80xi32, #tpu.memory_space<vmem>>) target_semaphore(%run_scoped3A : memref<!tpu.dma_semaphore, #tpu.memory_space<semaphore_mem>>)
        %dma_wait3A_82 = tpu.memref_slice %arg3[%multiple_of3A] : memref<320000xi32, #tpu.memory_space<hbm>> -> memref<80xi32, #tpu.memory_space<hbm>>
        %dma_wait3A_83 = tpu.memref_slice %arg3[%multiple_of3A] : memref<320000xi32, #tpu.memory_space<hbm>> -> memref<80xi32, #tpu.memory_space<hbm>>
        tpu.wait_dma2 semaphore(%run_scoped3A : memref<!tpu.dma_semaphore, #tpu.memory_space<semaphore_mem>>) src(%dma_wait3A_83 : memref<80xi32, #tpu.memory_space<hbm>>) dst(%arg8 : memref<80xi32, #tpu.memory_space<vmem>>)
        tpu.yield
      }) : () -> ()
      "tpu.region"() ({
        %run_scoped3A = tpu.sem_alloc : memref<!tpu.dma_semaphore, #tpu.memory_space<semaphore_mem>>
        %dma_start3A_80 = tpu.memref_slice %arg2[%multiple_of3A] : memref<320000xi32, #tpu.memory_space<hbm>> -> memref<80xi32, #tpu.memory_space<hbm>>
        %dma_start3A_81 = tpu.memref_slice %arg2[%multiple_of3A] : memref<320000xi32, #tpu.memory_space<hbm>> -> memref<80xi32, #tpu.memory_space<hbm>>
        tpu.enqueue_dma source(%dma_start3A_81 : memref<80xi32, #tpu.memory_space<hbm>>) target(%arg9 : memref<80xi32, #tpu.memory_space<vmem>>) target_semaphore(%run_scoped3A : memref<!tpu.dma_semaphore, #tpu.memory_space<semaphore_mem>>)
        %dma_wait3A_82 = tpu.memref_slice %arg2[%multiple_of3A] : memref<320000xi32, #tpu.memory_space<hbm>> -> memref<80xi32, #tpu.memory_space<hbm>>
        %dma_wait3A_83 = tpu.memref_slice %arg2[%multiple_of3A] : memref<320000xi32, #tpu.memory_space<hbm>> -> memref<80xi32, #tpu.memory_space<hbm>>
        tpu.wait_dma2 semaphore(%run_scoped3A : memref<!tpu.dma_semaphore, #tpu.memory_space<semaphore_mem>>) src(%dma_wait3A_83 : memref<80xi32, #tpu.memory_space<hbm>>) dst(%arg9 : memref<80xi32, #tpu.memory_space<vmem>>)
        tpu.yield
      }) : () -> ()
      %mul3A_24 = arith.constant 320000 : i32
      %mul3A_25 = arith.muli %arg0, %mul3A_24 : i32
      %add3A_26 = arith.addi %mul3A_25, %multiple_of3A : i32
      "tpu.region"() ({
        %run_scoped3A = tpu.sem_alloc : memref<!tpu.dma_semaphore, #tpu.memory_space<semaphore_mem>>
        %dma_start3A_80 = tpu.memref_slice %arg4[%add3A_26] : memref<640000xf32, #tpu.memory_space<hbm>> -> memref<80xf32, #tpu.memory_space<hbm>>
        %dma_start3A_81 = tpu.memref_slice %arg4[%add3A_26] : memref<640000xf32, #tpu.memory_space<hbm>> -> memref<80xf32, #tpu.memory_space<hbm>>
        tpu.enqueue_dma source(%dma_start3A_81 : memref<80xf32, #tpu.memory_space<hbm>>) target(%arg11 : memref<80xf32, #tpu.memory_space<vmem>>) target_semaphore(%run_scoped3A : memref<!tpu.dma_semaphore, #tpu.memory_space<semaphore_mem>>)
        %dma_wait3A_82 = tpu.memref_slice %arg4[%add3A_26] : memref<640000xf32, #tpu.memory_space<hbm>> -> memref<80xf32, #tpu.memory_space<hbm>>
        %dma_wait3A_83 = tpu.memref_slice %arg4[%add3A_26] : memref<640000xf32, #tpu.memory_space<hbm>> -> memref<80xf32, #tpu.memory_space<hbm>>
        tpu.wait_dma2 semaphore(%run_scoped3A : memref<!tpu.dma_semaphore, #tpu.memory_space<semaphore_mem>>) src(%dma_wait3A_83 : memref<80xf32, #tpu.memory_space<hbm>>) dst(%arg11 : memref<80xf32, #tpu.memory_space<vmem>>)
        tpu.yield
      }) : () -> ()
      %get3A = arith.constant 0 : index
      %get3A_27 = tpu.vector_load %arg8[%get3A] {strides = array<i32>} : memref<80xi32, #tpu.memory_space<vmem>>, vector<16xi32>,
      %get3A_28 = vector.shape_cast %get3A_27 : vector<16xi32> to vector<16xi32>
      %add3A_29 = vector.broadcast %mul3A_4 : i32 to vector<16xi32>
      %add3A_30 = arith.addi %get3A_28, %add3A_29 : vector<16xi32>
      %swap3A = arith.constant 0 : index
      %swap3A_31 = tpu.vector_load %arg8[%swap3A] {strides = array<i32>} : memref<80xi32, #tpu.memory_space<vmem>>, vector<16xi32>,
      %swap3A_32 = vector.shape_cast %swap3A_31 : vector<16xi32> to vector<16xi32>
      %swap3A_33 = vector.shape_cast %add3A_30 : vector<16xi32> to vector<16xi32>
      tpu.vector_store %arg8[%swap3A], %swap3A_33 {strides = array<i32>} : memref<80xi32, #tpu.memory_space<vmem>>, vector<16xi32>,
      %get3A_34 = arith.constant 16 : index
      %get3A_35 = tpu.vector_load %arg8[%get3A_34] {strides = array<i32>} : memref<80xi32, #tpu.memory_space<vmem>>, vector<16xi32>,
      %get3A_36 = vector.shape_cast %get3A_35 : vector<16xi32> to vector<16xi32>
      %add3A_37 = vector.broadcast %mul3A_4 : i32 to vector<16xi32>
      %add3A_38 = arith.addi %get3A_36, %add3A_37 : vector<16xi32>
      %swap3A_39 = arith.constant 16 : index
      %swap3A_40 = tpu.vector_load %arg8[%swap3A_39] {strides = array<i32>} : memref<80xi32, #tpu.memory_space<vmem>>, vector<16xi32>,
      %swap3A_41 = vector.shape_cast %swap3A_40 : vector<16xi32> to vector<16xi32>
      %swap3A_42 = vector.shape_cast %add3A_38 : vector<16xi32> to vector<16xi32>
      tpu.vector_store %arg8[%swap3A_39], %swap3A_42 {strides = array<i32>} : memref<80xi32, #tpu.memory_space<vmem>>, vector<16xi32>,
      %get3A_43 = arith.constant 32 : index
      %get3A_44 = tpu.vector_load %arg8[%get3A_43] {strides = array<i32>} : memref<80xi32, #tpu.memory_space<vmem>>, vector<16xi32>,
      %get3A_45 = vector.shape_cast %get3A_44 : vector<16xi32> to vector<16xi32>
      %add3A_46 = vector.broadcast %mul3A_4 : i32 to vector<16xi32>
      %add3A_47 = arith.addi %get3A_45, %add3A_46 : vector<16xi32>
      %swap3A_48 = arith.constant 32 : index
      %swap3A_49 = tpu.vector_load %arg8[%swap3A_48] {strides = array<i32>} : memref<80xi32, #tpu.memory_space<vmem>>, vector<16xi32>,
      %swap3A_50 = vector.shape_cast %swap3A_49 : vector<16xi32> to vector<16xi32>
      %swap3A_51 = vector.shape_cast %add3A_47 : vector<16xi32> to vector<16xi32>
      tpu.vector_store %arg8[%swap3A_48], %swap3A_51 {strides = array<i32>} : memref<80xi32, #tpu.memory_space<vmem>>, vector<16xi32>,
      %get3A_52 = arith.constant 48 : index
      %get3A_53 = tpu.vector_load %arg8[%get3A_52] {strides = array<i32>} : memref<80xi32, #tpu.memory_space<vmem>>, vector<16xi32>,
      %get3A_54 = vector.shape_cast %get3A_53 : vector<16xi32> to vector<16xi32>
      %add3A_55 = vector.broadcast %mul3A_4 : i32 to vector<16xi32>
      %add3A_56 = arith.addi %get3A_54, %add3A_55 : vector<16xi32>
      %swap3A_57 = arith.constant 48 : index
      %swap3A_58 = tpu.vector_load %arg8[%swap3A_57] {strides = array<i32>} : memref<80xi32, #tpu.memory_space<vmem>>, vector<16xi32>,
      %swap3A_59 = vector.shape_cast %swap3A_58 : vector<16xi32> to vector<16xi32>
      %swap3A_60 = vector.shape_cast %add3A_56 : vector<16xi32> to vector<16xi32>
      tpu.vector_store %arg8[%swap3A_57], %swap3A_60 {strides = array<i32>} : memref<80xi32, #tpu.memory_space<vmem>>, vector<16xi32>,
      %get3A_61 = arith.constant 64 : index
      %get3A_62 = tpu.vector_load %arg8[%get3A_61] {strides = array<i32>} : memref<80xi32, #tpu.memory_space<vmem>>, vector<16xi32>,
      %get3A_63 = vector.shape_cast %get3A_62 : vector<16xi32> to vector<16xi32>
      %add3A_64 = vector.broadcast %mul3A_4 : i32 to vector<16xi32>
      %add3A_65 = arith.addi %get3A_63, %add3A_64 : vector<16xi32>
      %swap3A_66 = arith.constant 64 : index
      %swap3A_67 = tpu.vector_load %arg8[%swap3A_66] {strides = array<i32>} : memref<80xi32, #tpu.memory_space<vmem>>, vector<16xi32>,
      %swap3A_68 = vector.shape_cast %swap3A_67 : vector<16xi32> to vector<16xi32>
      %swap3A_69 = vector.shape_cast %add3A_65 : vector<16xi32> to vector<16xi32>
      tpu.vector_store %arg8[%swap3A_66], %swap3A_69 {strides = array<i32>} : memref<80xi32, #tpu.memory_space<vmem>>, vector<16xi32>,
      %dma_start3A = arith.constant 0 : i32
      %dma_start3A_70 = arith.constant 0 : i32
      %dma_start3A_71 = tpu.memref_slice %arg5[%dma_start3A, %dma_start3A_70] : memref<20000x128xf32, #tpu.memory_space<hbm>> -> memref<20000x128xf32, #tpu.memory_space<hbm>>
      tpu.enqueue_indirect_dma source(%dma_start3A_71 : memref<20000x128xf32, #tpu.memory_space<hbm>>) target(%arg10 : memref<80x128xf32, #tpu.memory_space<vmem>>) offsets(%arg8 : memref<80xi32, #tpu.memory_space<vmem>>) semaphore(%arg13 : memref<!tpu.dma_semaphore, #tpu.memory_space<semaphore_mem>>)
      %dma_wait3A = arith.constant 0 : i32
      %dma_wait3A_72 = arith.constant 0 : i32
      %dma_wait3A_73 = tpu.memref_slice %arg5[%dma_wait3A, %dma_wait3A_72] : memref<20000x128xf32, #tpu.memory_space<hbm>> -> memref<20000x128xf32, #tpu.memory_space<hbm>>
      tpu.wait_indirect_dma semaphore(%arg13 : memref<!tpu.dma_semaphore, #tpu.memory_space<semaphore_mem>>) src(%dma_wait3A_73 : memref<20000x128xf32, #tpu.memory_space<hbm>>) dst(%arg10 : memref<80x128xf32, #tpu.memory_space<vmem>>)
      %scan3A_74 = arith.constant 0 : i32
      %scan3A_75 = arith.constant 0 : i32
      %scan3A_76 = arith.constant 5 : i32
      %scan3A_77 = arith.addi %scan3A_75, %scan3A_76 : i32
      %scan3A_78 = arith.constant 1 : i32
      scf.for %scan3A_80 = %scan3A_75 to %scan3A_77 step %scan3A_78  : i32 {
        %mul3A_81 = arith.constant 16 : i32
        %mul3A_82 = arith.muli %scan3A_80, %mul3A_81 : i32
        %get3A_83 = arith.index_cast %mul3A_82 : i32 to index
        %get3A_84 = tpu.vector_load %arg11[%get3A_83] {strides = array<i32>} : memref<80xf32, #tpu.memory_space<vmem>>, vector<16xf32>,
        %get3A_85 = vector.shape_cast %get3A_84 : vector<16xf32> to vector<16xf32>
        %mul3A_86 = arith.constant 16 : i32
        %mul3A_87 = arith.muli %scan3A_80, %mul3A_86 : i32
        %add3A_88 = arith.constant 0 : i32
        %add3A_89 = arith.addi %mul3A_87, %add3A_88 : i32
        %slice3A = vector.extract_strided_slice %get3A_85 {offsets = [0], sizes = [1], strides = [1]} : vector<16xf32> to vector<1xf32>
        %squeeze3A = vector.extract %slice3A[0] : f32 from vector<1xf32>
        %get3A_90 = arith.index_cast %add3A_89 : i32 to index
        %get3A_91 = arith.constant 0 : index
        %get3A_92 = tpu.vector_load %arg10[%get3A_90, %get3A_91] {strides = array<i32>} : memref<80x128xf32, #tpu.memory_space<vmem>>, vector<1x16xf32>,
        %get3A_93 = vector.shape_cast %get3A_92 : vector<1x16xf32> to vector<16xf32>
        %mul3A_94 = vector.broadcast %squeeze3A : f32 to vector<16xf32>
        %mul3A_95 = arith.mulf %get3A_93, %mul3A_94 : vector<16xf32>
        %swap3A_96 = arith.index_cast %add3A_89 : i32 to index
        %swap3A_97 = arith.constant 0 : index
        %swap3A_98 = tpu.vector_load %arg10[%swap3A_96, %swap3A_97] {strides = array<i32>} : memref<80x128xf32, #tpu.memory_space<vmem>>, vector<1x16xf32>,
        %swap3A_99 = vector.shape_cast %swap3A_98 : vector<1x16xf32> to vector<16xf32>
        %swap3A_100 = vector.shape_cast %mul3A_95 : vector<16xf32> to vector<1x16xf32>
        tpu.vector_store %arg10[%swap3A_96, %swap3A_97], %swap3A_100 {strides = array<i32>} : memref<80x128xf32, #tpu.memory_space<vmem>>, vector<1x16xf32>,
        %get3A_101 = arith.index_cast %add3A_89 : i32 to index
        %get3A_102 = arith.constant 16 : index
        %get3A_103 = tpu.vector_load %arg10[%get3A_101, %get3A_102] {strides = array<i32>} : memref<80x128xf32, #tpu.memory_space<vmem>>, vector<1x16xf32>,
        %get3A_104 = vector.shape_cast %get3A_103 : vector<1x16xf32> to vector<16xf32>
        %mul3A_105 = vector.broadcast %squeeze3A : f32 to vector<16xf32>
        %mul3A_106 = arith.mulf %get3A_104, %mul3A_105 : vector<16xf32>
        %swap3A_107 = arith.index_cast %add3A_89 : i32 to index
        %swap3A_108 = arith.constant 16 : index
        %swap3A_109 = tpu.vector_load %arg10[%swap3A_107, %swap3A_108] {strides = array<i32>} : memref<80x128xf32, #tpu.memory_space<vmem>>, vector<1x16xf32>,
        %swap3A_110 = vector.shape_cast %swap3A_109 : vector<1x16xf32> to vector<16xf32>
        %swap3A_111 = vector.shape_cast %mul3A_106 : vector<16xf32> to vector<1x16xf32>
        tpu.vector_store %arg10[%swap3A_107, %swap3A_108], %swap3A_111 {strides = array<i32>} : memref<80x128xf32, #tpu.memory_space<vmem>>, vector<1x16xf32>,
        %get3A_112 = arith.index_cast %add3A_89 : i32 to index
        %get3A_113 = arith.constant 32 : index
        %get3A_114 = tpu.vector_load %arg10[%get3A_112, %get3A_113] {strides = array<i32>} : memref<80x128xf32, #tpu.memory_space<vmem>>, vector<1x16xf32>,
        %get3A_115 = vector.shape_cast %get3A_114 : vector<1x16xf32> to vector<16xf32>
        %mul3A_116 = vector.broadcast %squeeze3A : f32 to vector<16xf32>
        %mul3A_117 = arith.mulf %get3A_115, %mul3A_116 : vector<16xf32>
        %swap3A_118 = arith.index_cast %add3A_89 : i32 to index
        %swap3A_119 = arith.constant 32 : index
        %swap3A_120 = tpu.vector_load %arg10[%swap3A_118, %swap3A_119] {strides = array<i32>} : memref<80x128xf32, #tpu.memory_space<vmem>>, vector<1x16xf32>,
        %swap3A_121 = vector.shape_cast %swap3A_120 : vector<1x16xf32> to vector<16xf32>
        %swap3A_122 = vector.shape_cast %mul3A_117 : vector<16xf32> to vector<1x16xf32>
        tpu.vector_store %arg10[%swap3A_118, %swap3A_119], %swap3A_122 {strides = array<i32>} : memref<80x128xf32, #tpu.memory_space<vmem>>, vector<1x16xf32>,
        %get3A_123 = arith.index_cast %add3A_89 : i32 to index
        %get3A_124 = arith.constant 48 : index
        %get3A_125 = tpu.vector_load %arg10[%get3A_123, %get3A_124] {strides = array<i32>} : memref<80x128xf32, #tpu.memory_space<vmem>>, vector<1x16xf32>,
        %get3A_126 = vector.shape_cast %get3A_125 : vector<1x16xf32> to vector<16xf32>
        %mul3A_127 = vector.broadcast %squeeze3A : f32 to vector<16xf32>
        %mul3A_128 = arith.mulf %get3A_126, %mul3A_127 : vector<16xf32>
        %swap3A_129 = arith.index_cast %add3A_89 : i32 to index
        %swap3A_130 = arith.constant 48 : index
        %swap3A_131 = tpu.vector_load %arg10[%swap3A_129, %swap3A_130] {strides = array<i32>} : memref<80x128xf32, #tpu.memory_space<vmem>>, vector<1x16xf32>,
        %swap3A_132 = vector.shape_cast %swap3A_131 : vector<1x16xf32> to vector<16xf32>
        %swap3A_133 = vector.shape_cast %mul3A_128 : vector<16xf32> to vector<1x16xf32>
        tpu.vector_store %arg10[%swap3A_129, %swap3A_130], %swap3A_133 {strides = array<i32>} : memref<80x128xf32, #tpu.memory_space<vmem>>, vector<1x16xf32>,
        %get3A_134 = arith.index_cast %add3A_89 : i32 to index
        %get3A_135 = arith.constant 64 : index
        %get3A_136 = tpu.vector_load %arg10[%get3A_134, %get3A_135] {strides = array<i32>} : memref<80x128xf32, #tpu.memory_space<vmem>>, vector<1x16xf32>,
        %get3A_137 = vector.shape_cast %get3A_136 : vector<1x16xf32> to vector<16xf32>
        %mul3A_138 = vector.broadcast %squeeze3A : f32 to vector<16xf32>
        %mul3A_139 = arith.mulf %get3A_137, %mul3A_138 : vector<16xf32>
        %swap3A_140 = arith.index_cast %add3A_89 : i32 to index
        %swap3A_141 = arith.constant 64 : index
        %swap3A_142 = tpu.vector_load %arg10[%swap3A_140, %swap3A_141] {strides = array<i32>} : memref<80x128xf32, #tpu.memory_space<vmem>>, vector<1x16xf32>,
        %swap3A_143 = vector.shape_cast %swap3A_142 : vector<1x16xf32> to vector<16xf32>
        %swap3A_144 = vector.shape_cast %mul3A_139 : vector<16xf32> to vector<1x16xf32>
        tpu.vector_store %arg10[%swap3A_140, %swap3A_141], %swap3A_144 {strides = array<i32>} : memref<80x128xf32, #tpu.memory_space<vmem>>, vector<1x16xf32>,
        %get3A_145 = arith.index_cast %add3A_89 : i32 to index
        %get3A_146 = arith.constant 80 : index
        %get3A_147 = tpu.vector_load %arg10[%get3A_145, %get3A_146] {strides = array<i32>} : memref<80x128xf32, #tpu.memory_space<vmem>>, vector<1x16xf32>,
        %get3A_148 = vector.shape_cast %get3A_147 : vector<1x16xf32> to vector<16xf32>
        %mul3A_149 = vector.broadcast %squeeze3A : f32 to vector<16xf32>
        %mul3A_150 = arith.mulf %get3A_148, %mul3A_149 : vector<16xf32>
        %swap3A_151 = arith.index_cast %add3A_89 : i32 to index
        %swap3A_152 = arith.constant 80 : index
        %swap3A_153 = tpu.vector_load %arg10[%swap3A_151, %swap3A_152] {strides = array<i32>} : memref<80x128xf32, #tpu.memory_space<vmem>>, vector<1x16xf32>,
        %swap3A_154 = vector.shape_cast %swap3A_153 : vector<1x16xf32> to vector<16xf32>
        %swap3A_155 = vector.shape_cast %mul3A_150 : vector<16xf32> to vector<1x16xf32>
        tpu.vector_store %arg10[%swap3A_151, %swap3A_152], %swap3A_155 {strides = array<i32>} : memref<80x128xf32, #tpu.memory_space<vmem>>, vector<1x16xf32>,
        %get3A_156 = arith.index_cast %add3A_89 : i32 to index
        %get3A_157 = arith.constant 96 : index
        %get3A_158 = tpu.vector_load %arg10[%get3A_156, %get3A_157] {strides = array<i32>} : memref<80x128xf32, #tpu.memory_space<vmem>>, vector<1x16xf32>,
        %get3A_159 = vector.shape_cast %get3A_158 : vector<1x16xf32> to vector<16xf32>
        %mul3A_160 = vector.broadcast %squeeze3A : f32 to vector<16xf32>
        %mul3A_161 = arith.mulf %get3A_159, %mul3A_160 : vector<16xf32>
        %swap3A_162 = arith.index_cast %add3A_89 : i32 to index
        %swap3A_163 = arith.constant 96 : index
        %swap3A_164 = tpu.vector_load %arg10[%swap3A_162, %swap3A_163] {strides = array<i32>} : memref<80x128xf32, #tpu.memory_space<vmem>>, vector<1x16xf32>,
        %swap3A_165 = vector.shape_cast %swap3A_164 : vector<1x16xf32> to vector<16xf32>
        %swap3A_166 = vector.shape_cast %mul3A_161 : vector<16xf32> to vector<1x16xf32>
        tpu.vector_store %arg10[%swap3A_162, %swap3A_163], %swap3A_166 {strides = array<i32>} : memref<80x128xf32, #tpu.memory_space<vmem>>, vector<1x16xf32>,
        %get3A_167 = arith.index_cast %add3A_89 : i32 to index
        %get3A_168 = arith.constant 112 : index
        %get3A_169 = tpu.vector_load %arg10[%get3A_167, %get3A_168] {strides = array<i32>} : memref<80x128xf32, #tpu.memory_space<vmem>>, vector<1x16xf32>,
        %get3A_170 = vector.shape_cast %get3A_169 : vector<1x16xf32> to vector<16xf32>
        %mul3A_171 = vector.broadcast %squeeze3A : f32 to vector<16xf32>
        %mul3A_172 = arith.mulf %get3A_170, %mul3A_171 : vector<16xf32>
        %swap3A_173 = arith.index_cast %add3A_89 : i32 to index
        %swap3A_174 = arith.constant 112 : index
        %swap3A_175 = tpu.vector_load %arg10[%swap3A_173, %swap3A_174] {strides = array<i32>} : memref<80x128xf32, #tpu.memory_space<vmem>>, vector<1x16xf32>,
        %swap3A_176 = vector.shape_cast %swap3A_175 : vector<1x16xf32> to vector<16xf32>
        %swap3A_177 = vector.shape_cast %mul3A_172 : vector<16xf32> to vector<1x16xf32>
        tpu.vector_store %arg10[%swap3A_173, %swap3A_174], %swap3A_177 {strides = array<i32>} : memref<80x128xf32, #tpu.memory_space<vmem>>, vector<1x16xf32>,
        %mul3A_178 = arith.constant 16 : i32
        %mul3A_179 = arith.muli %scan3A_80, %mul3A_178 : i32
        %add3A_180 = arith.constant 1 : i32
        %add3A_181 = arith.addi %mul3A_179, %add3A_180 : i32
        %slice3A_182 = vector.extract_strided_slice %get3A_85 {offsets = [1], sizes = [1], strides = [1]} : vector<16xf32> to vector<1xf32>
        %squeeze3A_183 = vector.extract %slice3A_182[0] : f32 from vector<1xf32>
        %get3A_184 = arith.index_cast %add3A_181 : i32 to index
        %get3A_185 = arith.constant 0 : index
        %get3A_186 = tpu.vector_load %arg10[%get3A_184, %get3A_185] {strides = array<i32>} : memref<80x128xf32, #tpu.memory_space<vmem>>, vector<1x16xf32>,
        %get3A_187 = vector.shape_cast %get3A_186 : vector<1x16xf32> to vector<16xf32>
        %mul3A_188 = vector.broadcast %squeeze3A_183 : f32 to vector<16xf32>
        %mul3A_189 = arith.mulf %get3A_187, %mul3A_188 : vector<16xf32>
        %swap3A_190 = arith.index_cast %add3A_181 : i32 to index
        %swap3A_191 = arith.constant 0 : index
        %swap3A_192 = tpu.vector_load %arg10[%swap3A_190, %swap3A_191] {strides = array<i32>} : memref<80x128xf32, #tpu.memory_space<vmem>>, vector<1x16xf32>,
        %swap3A_193 = vector.shape_cast %swap3A_192 : vector<1x16xf32> to vector<16xf32>
        %swap3A_194 = vector.shape_cast %mul3A_189 : vector<16xf32> to vector<1x16xf32>
        tpu.vector_store %arg10[%swap3A_190, %swap3A_191], %swap3A_194 {strides = array<i32>} : memref<80x128xf32, #tpu.memory_space<vmem>>, vector<1x16xf32>,
        %get3A_195 = arith.index_cast %add3A_181 : i32 to index
        %get3A_196 = arith.constant 16 : index
        %get3A_197 = tpu.vector_load %arg10[%get3A_195, %get3A_196] {strides = array<i32>} : memref<80x128xf32, #tpu.memory_space<vmem>>, vector<1x16xf32>,
        %get3A_198 = vector.shape_cast %get3A_197 : vector<1x16xf32> to vector<16xf32>
        %mul3A_199 = vector.broadcast %squeeze3A_183 : f32 to vector<16xf32>
        %mul3A_200 = arith.mulf %get3A_198, %mul3A_199 : vector<16xf32>
        %swap3A_201 = arith.index_cast %add3A_181 : i32 to index
        %swap3A_202 = arith.constant 16 : index
        %swap3A_203 = tpu.vector_load %arg10[%swap3A_201, %swap3A_202] {strides = array<i32>} : memref<80x128xf32, #tpu.memory_space<vmem>>, vector<1x16xf32>,
        %swap3A_204 = vector.shape_cast %swap3A_203 : vector<1x16xf32> to vector<16xf32>
        %swap3A_205 = vector.shape_cast %mul3A_200 : vector<16xf32> to vector<1x16xf32>
        tpu.vector_store %arg10[%swap3A_201, %swap3A_202], %swap3A_205 {strides = array<i32>} : memref<80x128xf32, #tpu.memory_space<vmem>>, vector<1x16xf32>,
        %get3A_206 = arith.index_cast %add3A_181 : i32 to index
        %get3A_207 = arith.constant 32 : index
        %get3A_208 = tpu.vector_load %arg10[%get3A_206, %get3A_207] {strides = array<i32>} : memref<80x128xf32, #tpu.memory_space<vmem>>, vector<1x16xf32>,
        %get3A_209 = vector.shape_cast %get3A_208 : vector<1x16xf32> to vector<16xf32>
        %mul3A_210 = vector.broadcast %squeeze3A_183 : f32 to vector<16xf32>
        %mul3A_211 = arith.mulf %get3A_209, %mul3A_210 : vector<16xf32>
        %swap3A_212 = arith.index_cast %add3A_181 : i32 to index
        %swap3A_213 = arith.constant 32 : index
        %swap3A_214 = tpu.vector_load %arg10[%swap3A_212, %swap3A_213] {strides = array<i32>} : memref<80x128xf32, #tpu.memory_space<vmem>>, vector<1x16xf32>,
        %swap3A_215 = vector.shape_cast %swap3A_214 : vector<1x16xf32> to vector<16xf32>
        %swap3A_216 = vector.shape_cast %mul3A_211 : vector<16xf32> to vector<1x16xf32>
        tpu.vector_store %arg10[%swap3A_212, %swap3A_213], %swap3A_216 {strides = array<i32>} : memref<80x128xf32, #tpu.memory_space<vmem>>, vector<1x16xf32>,
        %get3A_217 = arith.index_cast %add3A_181 : i32 to index
        %get3A_218 = arith.constant 48 : index
        %get3A_219 = tpu.vector_load %arg10[%get3A_217, %get3A_218] {strides = array<i32>} : memref<80x128xf32, #tpu.memory_space<vmem>>, vector<1x16xf32>,
        %get3A_220 = vector.shape_cast %get3A_219 : vector<1x16xf32> to vector<16xf32>
        %mul3A_221 = vector.broadcast %squeeze3A_183 : f32 to vector<16xf32>
        %mul3A_222 = arith.mulf %get3A_220, %mul3A_221 : vector<16xf32>
        %swap3A_223 = arith.index_cast %add3A_181 : i32 to index
        %swap3A_224 = arith.constant 48 : index
        %swap3A_225 = tpu.vector_load %arg10[%swap3A_223, %swap3A_224] {strides = array<i32>} : memref<80x128xf32, #tpu.memory_space<vmem>>, vector<1x16xf32>,
        %swap3A_226 = vector.shape_cast %swap3A_225 : vector<1x16xf32> to vector<16xf32>
        %swap3A_227 = vector.shape_cast %mul3A_222 : vector<16xf32> to vector<1x16xf32>
        tpu.vector_store %arg10[%swap3A_223, %swap3A_224], %swap3A_227 {strides = array<i32>} : memref<80x128xf32, #tpu.memory_space<vmem>>, vector<1x16xf32>,
        %get3A_228 = arith.index_cast %add3A_181 : i32 to index
        %get3A_229 = arith.constant 64 : index
        %get3A_230 = tpu.vector_load %arg10[%get3A_228, %get3A_229] {strides = array<i32>} : memref<80x128xf32, #tpu.memory_space<vmem>>, vector<1x16xf32>,
        %get3A_231 = vector.shape_cast %get3A_230 : vector<1x16xf32> to vector<16xf32>
        %mul3A_232 = vector.broadcast %squeeze3A_183 : f32 to vector<16xf32>
        %mul3A_233 = arith.mulf %get3A_231, %mul3A_232 : vector<16xf32>
        %swap3A_234 = arith.index_cast %add3A_181 : i32 to index
        %swap3A_235 = arith.constant 64 : index
        %swap3A_236 = tpu.vector_load %arg10[%swap3A_234, %swap3A_235] {strides = array<i32>} : memref<80x128xf32, #tpu.memory_space<vmem>>, vector<1x16xf32>,
        %swap3A_237 = vector.shape_cast %swap3A_236 : vector<1x16xf32> to vector<16xf32>
        %swap3A_238 = vector.shape_cast %mul3A_233 : vector<16xf32> to vector<1x16xf32>
        tpu.vector_store %arg10[%swap3A_234, %swap3A_235], %swap3A_238 {strides = array<i32>} : memref<80x128xf32, #tpu.memory_space<vmem>>, vector<1x16xf32>,
        %get3A_239 = arith.index_cast %add3A_181 : i32 to index
        %get3A_240 = arith.constant 80 : index
        %get3A_241 = tpu.vector_load %arg10[%get3A_239, %get3A_240] {strides = array<i32>} : memref<80x128xf32, #tpu.memory_space<vmem>>, vector<1x16xf32>,
        %get3A_242 = vector.shape_cast %get3A_241 : vector<1x16xf32> to vector<16xf32>
        %mul3A_243 = vector.broadcast %squeeze3A_183 : f32 to vector<16xf32>
        %mul3A_244 = arith.mulf %get3A_242, %mul3A_243 : vector<16xf32>
        %swap3A_245 = arith.index_cast %add3A_181 : i32 to index
        %swap3A_246 = arith.constant 80 : index
        %swap3A_247 = tpu.vector_load %arg10[%swap3A_245, %swap3A_246] {strides = array<i32>} : memref<80x128xf32, #tpu.memory_space<vmem>>, vector<1x16xf32>,
        %swap3A_248 = vector.shape_cast %swap3A_247 : vector<1x16xf32> to vector<16xf32>
        %swap3A_249 = vector.shape_cast %mul3A_244 : vector<16xf32> to vector<1x16xf32>
        tpu.vector_store %arg10[%swap3A_245, %swap3A_246], %swap3A_249 {strides = array<i32>} : memref<80x128xf32, #tpu.memory_space<vmem>>, vector<1x16xf32>,
        %get3A_250 = arith.index_cast %add3A_181 : i32 to index
        %get3A_251 = arith.constant 96 : index
        %get3A_252 = tpu.vector_load %arg10[%get3A_250, %get3A_251] {strides = array<i32>} : memref<80x128xf32, #tpu.memory_space<vmem>>, vector<1x16xf32>,
        %get3A_253 = vector.shape_cast %get3A_252 : vector<1x16xf32> to vector<16xf32>
        %mul3A_254 = vector.broadcast %squeeze3A_183 : f32 to vector<16xf32>
        %mul3A_255 = arith.mulf %get3A_253, %mul3A_254 : vector<16xf32>
        %swap3A_256 = arith.index_cast %add3A_181 : i32 to index
        %swap3A_257 = arith.constant 96 : index
        %swap3A_258 = tpu.vector_load %arg10[%swap3A_256, %swap3A_257] {strides = array<i32>} : memref<80x128xf32, #tpu.memory_space<vmem>>, vector<1x16xf32>,
        %swap3A_259 = vector.shape_cast %swap3A_258 : vector<1x16xf32> to vector<16xf32>
        %swap3A_260 = vector.shape_cast %mul3A_255 : vector<16xf32> to vector<1x16xf32>
        tpu.vector_store %arg10[%swap3A_256, %swap3A_257], %swap3A_260 {strides = array<i32>} : memref<80x128xf32, #tpu.memory_space<vmem>>, vector<1x16xf32>,
        %get3A_261 = arith.index_cast %add3A_181 : i32 to index
        %get3A_262 = arith.constant 112 : index
        %get3A_263 = tpu.vector_load %arg10[%get3A_261, %get3A_262] {strides = array<i32>} : memref<80x128xf32, #tpu.memory_space<vmem>>, vector<1x16xf32>,
        %get3A_264 = vector.shape_cast %get3A_263 : vector<1x16xf32> to vector<16xf32>
        %mul3A_265 = vector.broadcast %squeeze3A_183 : f32 to vector<16xf32>
        %mul3A_266 = arith.mulf %get3A_264, %mul3A_265 : vector<16xf32>
        %swap3A_267 = arith.index_cast %add3A_181 : i32 to index
        %swap3A_268 = arith.constant 112 : index
        %swap3A_269 = tpu.vector_load %arg10[%swap3A_267, %swap3A_268] {strides = array<i32>} : memref<80x128xf32, #tpu.memory_space<vmem>>, vector<1x16xf32>,
        %swap3A_270 = vector.shape_cast %swap3A_269 : vector<1x16xf32> to vector<16xf32>
        %swap3A_271 = vector.shape_cast %mul3A_266 : vector<16xf32> to vector<1x16xf32>
        tpu.vector_store %arg10[%swap3A_267, %swap3A_268], %swap3A_271 {strides = array<i32>} : memref<80x128xf32, #tpu.memory_space<vmem>>, vector<1x16xf32>,
        %mul3A_272 = arith.constant 16 : i32
        %mul3A_273 = arith.muli %scan3A_80, %mul3A_272 : i32
        %add3A_274 = arith.constant 2 : i32
        %add3A_275 = arith.addi %mul3A_273, %add3A_274 : i32
        %slice3A_276 = vector.extract_strided_slice %get3A_85 {offsets = [2], sizes = [1], strides = [1]} : vector<16xf32> to vector<1xf32>
        %squeeze3A_277 = vector.extract %slice3A_276[0] : f32 from vector<1xf32>
        %get3A_278 = arith.index_cast %add3A_275 : i32 to index
        %get3A_279 = arith.constant 0 : index
        %get3A_280 = tpu.vector_load %arg10[%get3A_278, %get3A_279] {strides = array<i32>} : memref<80x128xf32, #tpu.memory_space<vmem>>, vector<1x16xf32>,
        %get3A_281 = vector.shape_cast %get3A_280 : vector<1x16xf32> to vector<16xf32>
        %mul3A_282 = vector.broadcast %squeeze3A_277 : f32 to vector<16xf32>
        %mul3A_283 = arith.mulf %get3A_281, %mul3A_282 : vector<16xf32>
        %swap3A_284 = arith.index_cast %add3A_275 : i32 to index
        %swap3A_285 = arith.constant 0 : index
        %swap3A_286 = tpu.vector_load %arg10[%swap3A_284, %swap3A_285] {strides = array<i32>} : memref<80x128xf32, #tpu.memory_space<vmem>>, vector<1x16xf32>,
        %swap3A_287 = vector.shape_cast %swap3A_286 : vector<1x16xf32> to vector<16xf32>
        %swap3A_288 = vector.shape_cast %mul3A_283 : vector<16xf32> to vector<1x16xf32>
        tpu.vector_store %arg10[%swap3A_284, %swap3A_285], %swap3A_288 {strides = array<i32>} : memref<80x128xf32, #tpu.memory_space<vmem>>, vector<1x16xf32>,
        %get3A_289 = arith.index_cast %add3A_275 : i32 to index
        %get3A_290 = arith.constant 16 : index
        %get3A_291 = tpu.vector_load %arg10[%get3A_289, %get3A_290] {strides = array<i32>} : memref<80x128xf32, #tpu.memory_space<vmem>>, vector<1x16xf32>,
        %get3A_292 = vector.shape_cast %get3A_291 : vector<1x16xf32> to vector<16xf32>
        %mul3A_293 = vector.broadcast %squeeze3A_277 : f32 to vector<16xf32>
        %mul3A_294 = arith.mulf %get3A_292, %mul3A_293 : vector<16xf32>
        %swap3A_295 = arith.index_cast %add3A_275 : i32 to index
        %swap3A_296 = arith.constant 16 : index
        %swap3A_297 = tpu.vector_load %arg10[%swap3A_295, %swap3A_296] {strides = array<i32>} : memref<80x128xf32, #tpu.memory_space<vmem>>, vector<1x16xf32>,
        %swap3A_298 = vector.shape_cast %swap3A_297 : vector<1x16xf32> to vector<16xf32>
        %swap3A_299 = vector.shape_cast %mul3A_294 : vector<16xf32> to vector<1x16xf32>
        tpu.vector_store %arg10[%swap3A_295, %swap3A_296], %swap3A_299 {strides = array<i32>} : memref<80x128xf32, #tpu.memory_space<vmem>>, vector<1x16xf32>,
        %get3A_300 = arith.index_cast %add3A_275 : i32 to index
        %get3A_301 = arith.constant 32 : index
        %get3A_302 = tpu.vector_load %arg10[%get3A_300, %get3A_301] {strides = array<i32>} : memref<80x128xf32, #tpu.memory_space<vmem>>, vector<1x16xf32>,
        %get3A_303 = vector.shape_cast %get3A_302 : vector<1x16xf32> to vector<16xf32>
        %mul3A_304 = vector.broadcast %squeeze3A_277 : f32 to vector<16xf32>
        %mul3A_305 = arith.mulf %get3A_303, %mul3A_304 : vector<16xf32>
        %swap3A_306 = arith.index_cast %add3A_275 : i32 to index
        %swap3A_307 = arith.constant 32 : index
        %swap3A_308 = tpu.vector_load %arg10[%swap3A_306, %swap3A_307] {strides = array<i32>} : memref<80x128xf32, #tpu.memory_space<vmem>>, vector<1x16xf32>,
        %swap3A_309 = vector.shape_cast %swap3A_308 : vector<1x16xf32> to vector<16xf32>
        %swap3A_310 = vector.shape_cast %mul3A_305 : vector<16xf32> to vector<1x16xf32>
        tpu.vector_store %arg10[%swap3A_306, %swap3A_307], %swap3A_310 {strides = array<i32>} : memref<80x128xf32, #tpu.memory_space<vmem>>, vector<1x16xf32>,
        %get3A_311 = arith.index_cast %add3A_275 : i32 to index
        %get3A_312 = arith.constant 48 : index
        %get3A_313 = tpu.vector_load %arg10[%get3A_311, %get3A_312] {strides = array<i32>} : memref<80x128xf32, #tpu.memory_space<vmem>>, vector<1x16xf32>,
        %get3A_314 = vector.shape_cast %get3A_313 : vector<1x16xf32> to vector<16xf32>
        %mul3A_315 = vector.broadcast %squeeze3A_277 : f32 to vector<16xf32>
        %mul3A_316 = arith.mulf %get3A_314, %mul3A_315 : vector<16xf32>
        %swap3A_317 = arith.index_cast %add3A_275 : i32 to index
        %swap3A_318 = arith.constant 48 : index
        %swap3A_319 = tpu.vector_load %arg10[%swap3A_317, %swap3A_318] {strides = array<i32>} : memref<80x128xf32, #tpu.memory_space<vmem>>, vector<1x16xf32>,
        %swap3A_320 = vector.shape_cast %swap3A_319 : vector<1x16xf32> to vector<16xf32>
        %swap3A_321 = vector.shape_cast %mul3A_316 : vector<16xf32> to vector<1x16xf32>
        tpu.vector_store %arg10[%swap3A_317, %swap3A_318], %swap3A_321 {strides = array<i32>} : memref<80x128xf32, #tpu.memory_space<vmem>>, vector<1x16xf32>,
        %get3A_322 = arith.index_cast %add3A_275 : i32 to index
        %get3A_323 = arith.constant 64 : index
        %get3A_324 = tpu.vector_load %arg10[%get3A_322, %get3A_323] {strides = array<i32>} : memref<80x128xf32, #tpu.memory_space<vmem>>, vector<1x16xf32>,
        %get3A_325 = vector.shape_cast %get3A_324 : vector<1x16xf32> to vector<16xf32>
        %mul3A_326 = vector.broadcast %squeeze3A_277 : f32 to vector<16xf32>
        %mul3A_327 = arith.mulf %get3A_325, %mul3A_326 : vector<16xf32>
        %swap3A_328 = arith.index_cast %add3A_275 : i32 to index
        %swap3A_329 = arith.constant 64 : index
        %swap3A_330 = tpu.vector_load %arg10[%swap3A_328, %swap3A_329] {strides = array<i32>} : memref<80x128xf32, #tpu.memory_space<vmem>>, vector<1x16xf32>,
        %swap3A_331 = vector.shape_cast %swap3A_330 : vector<1x16xf32> to vector<16xf32>
        %swap3A_332 = vector.shape_cast %mul3A_327 : vector<16xf32> to vector<1x16xf32>
        tpu.vector_store %arg10[%swap3A_328, %swap3A_329], %swap3A_332 {strides = array<i32>} : memref<80x128xf32, #tpu.memory_space<vmem>>, vector<1x16xf32>,
        %get3A_333 = arith.index_cast %add3A_275 : i32 to index
        %get3A_334 = arith.constant 80 : index
        %get3A_335 = tpu.vector_load %arg10[%get3A_333, %get3A_334] {strides = array<i32>} : memref<80x128xf32, #tpu.memory_space<vmem>>, vector<1x16xf32>,
        %get3A_336 = vector.shape_cast %get3A_335 : vector<1x16xf32> to vector<16xf32>
        %mul3A_337 = vector.broadcast %squeeze3A_277 : f32 to vector<16xf32>
        %mul3A_338 = arith.mulf %get3A_336, %mul3A_337 : vector<16xf32>
        %swap3A_339 = arith.index_cast %add3A_275 : i32 to index
        %swap3A_340 = arith.constant 80 : index
        %swap3A_341 = tpu.vector_load %arg10[%swap3A_339, %swap3A_340] {strides = array<i32>} : memref<80x128xf32, #tpu.memory_space<vmem>>, vector<1x16xf32>,
        %swap3A_342 = vector.shape_cast %swap3A_341 : vector<1x16xf32> to vector<16xf32>
        %swap3A_343 = vector.shape_cast %mul3A_338 : vector<16xf32> to vector<1x16xf32>
        tpu.vector_store %arg10[%swap3A_339, %swap3A_340], %swap3A_343 {strides = array<i32>} : memref<80x128xf32, #tpu.memory_space<vmem>>, vector<1x16xf32>,
        %get3A_344 = arith.index_cast %add3A_275 : i32 to index
        %get3A_345 = arith.constant 96 : index
        %get3A_346 = tpu.vector_load %arg10[%get3A_344, %get3A_345] {strides = array<i32>} : memref<80x128xf32, #tpu.memory_space<vmem>>, vector<1x16xf32>,
        %get3A_347 = vector.shape_cast %get3A_346 : vector<1x16xf32> to vector<16xf32>
        %mul3A_348 = vector.broadcast %squeeze3A_277 : f32 to vector<16xf32>
        %mul3A_349 = arith.mulf %get3A_347, %mul3A_348 : vector<16xf32>
        %swap3A_350 = arith.index_cast %add3A_275 : i32 to index
        %swap3A_351 = arith.constant 96 : index
        %swap3A_352 = tpu.vector_load %arg10[%swap3A_350, %swap3A_351] {strides = array<i32>} : memref<80x128xf32, #tpu.memory_space<vmem>>, vector<1x16xf32>,
        %swap3A_353 = vector.shape_cast %swap3A_352 : vector<1x16xf32> to vector<16xf32>
        %swap3A_354 = vector.shape_cast %mul3A_349 : vector<16xf32> to vector<1x16xf32>
        tpu.vector_store %arg10[%swap3A_350, %swap3A_351], %swap3A_354 {strides = array<i32>} : memref<80x128xf32, #tpu.memory_space<vmem>>, vector<1x16xf32>,
        %get3A_355 = arith.index_cast %add3A_275 : i32 to index
        %get3A_356 = arith.constant 112 : index
        %get3A_357 = tpu.vector_load %arg10[%get3A_355, %get3A_356] {strides = array<i32>} : memref<80x128xf32, #tpu.memory_space<vmem>>, vector<1x16xf32>,
        %get3A_358 = vector.shape_cast %get3A_357 : vector<1x16xf32> to vector<16xf32>
        %mul3A_359 = vector.broadcast %squeeze3A_277 : f32 to vector<16xf32>
        %mul3A_360 = arith.mulf %get3A_358, %mul3A_359 : vector<16xf32>
        %swap3A_361 = arith.index_cast %add3A_275 : i32 to index
        %swap3A_362 = arith.constant 112 : index
        %swap3A_363 = tpu.vector_load %arg10[%swap3A_361, %swap3A_362] {strides = array<i32>} : memref<80x128xf32, #tpu.memory_space<vmem>>, vector<1x16xf32>,
        %swap3A_364 = vector.shape_cast %swap3A_363 : vector<1x16xf32> to vector<16xf32>
        %swap3A_365 = vector.shape_cast %mul3A_360 : vector<16xf32> to vector<1x16xf32>
        tpu.vector_store %arg10[%swap3A_361, %swap3A_362], %swap3A_365 {strides = array<i32>} : memref<80x128xf32, #tpu.memory_space<vmem>>, vector<1x16xf32>,
        %mul3A_366 = arith.constant 16 : i32
        %mul3A_367 = arith.muli %scan3A_80, %mul3A_366 : i32
        %add3A_368 = arith.constant 3 : i32
        %add3A_369 = arith.addi %mul3A_367, %add3A_368 : i32
        %slice3A_370 = vector.extract_strided_slice %get3A_85 {offsets = [3], sizes = [1], strides = [1]} : vector<16xf32> to vector<1xf32>
        %squeeze3A_371 = vector.extract %slice3A_370[0] : f32 from vector<1xf32>
        %get3A_372 = arith.index_cast %add3A_369 : i32 to index
        %get3A_373 = arith.constant 0 : index
        %get3A_374 = tpu.vector_load %arg10[%get3A_372, %get3A_373] {strides = array<i32>} : memref<80x128xf32, #tpu.memory_space<vmem>>, vector<1x16xf32>,
        %get3A_375 = vector.shape_cast %get3A_374 : vector<1x16xf32> to vector<16xf32>
        %mul3A_376 = vector.broadcast %squeeze3A_371 : f32 to vector<16xf32>
        %mul3A_377 = arith.mulf %get3A_375, %mul3A_376 : vector<16xf32>
        %swap3A_378 = arith.index_cast %add3A_369 : i32 to index
        %swap3A_379 = arith.constant 0 : index
        %swap3A_380 = tpu.vector_load %arg10[%swap3A_378, %swap3A_379] {strides = array<i32>} : memref<80x128xf32, #tpu.memory_space<vmem>>, vector<1x16xf32>,
        %swap3A_381 = vector.shape_cast %swap3A_380 : vector<1x16xf32> to vector<16xf32>
        %swap3A_382 = vector.shape_cast %mul3A_377 : vector<16xf32> to vector<1x16xf32>
        tpu.vector_store %arg10[%swap3A_378, %swap3A_379], %swap3A_382 {strides = array<i32>} : memref<80x128xf32, #tpu.memory_space<vmem>>, vector<1x16xf32>,
        %get3A_383 = arith.index_cast %add3A_369 : i32 to index
        %get3A_384 = arith.constant 16 : index
        %get3A_385 = tpu.vector_load %arg10[%get3A_383, %get3A_384] {strides = array<i32>} : memref<80x128xf32, #tpu.memory_space<vmem>>, vector<1x16xf32>,
        %get3A_386 = vector.shape_cast %get3A_385 : vector<1x16xf32> to vector<16xf32>
        %mul3A_387 = vector.broadcast %squeeze3A_371 : f32 to vector<16xf32>
        %mul3A_388 = arith.mulf %get3A_386, %mul3A_387 : vector<16xf32>
        %swap3A_389 = arith.index_cast %add3A_369 : i32 to index
        %swap3A_390 = arith.constant 16 : index
        %swap3A_391 = tpu.vector_load %arg10[%swap3A_389, %swap3A_390] {strides = array<i32>} : memref<80x128xf32, #tpu.memory_space<vmem>>, vector<1x16xf32>,
        %swap3A_392 = vector.shape_cast %swap3A_391 : vector<1x16xf32> to vector<16xf32>
        %swap3A_393 = vector.shape_cast %mul3A_388 : vector<16xf32> to vector<1x16xf32>
        tpu.vector_store %arg10[%swap3A_389, %swap3A_390], %swap3A_393 {strides = array<i32>} : memref<80x128xf32, #tpu.memory_space<vmem>>, vector<1x16xf32>,
        %get3A_394 = arith.index_cast %add3A_369 : i32 to index
        %get3A_395 = arith.constant 32 : index
        %get3A_396 = tpu.vector_load %arg10[%get3A_394, %get3A_395] {strides = array<i32>} : memref<80x128xf32, #tpu.memory_space<vmem>>, vector<1x16xf32>,
        %get3A_397 = vector.shape_cast %get3A_396 : vector<1x16xf32> to vector<16xf32>
        %mul3A_398 = vector.broadcast %squeeze3A_371 : f32 to vector<16xf32>
        %mul3A_399 = arith.mulf %get3A_397, %mul3A_398 : vector<16xf32>
        %swap3A_400 = arith.index_cast %add3A_369 : i32 to index
        %swap3A_401 = arith.constant 32 : index
        %swap3A_402 = tpu.vector_load %arg10[%swap3A_400, %swap3A_401] {strides = array<i32>} : memref<80x128xf32, #tpu.memory_space<vmem>>, vector<1x16xf32>,
        %swap3A_403 = vector.shape_cast %swap3A_402 : vector<1x16xf32> to vector<16xf32>
        %swap3A_404 = vector.shape_cast %mul3A_399 : vector<16xf32> to vector<1x16xf32>
        tpu.vector_store %arg10[%swap3A_400, %swap3A_401], %swap3A_404 {strides = array<i32>} : memref<80x128xf32, #tpu.memory_space<vmem>>, vector<1x16xf32>,
        %get3A_405 = arith.index_cast %add3A_369 : i32 to index
        %get3A_406 = arith.constant 48 : index
        %get3A_407 = tpu.vector_load %arg10[%get3A_405, %get3A_406] {strides = array<i32>} : memref<80x128xf32, #tpu.memory_space<vmem>>, vector<1x16xf32>,
        %get3A_408 = vector.shape_cast %get3A_407 : vector<1x16xf32> to vector<16xf32>
        %mul3A_409 = vector.broadcast %squeeze3A_371 : f32 to vector<16xf32>
        %mul3A_410 = arith.mulf %get3A_408, %mul3A_409 : vector<16xf32>
        %swap3A_411 = arith.index_cast %add3A_369 : i32 to index
        %swap3A_412 = arith.constant 48 : index
        %swap3A_413 = tpu.vector_load %arg10[%swap3A_411, %swap3A_412] {strides = array<i32>} : memref<80x128xf32, #tpu.memory_space<vmem>>, vector<1x16xf32>,
        %swap3A_414 = vector.shape_cast %swap3A_413 : vector<1x16xf32> to vector<16xf32>
        %swap3A_415 = vector.shape_cast %mul3A_410 : vector<16xf32> to vector<1x16xf32>
        tpu.vector_store %arg10[%swap3A_411, %swap3A_412], %swap3A_415 {strides = array<i32>} : memref<80x128xf32, #tpu.memory_space<vmem>>, vector<1x16xf32>,
        %get3A_416 = arith.index_cast %add3A_369 : i32 to index
        %get3A_417 = arith.constant 64 : index
        %get3A_418 = tpu.vector_load %arg10[%get3A_416, %get3A_417] {strides = array<i32>} : memref<80x128xf32, #tpu.memory_space<vmem>>, vector<1x16xf32>,
        %get3A_419 = vector.shape_cast %get3A_418 : vector<1x16xf32> to vector<16xf32>
        %mul3A_420 = vector.broadcast %squeeze3A_371 : f32 to vector<16xf32>
        %mul3A_421 = arith.mulf %get3A_419, %mul3A_420 : vector<16xf32>
        %swap3A_422 = arith.index_cast %add3A_369 : i32 to index
        %swap3A_423 = arith.constant 64 : index
        %swap3A_424 = tpu.vector_load %arg10[%swap3A_422, %swap3A_423] {strides = array<i32>} : memref<80x128xf32, #tpu.memory_space<vmem>>, vector<1x16xf32>,
        %swap3A_425 = vector.shape_cast %swap3A_424 : vector<1x16xf32> to vector<16xf32>
        %swap3A_426 = vector.shape_cast %mul3A_421 : vector<16xf32> to vector<1x16xf32>
        tpu.vector_store %arg10[%swap3A_422, %swap3A_423], %swap3A_426 {strides = array<i32>} : memref<80x128xf32, #tpu.memory_space<vmem>>, vector<1x16xf32>,
        %get3A_427 = arith.index_cast %add3A_369 : i32 to index
        %get3A_428 = arith.constant 80 : index
        %get3A_429 = tpu.vector_load %arg10[%get3A_427, %get3A_428] {strides = array<i32>} : memref<80x128xf32, #tpu.memory_space<vmem>>, vector<1x16xf32>,
        %get3A_430 = vector.shape_cast %get3A_429 : vector<1x16xf32> to vector<16xf32>
        %mul3A_431 = vector.broadcast %squeeze3A_371 : f32 to vector<16xf32>
        %mul3A_432 = arith.mulf %get3A_430, %mul3A_431 : vector<16xf32>
        %swap3A_433 = arith.index_cast %add3A_369 : i32 to index
        %swap3A_434 = arith.constant 80 : index
        %swap3A_435 = tpu.vector_load %arg10[%swap3A_433, %swap3A_434] {strides = array<i32>} : memref<80x128xf32, #tpu.memory_space<vmem>>, vector<1x16xf32>,
        %swap3A_436 = vector.shape_cast %swap3A_435 : vector<1x16xf32> to vector<16xf32>
        %swap3A_437 = vector.shape_cast %mul3A_432 : vector<16xf32> to vector<1x16xf32>
        tpu.vector_store %arg10[%swap3A_433, %swap3A_434], %swap3A_437 {strides = array<i32>} : memref<80x128xf32, #tpu.memory_space<vmem>>, vector<1x16xf32>,
        %get3A_438 = arith.index_cast %add3A_369 : i32 to index
        %get3A_439 = arith.constant 96 : index
        %get3A_440 = tpu.vector_load %arg10[%get3A_438, %get3A_439] {strides = array<i32>} : memref<80x128xf32, #tpu.memory_space<vmem>>, vector<1x16xf32>,
        %get3A_441 = vector.shape_cast %get3A_440 : vector<1x16xf32> to vector<16xf32>
        %mul3A_442 = vector.broadcast %squeeze3A_371 : f32 to vector<16xf32>
        %mul3A_443 = arith.mulf %get3A_441, %mul3A_442 : vector<16xf32>
        %swap3A_444 = arith.index_cast %add3A_369 : i32 to index
        %swap3A_445 = arith.constant 96 : index
        %swap3A_446 = tpu.vector_load %arg10[%swap3A_444, %swap3A_445] {strides = array<i32>} : memref<80x128xf32, #tpu.memory_space<vmem>>, vector<1x16xf32>,
        %swap3A_447 = vector.shape_cast %swap3A_446 : vector<1x16xf32> to vector<16xf32>
        %swap3A_448 = vector.shape_cast %mul3A_443 : vector<16xf32> to vector<1x16xf32>
        tpu.vector_store %arg10[%swap3A_444, %swap3A_445], %swap3A_448 {strides = array<i32>} : memref<80x128xf32, #tpu.memory_space<vmem>>, vector<1x16xf32>,
        %get3A_449 = arith.index_cast %add3A_369 : i32 to index
        %get3A_450 = arith.constant 112 : index
        %get3A_451 = tpu.vector_load %arg10[%get3A_449, %get3A_450] {strides = array<i32>} : memref<80x128xf32, #tpu.memory_space<vmem>>, vector<1x16xf32>,
        %get3A_452 = vector.shape_cast %get3A_451 : vector<1x16xf32> to vector<16xf32>
        %mul3A_453 = vector.broadcast %squeeze3A_371 : f32 to vector<16xf32>
        %mul3A_454 = arith.mulf %get3A_452, %mul3A_453 : vector<16xf32>
        %swap3A_455 = arith.index_cast %add3A_369 : i32 to index
        %swap3A_456 = arith.constant 112 : index
        %swap3A_457 = tpu.vector_load %arg10[%swap3A_455, %swap3A_456] {strides = array<i32>} : memref<80x128xf32, #tpu.memory_space<vmem>>, vector<1x16xf32>,
        %swap3A_458 = vector.shape_cast %swap3A_457 : vector<1x16xf32> to vector<16xf32>
        %swap3A_459 = vector.shape_cast %mul3A_454 : vector<16xf32> to vector<1x16xf32>
        tpu.vector_store %arg10[%swap3A_455, %swap3A_456], %swap3A_459 {strides = array<i32>} : memref<80x128xf32, #tpu.memory_space<vmem>>, vector<1x16xf32>,
        %mul3A_460 = arith.constant 16 : i32
        %mul3A_461 = arith.muli %scan3A_80, %mul3A_460 : i32
        %add3A_462 = arith.constant 4 : i32
        %add3A_463 = arith.addi %mul3A_461, %add3A_462 : i32
        %slice3A_464 = vector.extract_strided_slice %get3A_85 {offsets = [4], sizes = [1], strides = [1]} : vector<16xf32> to vector<1xf32>
        %squeeze3A_465 = vector.extract %slice3A_464[0] : f32 from vector<1xf32>
        %get3A_466 = arith.index_cast %add3A_463 : i32 to index
        %get3A_467 = arith.constant 0 : index
        %get3A_468 = tpu.vector_load %arg10[%get3A_466, %get3A_467] {strides = array<i32>} : memref<80x128xf32, #tpu.memory_space<vmem>>, vector<1x16xf32>,
        %get3A_469 = vector.shape_cast %get3A_468 : vector<1x16xf32> to vector<16xf32>
        %mul3A_470 = vector.broadcast %squeeze3A_465 : f32 to vector<16xf32>
        %mul3A_471 = arith.mulf %get3A_469, %mul3A_470 : vector<16xf32>
        %swap3A_472 = arith.index_cast %add3A_463 : i32 to index
        %swap3A_473 = arith.constant 0 : index
        %swap3A_474 = tpu.vector_load %arg10[%swap3A_472, %swap3A_473] {strides = array<i32>} : memref<80x128xf32, #tpu.memory_space<vmem>>, vector<1x16xf32>,
        %swap3A_475 = vector.shape_cast %swap3A_474 : vector<1x16xf32> to vector<16xf32>
        %swap3A_476 = vector.shape_cast %mul3A_471 : vector<16xf32> to vector<1x16xf32>
        tpu.vector_store %arg10[%swap3A_472, %swap3A_473], %swap3A_476 {strides = array<i32>} : memref<80x128xf32, #tpu.memory_space<vmem>>, vector<1x16xf32>,
        %get3A_477 = arith.index_cast %add3A_463 : i32 to index
        %get3A_478 = arith.constant 16 : index
        %get3A_479 = tpu.vector_load %arg10[%get3A_477, %get3A_478] {strides = array<i32>} : memref<80x128xf32, #tpu.memory_space<vmem>>, vector<1x16xf32>,
        %get3A_480 = vector.shape_cast %get3A_479 : vector<1x16xf32> to vector<16xf32>
        %mul3A_481 = vector.broadcast %squeeze3A_465 : f32 to vector<16xf32>
        %mul3A_482 = arith.mulf %get3A_480, %mul3A_481 : vector<16xf32>
        %swap3A_483 = arith.index_cast %add3A_463 : i32 to index
        %swap3A_484 = arith.constant 16 : index
        %swap3A_485 = tpu.vector_load %arg10[%swap3A_483, %swap3A_484] {strides = array<i32>} : memref<80x128xf32, #tpu.memory_space<vmem>>, vector<1x16xf32>,
        %swap3A_486 = vector.shape_cast %swap3A_485 : vector<1x16xf32> to vector<16xf32>
        %swap3A_487 = vector.shape_cast %mul3A_482 : vector<16xf32> to vector<1x16xf32>
        tpu.vector_store %arg10[%swap3A_483, %swap3A_484], %swap3A_487 {strides = array<i32>} : memref<80x128xf32, #tpu.memory_space<vmem>>, vector<1x16xf32>,
        %get3A_488 = arith.index_cast %add3A_463 : i32 to index
        %get3A_489 = arith.constant 32 : index
        %get3A_490 = tpu.vector_load %arg10[%get3A_488, %get3A_489] {strides = array<i32>} : memref<80x128xf32, #tpu.memory_space<vmem>>, vector<1x16xf32>,
        %get3A_491 = vector.shape_cast %get3A_490 : vector<1x16xf32> to vector<16xf32>
        %mul3A_492 = vector.broadcast %squeeze3A_465 : f32 to vector<16xf32>
        %mul3A_493 = arith.mulf %get3A_491, %mul3A_492 : vector<16xf32>
        %swap3A_494 = arith.index_cast %add3A_463 : i32 to index
        %swap3A_495 = arith.constant 32 : index
        %swap3A_496 = tpu.vector_load %arg10[%swap3A_494, %swap3A_495] {strides = array<i32>} : memref<80x128xf32, #tpu.memory_space<vmem>>, vector<1x16xf32>,
        %swap3A_497 = vector.shape_cast %swap3A_496 : vector<1x16xf32> to vector<16xf32>
        %swap3A_498 = vector.shape_cast %mul3A_493 : vector<16xf32> to vector<1x16xf32>
        tpu.vector_store %arg10[%swap3A_494, %swap3A_495], %swap3A_498 {strides = array<i32>} : memref<80x128xf32, #tpu.memory_space<vmem>>, vector<1x16xf32>,
        %get3A_499 = arith.index_cast %add3A_463 : i32 to index
        %get3A_500 = arith.constant 48 : index
        %get3A_501 = tpu.vector_load %arg10[%get3A_499, %get3A_500] {strides = array<i32>} : memref<80x128xf32, #tpu.memory_space<vmem>>, vector<1x16xf32>,
        %get3A_502 = vector.shape_cast %get3A_501 : vector<1x16xf32> to vector<16xf32>
        %mul3A_503 = vector.broadcast %squeeze3A_465 : f32 to vector<16xf32>
        %mul3A_504 = arith.mulf %get3A_502, %mul3A_503 : vector<16xf32>
        %swap3A_505 = arith.index_cast %add3A_463 : i32 to index
        %swap3A_506 = arith.constant 48 : index
        %swap3A_507 = tpu.vector_load %arg10[%swap3A_505, %swap3A_506] {strides = array<i32>} : memref<80x128xf32, #tpu.memory_space<vmem>>, vector<1x16xf32>,
        %swap3A_508 = vector.shape_cast %swap3A_507 : vector<1x16xf32> to vector<16xf32>
        %swap3A_509 = vector.shape_cast %mul3A_504 : vector<16xf32> to vector<1x16xf32>
        tpu.vector_store %arg10[%swap3A_505, %swap3A_506], %swap3A_509 {strides = array<i32>} : memref<80x128xf32, #tpu.memory_space<vmem>>, vector<1x16xf32>,
        %get3A_510 = arith.index_cast %add3A_463 : i32 to index
        %get3A_511 = arith.constant 64 : index
        %get3A_512 = tpu.vector_load %arg10[%get3A_510, %get3A_511] {strides = array<i32>} : memref<80x128xf32, #tpu.memory_space<vmem>>, vector<1x16xf32>,
        %get3A_513 = vector.shape_cast %get3A_512 : vector<1x16xf32> to vector<16xf32>
        %mul3A_514 = vector.broadcast %squeeze3A_465 : f32 to vector<16xf32>
        %mul3A_515 = arith.mulf %get3A_513, %mul3A_514 : vector<16xf32>
        %swap3A_516 = arith.index_cast %add3A_463 : i32 to index
        %swap3A_517 = arith.constant 64 : index
        %swap3A_518 = tpu.vector_load %arg10[%swap3A_516, %swap3A_517] {strides = array<i32>} : memref<80x128xf32, #tpu.memory_space<vmem>>, vector<1x16xf32>,
        %swap3A_519 = vector.shape_cast %swap3A_518 : vector<1x16xf32> to vector<16xf32>
        %swap3A_520 = vector.shape_cast %mul3A_515 : vector<16xf32> to vector<1x16xf32>
        tpu.vector_store %arg10[%swap3A_516, %swap3A_517], %swap3A_520 {strides = array<i32>} : memref<80x128xf32, #tpu.memory_space<vmem>>, vector<1x16xf32>,
        %get3A_521 = arith.index_cast %add3A_463 : i32 to index
        %get3A_522 = arith.constant 80 : index
        %get3A_523 = tpu.vector_load %arg10[%get3A_521, %get3A_522] {strides = array<i32>} : memref<80x128xf32, #tpu.memory_space<vmem>>, vector<1x16xf32>,
        %get3A_524 = vector.shape_cast %get3A_523 : vector<1x16xf32> to vector<16xf32>
        %mul3A_525 = vector.broadcast %squeeze3A_465 : f32 to vector<16xf32>
        %mul3A_526 = arith.mulf %get3A_524, %mul3A_525 : vector<16xf32>
        %swap3A_527 = arith.index_cast %add3A_463 : i32 to index
        %swap3A_528 = arith.constant 80 : index
        %swap3A_529 = tpu.vector_load %arg10[%swap3A_527, %swap3A_528] {strides = array<i32>} : memref<80x128xf32, #tpu.memory_space<vmem>>, vector<1x16xf32>,
        %swap3A_530 = vector.shape_cast %swap3A_529 : vector<1x16xf32> to vector<16xf32>
        %swap3A_531 = vector.shape_cast %mul3A_526 : vector<16xf32> to vector<1x16xf32>
        tpu.vector_store %arg10[%swap3A_527, %swap3A_528], %swap3A_531 {strides = array<i32>} : memref<80x128xf32, #tpu.memory_space<vmem>>, vector<1x16xf32>,
        %get3A_532 = arith.index_cast %add3A_463 : i32 to index
        %get3A_533 = arith.constant 96 : index
        %get3A_534 = tpu.vector_load %arg10[%get3A_532, %get3A_533] {strides = array<i32>} : memref<80x128xf32, #tpu.memory_space<vmem>>, vector<1x16xf32>,
        %get3A_535 = vector.shape_cast %get3A_534 : vector<1x16xf32> to vector<16xf32>
        %mul3A_536 = vector.broadcast %squeeze3A_465 : f32 to vector<16xf32>
        %mul3A_537 = arith.mulf %get3A_535, %mul3A_536 : vector<16xf32>
        %swap3A_538 = arith.index_cast %add3A_463 : i32 to index
        %swap3A_539 = arith.constant 96 : index
        %swap3A_540 = tpu.vector_load %arg10[%swap3A_538, %swap3A_539] {strides = array<i32>} : memref<80x128xf32, #tpu.memory_space<vmem>>, vector<1x16xf32>,
        %swap3A_541 = vector.shape_cast %swap3A_540 : vector<1x16xf32> to vector<16xf32>
        %swap3A_542 = vector.shape_cast %mul3A_537 : vector<16xf32> to vector<1x16xf32>
        tpu.vector_store %arg10[%swap3A_538, %swap3A_539], %swap3A_542 {strides = array<i32>} : memref<80x128xf32, #tpu.memory_space<vmem>>, vector<1x16xf32>,
        %get3A_543 = arith.index_cast %add3A_463 : i32 to index
        %get3A_544 = arith.constant 112 : index
        %get3A_545 = tpu.vector_load %arg10[%get3A_543, %get3A_544] {strides = array<i32>} : memref<80x128xf32, #tpu.memory_space<vmem>>, vector<1x16xf32>,
        %get3A_546 = vector.shape_cast %get3A_545 : vector<1x16xf32> to vector<16xf32>
        %mul3A_547 = vector.broadcast %squeeze3A_465 : f32 to vector<16xf32>
        %mul3A_548 = arith.mulf %get3A_546, %mul3A_547 : vector<16xf32>
        %swap3A_549 = arith.index_cast %add3A_463 : i32 to index
        %swap3A_550 = arith.constant 112 : index
        %swap3A_551 = tpu.vector_load %arg10[%swap3A_549, %swap3A_550] {strides = array<i32>} : memref<80x128xf32, #tpu.memory_space<vmem>>, vector<1x16xf32>,
        %swap3A_552 = vector.shape_cast %swap3A_551 : vector<1x16xf32> to vector<16xf32>
        %swap3A_553 = vector.shape_cast %mul3A_548 : vector<16xf32> to vector<1x16xf32>
        tpu.vector_store %arg10[%swap3A_549, %swap3A_550], %swap3A_553 {strides = array<i32>} : memref<80x128xf32, #tpu.memory_space<vmem>>, vector<1x16xf32>,
        %mul3A_554 = arith.constant 16 : i32
        %mul3A_555 = arith.muli %scan3A_80, %mul3A_554 : i32
        %add3A_556 = arith.constant 5 : i32
        %add3A_557 = arith.addi %mul3A_555, %add3A_556 : i32
        %slice3A_558 = vector.extract_strided_slice %get3A_85 {offsets = [5], sizes = [1], strides = [1]} : vector<16xf32> to vector<1xf32>
        %squeeze3A_559 = vector.extract %slice3A_558[0] : f32 from vector<1xf32>
        %get3A_560 = arith.index_cast %add3A_557 : i32 to index
        %get3A_561 = arith.constant 0 : index
        %get3A_562 = tpu.vector_load %arg10[%get3A_560, %get3A_561] {strides = array<i32>} : memref<80x128xf32, #tpu.memory_space<vmem>>, vector<1x16xf32>,
        %get3A_563 = vector.shape_cast %get3A_562 : vector<1x16xf32> to vector<16xf32>
        %mul3A_564 = vector.broadcast %squeeze3A_559 : f32 to vector<16xf32>
        %mul3A_565 = arith.mulf %get3A_563, %mul3A_564 : vector<16xf32>
        %swap3A_566 = arith.index_cast %add3A_557 : i32 to index
        %swap3A_567 = arith.constant 0 : index
        %swap3A_568 = tpu.vector_load %arg10[%swap3A_566, %swap3A_567] {strides = array<i32>} : memref<80x128xf32, #tpu.memory_space<vmem>>, vector<1x16xf32>,
        %swap3A_569 = vector.shape_cast %swap3A_568 : vector<1x16xf32> to vector<16xf32>
        %swap3A_570 = vector.shape_cast %mul3A_565 : vector<16xf32> to vector<1x16xf32>
        tpu.vector_store %arg10[%swap3A_566, %swap3A_567], %swap3A_570 {strides = array<i32>} : memref<80x128xf32, #tpu.memory_space<vmem>>, vector<1x16xf32>,
        %get3A_571 = arith.index_cast %add3A_557 : i32 to index
        %get3A_572 = arith.constant 16 : index
        %get3A_573 = tpu.vector_load %arg10[%get3A_571, %get3A_572] {strides = array<i32>} : memref<80x128xf32, #tpu.memory_space<vmem>>, vector<1x16xf32>,
        %get3A_574 = vector.shape_cast %get3A_573 : vector<1x16xf32> to vector<16xf32>
        %mul3A_575 = vector.broadcast %squeeze3A_559 : f32 to vector<16xf32>
        %mul3A_576 = arith.mulf %get3A_574, %mul3A_575 : vector<16xf32>
        %swap3A_577 = arith.index_cast %add3A_557 : i32 to index
        %swap3A_578 = arith.constant 16 : index
        %swap3A_579 = tpu.vector_load %arg10[%swap3A_577, %swap3A_578] {strides = array<i32>} : memref<80x128xf32, #tpu.memory_space<vmem>>, vector<1x16xf32>,
        %swap3A_580 = vector.shape_cast %swap3A_579 : vector<1x16xf32> to vector<16xf32>
        %swap3A_581 = vector.shape_cast %mul3A_576 : vector<16xf32> to vector<1x16xf32>
        tpu.vector_store %arg10[%swap3A_577, %swap3A_578], %swap3A_581 {strides = array<i32>} : memref<80x128xf32, #tpu.memory_space<vmem>>, vector<1x16xf32>,
        %get3A_582 = arith.index_cast %add3A_557 : i32 to index
        %get3A_583 = arith.constant 32 : index
        %get3A_584 = tpu.vector_load %arg10[%get3A_582, %get3A_583] {strides = array<i32>} : memref<80x128xf32, #tpu.memory_space<vmem>>, vector<1x16xf32>,
        %get3A_585 = vector.shape_cast %get3A_584 : vector<1x16xf32> to vector<16xf32>
        %mul3A_586 = vector.broadcast %squeeze3A_559 : f32 to vector<16xf32>
        %mul3A_587 = arith.mulf %get3A_585, %mul3A_586 : vector<16xf32>
        %swap3A_588 = arith.index_cast %add3A_557 : i32 to index
        %swap3A_589 = arith.constant 32 : index
        %swap3A_590 = tpu.vector_load %arg10[%swap3A_588, %swap3A_589] {strides = array<i32>} : memref<80x128xf32, #tpu.memory_space<vmem>>, vector<1x16xf32>,
        %swap3A_591 = vector.shape_cast %swap3A_590 : vector<1x16xf32> to vector<16xf32>
        %swap3A_592 = vector.shape_cast %mul3A_587 : vector<16xf32> to vector<1x16xf32>
        tpu.vector_store %arg10[%swap3A_588, %swap3A_589], %swap3A_592 {strides = array<i32>} : memref<80x128xf32, #tpu.memory_space<vmem>>, vector<1x16xf32>,
        %get3A_593 = arith.index_cast %add3A_557 : i32 to index
        %get3A_594 = arith.constant 48 : index
        %get3A_595 = tpu.vector_load %arg10[%get3A_593, %get3A_594] {strides = array<i32>} : memref<80x128xf32, #tpu.memory_space<vmem>>, vector<1x16xf32>,
        %get3A_596 = vector.shape_cast %get3A_595 : vector<1x16xf32> to vector<16xf32>
        %mul3A_597 = vector.broadcast %squeeze3A_559 : f32 to vector<16xf32>
        %mul3A_598 = arith.mulf %get3A_596, %mul3A_597 : vector<16xf32>
        %swap3A_599 = arith.index_cast %add3A_557 : i32 to index
        %swap3A_600 = arith.constant 48 : index
        %swap3A_601 = tpu.vector_load %arg10[%swap3A_599, %swap3A_600] {strides = array<i32>} : memref<80x128xf32, #tpu.memory_space<vmem>>, vector<1x16xf32>,
        %swap3A_602 = vector.shape_cast %swap3A_601 : vector<1x16xf32> to vector<16xf32>
        %swap3A_603 = vector.shape_cast %mul3A_598 : vector<16xf32> to vector<1x16xf32>
        tpu.vector_store %arg10[%swap3A_599, %swap3A_600], %swap3A_603 {strides = array<i32>} : memref<80x128xf32, #tpu.memory_space<vmem>>, vector<1x16xf32>,
        %get3A_604 = arith.index_cast %add3A_557 : i32 to index
        %get3A_605 = arith.constant 64 : index
        %get3A_606 = tpu.vector_load %arg10[%get3A_604, %get3A_605] {strides = array<i32>} : memref<80x128xf32, #tpu.memory_space<vmem>>, vector<1x16xf32>,
        %get3A_607 = vector.shape_cast %get3A_606 : vector<1x16xf32> to vector<16xf32>
        %mul3A_608 = vector.broadcast %squeeze3A_559 : f32 to vector<16xf32>
        %mul3A_609 = arith.mulf %get3A_607, %mul3A_608 : vector<16xf32>
        %swap3A_610 = arith.index_cast %add3A_557 : i32 to index
        %swap3A_611 = arith.constant 64 : index
        %swap3A_612 = tpu.vector_load %arg10[%swap3A_610, %swap3A_611] {strides = array<i32>} : memref<80x128xf32, #tpu.memory_space<vmem>>, vector<1x16xf32>,
        %swap3A_613 = vector.shape_cast %swap3A_612 : vector<1x16xf32> to vector<16xf32>
        %swap3A_614 = vector.shape_cast %mul3A_609 : vector<16xf32> to vector<1x16xf32>
        tpu.vector_store %arg10[%swap3A_610, %swap3A_611], %swap3A_614 {strides = array<i32>} : memref<80x128xf32, #tpu.memory_space<vmem>>, vector<1x16xf32>,
        %get3A_615 = arith.index_cast %add3A_557 : i32 to index
        %get3A_616 = arith.constant 80 : index
        %get3A_617 = tpu.vector_load %arg10[%get3A_615, %get3A_616] {strides = array<i32>} : memref<80x128xf32, #tpu.memory_space<vmem>>, vector<1x16xf32>,
        %get3A_618 = vector.shape_cast %get3A_617 : vector<1x16xf32> to vector<16xf32>
        %mul3A_619 = vector.broadcast %squeeze3A_559 : f32 to vector<16xf32>
        %mul3A_620 = arith.mulf %get3A_618, %mul3A_619 : vector<16xf32>
        %swap3A_621 = arith.index_cast %add3A_557 : i32 to index
        %swap3A_622 = arith.constant 80 : index
        %swap3A_623 = tpu.vector_load %arg10[%swap3A_621, %swap3A_622] {strides = array<i32>} : memref<80x128xf32, #tpu.memory_space<vmem>>, vector<1x16xf32>,
        %swap3A_624 = vector.shape_cast %swap3A_623 : vector<1x16xf32> to vector<16xf32>
        %swap3A_625 = vector.shape_cast %mul3A_620 : vector<16xf32> to vector<1x16xf32>
        tpu.vector_store %arg10[%swap3A_621, %swap3A_622], %swap3A_625 {strides = array<i32>} : memref<80x128xf32, #tpu.memory_space<vmem>>, vector<1x16xf32>,
        %get3A_626 = arith.index_cast %add3A_557 : i32 to index
        %get3A_627 = arith.constant 96 : index
        %get3A_628 = tpu.vector_load %arg10[%get3A_626, %get3A_627] {strides = array<i32>} : memref<80x128xf32, #tpu.memory_space<vmem>>, vector<1x16xf32>,
        %get3A_629 = vector.shape_cast %get3A_628 : vector<1x16xf32> to vector<16xf32>
        %mul3A_630 = vector.broadcast %squeeze3A_559 : f32 to vector<16xf32>
        %mul3A_631 = arith.mulf %get3A_629, %mul3A_630 : vector<16xf32>
        %swap3A_632 = arith.index_cast %add3A_557 : i32 to index
        %swap3A_633 = arith.constant 96 : index
        %swap3A_634 = tpu.vector_load %arg10[%swap3A_632, %swap3A_633] {strides = array<i32>} : memref<80x128xf32, #tpu.memory_space<vmem>>, vector<1x16xf32>,
        %swap3A_635 = vector.shape_cast %swap3A_634 : vector<1x16xf32> to vector<16xf32>
        %swap3A_636 = vector.shape_cast %mul3A_631 : vector<16xf32> to vector<1x16xf32>
        tpu.vector_store %arg10[%swap3A_632, %swap3A_633], %swap3A_636 {strides = array<i32>} : memref<80x128xf32, #tpu.memory_space<vmem>>, vector<1x16xf32>,
        %get3A_637 = arith.index_cast %add3A_557 : i32 to index
        %get3A_638 = arith.constant 112 : index
        %get3A_639 = tpu.vector_load %arg10[%get3A_637, %get3A_638] {strides = array<i32>} : memref<80x128xf32, #tpu.memory_space<vmem>>, vector<1x16xf32>,
        %get3A_640 = vector.shape_cast %get3A_639 : vector<1x16xf32> to vector<16xf32>
        %mul3A_641 = vector.broadcast %squeeze3A_559 : f32 to vector<16xf32>
        %mul3A_642 = arith.mulf %get3A_640, %mul3A_641 : vector<16xf32>
        %swap3A_643 = arith.index_cast %add3A_557 : i32 to index
        %swap3A_644 = arith.constant 112 : index
        %swap3A_645 = tpu.vector_load %arg10[%swap3A_643, %swap3A_644] {strides = array<i32>} : memref<80x128xf32, #tpu.memory_space<vmem>>, vector<1x16xf32>,
        %swap3A_646 = vector.shape_cast %swap3A_645 : vector<1x16xf32> to vector<16xf32>
        %swap3A_647 = vector.shape_cast %mul3A_642 : vector<16xf32> to vector<1x16xf32>
        tpu.vector_store %arg10[%swap3A_643, %swap3A_644], %swap3A_647 {strides = array<i32>} : memref<80x128xf32, #tpu.memory_space<vmem>>, vector<1x16xf32>,
        %mul3A_648 = arith.constant 16 : i32
        %mul3A_649 = arith.muli %scan3A_80, %mul3A_648 : i32
        %add3A_650 = arith.constant 6 : i32
        %add3A_651 = arith.addi %mul3A_649, %add3A_650 : i32
        %slice3A_652 = vector.extract_strided_slice %get3A_85 {offsets = [6], sizes = [1], strides = [1]} : vector<16xf32> to vector<1xf32>
        %squeeze3A_653 = vector.extract %slice3A_652[0] : f32 from vector<1xf32>
        %get3A_654 = arith.index_cast %add3A_651 : i32 to index
        %get3A_655 = arith.constant 0 : index
        %get3A_656 = tpu.vector_load %arg10[%get3A_654, %get3A_655] {strides = array<i32>} : memref<80x128xf32, #tpu.memory_space<vmem>>, vector<1x16xf32>,
        %get3A_657 = vector.shape_cast %get3A_656 : vector<1x16xf32> to vector<16xf32>
        %mul3A_658 = vector.broadcast %squeeze3A_653 : f32 to vector<16xf32>
        %mul3A_659 = arith.mulf %get3A_657, %mul3A_658 : vector<16xf32>
        %swap3A_660 = arith.index_cast %add3A_651 : i32 to index
        %swap3A_661 = arith.constant 0 : index
        %swap3A_662 = tpu.vector_load %arg10[%swap3A_660, %swap3A_661] {strides = array<i32>} : memref<80x128xf32, #tpu.memory_space<vmem>>, vector<1x16xf32>,
        %swap3A_663 = vector.shape_cast %swap3A_662 : vector<1x16xf32> to vector<16xf32>
        %swap3A_664 = vector.shape_cast %mul3A_659 : vector<16xf32> to vector<1x16xf32>
        tpu.vector_store %arg10[%swap3A_660, %swap3A_661], %swap3A_664 {strides = array<i32>} : memref<80x128xf32, #tpu.memory_space<vmem>>, vector<1x16xf32>,
        %get3A_665 = arith.index_cast %add3A_651 : i32 to index
        %get3A_666 = arith.constant 16 : index
        %get3A_667 = tpu.vector_load %arg10[%get3A_665, %get3A_666] {strides = array<i32>} : memref<80x128xf32, #tpu.memory_space<vmem>>, vector<1x16xf32>,
        %get3A_668 = vector.shape_cast %get3A_667 : vector<1x16xf32> to vector<16xf32>
        %mul3A_669 = vector.broadcast %squeeze3A_653 : f32 to vector<16xf32>
        %mul3A_670 = arith.mulf %get3A_668, %mul3A_669 : vector<16xf32>
        %swap3A_671 = arith.index_cast %add3A_651 : i32 to index
        %swap3A_672 = arith.constant 16 : index
        %swap3A_673 = tpu.vector_load %arg10[%swap3A_671, %swap3A_672] {strides = array<i32>} : memref<80x128xf32, #tpu.memory_space<vmem>>, vector<1x16xf32>,
        %swap3A_674 = vector.shape_cast %swap3A_673 : vector<1x16xf32> to vector<16xf32>
        %swap3A_675 = vector.shape_cast %mul3A_670 : vector<16xf32> to vector<1x16xf32>
        tpu.vector_store %arg10[%swap3A_671, %swap3A_672], %swap3A_675 {strides = array<i32>} : memref<80x128xf32, #tpu.memory_space<vmem>>, vector<1x16xf32>,
        %get3A_676 = arith.index_cast %add3A_651 : i32 to index
        %get3A_677 = arith.constant 32 : index
        %get3A_678 = tpu.vector_load %arg10[%get3A_676, %get3A_677] {strides = array<i32>} : memref<80x128xf32, #tpu.memory_space<vmem>>, vector<1x16xf32>,
        %get3A_679 = vector.shape_cast %get3A_678 : vector<1x16xf32> to vector<16xf32>
        %mul3A_680 = vector.broadcast %squeeze3A_653 : f32 to vector<16xf32>
        %mul3A_681 = arith.mulf %get3A_679, %mul3A_680 : vector<16xf32>
        %swap3A_682 = arith.index_cast %add3A_651 : i32 to index
        %swap3A_683 = arith.constant 32 : index
        %swap3A_684 = tpu.vector_load %arg10[%swap3A_682, %swap3A_683] {strides = array<i32>} : memref<80x128xf32, #tpu.memory_space<vmem>>, vector<1x16xf32>,
        %swap3A_685 = vector.shape_cast %swap3A_684 : vector<1x16xf32> to vector<16xf32>
        %swap3A_686 = vector.shape_cast %mul3A_681 : vector<16xf32> to vector<1x16xf32>
        tpu.vector_store %arg10[%swap3A_682, %swap3A_683], %swap3A_686 {strides = array<i32>} : memref<80x128xf32, #tpu.memory_space<vmem>>, vector<1x16xf32>,
        %get3A_687 = arith.index_cast %add3A_651 : i32 to index
        %get3A_688 = arith.constant 48 : index
        %get3A_689 = tpu.vector_load %arg10[%get3A_687, %get3A_688] {strides = array<i32>} : memref<80x128xf32, #tpu.memory_space<vmem>>, vector<1x16xf32>,
        %get3A_690 = vector.shape_cast %get3A_689 : vector<1x16xf32> to vector<16xf32>
        %mul3A_691 = vector.broadcast %squeeze3A_653 : f32 to vector<16xf32>
        %mul3A_692 = arith.mulf %get3A_690, %mul3A_691 : vector<16xf32>
        %swap3A_693 = arith.index_cast %add3A_651 : i32 to index
        %swap3A_694 = arith.constant 48 : index
        %swap3A_695 = tpu.vector_load %arg10[%swap3A_693, %swap3A_694] {strides = array<i32>} : memref<80x128xf32, #tpu.memory_space<vmem>>, vector<1x16xf32>,
        %swap3A_696 = vector.shape_cast %swap3A_695 : vector<1x16xf32> to vector<16xf32>
        %swap3A_697 = vector.shape_cast %mul3A_692 : vector<16xf32> to vector<1x16xf32>
        tpu.vector_store %arg10[%swap3A_693, %swap3A_694], %swap3A_697 {strides = array<i32>} : memref<80x128xf32, #tpu.memory_space<vmem>>, vector<1x16xf32>,
        %get3A_698 = arith.index_cast %add3A_651 : i32 to index
        %get3A_699 = arith.constant 64 : index
        %get3A_700 = tpu.vector_load %arg10[%get3A_698, %get3A_699] {strides = array<i32>} : memref<80x128xf32, #tpu.memory_space<vmem>>, vector<1x16xf32>,
        %get3A_701 = vector.shape_cast %get3A_700 : vector<1x16xf32> to vector<16xf32>
        %mul3A_702 = vector.broadcast %squeeze3A_653 : f32 to vector<16xf32>
        %mul3A_703 = arith.mulf %get3A_701, %mul3A_702 : vector<16xf32>
        %swap3A_704 = arith.index_cast %add3A_651 : i32 to index
        %swap3A_705 = arith.constant 64 : index
        %swap3A_706 = tpu.vector_load %arg10[%swap3A_704, %swap3A_705] {strides = array<i32>} : memref<80x128xf32, #tpu.memory_space<vmem>>, vector<1x16xf32>,
        %swap3A_707 = vector.shape_cast %swap3A_706 : vector<1x16xf32> to vector<16xf32>
        %swap3A_708 = vector.shape_cast %mul3A_703 : vector<16xf32> to vector<1x16xf32>
        tpu.vector_store %arg10[%swap3A_704, %swap3A_705], %swap3A_708 {strides = array<i32>} : memref<80x128xf32, #tpu.memory_space<vmem>>, vector<1x16xf32>,
        %get3A_709 = arith.index_cast %add3A_651 : i32 to index
        %get3A_710 = arith.constant 80 : index
        %get3A_711 = tpu.vector_load %arg10[%get3A_709, %get3A_710] {strides = array<i32>} : memref<80x128xf32, #tpu.memory_space<vmem>>, vector<1x16xf32>,
        %get3A_712 = vector.shape_cast %get3A_711 : vector<1x16xf32> to vector<16xf32>
        %mul3A_713 = vector.broadcast %squeeze3A_653 : f32 to vector<16xf32>
        %mul3A_714 = arith.mulf %get3A_712, %mul3A_713 : vector<16xf32>
        %swap3A_715 = arith.index_cast %add3A_651 : i32 to index
        %swap3A_716 = arith.constant 80 : index
        %swap3A_717 = tpu.vector_load %arg10[%swap3A_715, %swap3A_716] {strides = array<i32>} : memref<80x128xf32, #tpu.memory_space<vmem>>, vector<1x16xf32>,
        %swap3A_718 = vector.shape_cast %swap3A_717 : vector<1x16xf32> to vector<16xf32>
        %swap3A_719 = vector.shape_cast %mul3A_714 : vector<16xf32> to vector<1x16xf32>
        tpu.vector_store %arg10[%swap3A_715, %swap3A_716], %swap3A_719 {strides = array<i32>} : memref<80x128xf32, #tpu.memory_space<vmem>>, vector<1x16xf32>,
        %get3A_720 = arith.index_cast %add3A_651 : i32 to index
        %get3A_721 = arith.constant 96 : index
        %get3A_722 = tpu.vector_load %arg10[%get3A_720, %get3A_721] {strides = array<i32>} : memref<80x128xf32, #tpu.memory_space<vmem>>, vector<1x16xf32>,
        %get3A_723 = vector.shape_cast %get3A_722 : vector<1x16xf32> to vector<16xf32>
        %mul3A_724 = vector.broadcast %squeeze3A_653 : f32 to vector<16xf32>
        %mul3A_725 = arith.mulf %get3A_723, %mul3A_724 : vector<16xf32>
        %swap3A_726 = arith.index_cast %add3A_651 : i32 to index
        %swap3A_727 = arith.constant 96 : index
        %swap3A_728 = tpu.vector_load %arg10[%swap3A_726, %swap3A_727] {strides = array<i32>} : memref<80x128xf32, #tpu.memory_space<vmem>>, vector<1x16xf32>,
        %swap3A_729 = vector.shape_cast %swap3A_728 : vector<1x16xf32> to vector<16xf32>
        %swap3A_730 = vector.shape_cast %mul3A_725 : vector<16xf32> to vector<1x16xf32>
        tpu.vector_store %arg10[%swap3A_726, %swap3A_727], %swap3A_730 {strides = array<i32>} : memref<80x128xf32, #tpu.memory_space<vmem>>, vector<1x16xf32>,
        %get3A_731 = arith.index_cast %add3A_651 : i32 to index
        %get3A_732 = arith.constant 112 : index
        %get3A_733 = tpu.vector_load %arg10[%get3A_731, %get3A_732] {strides = array<i32>} : memref<80x128xf32, #tpu.memory_space<vmem>>, vector<1x16xf32>,
        %get3A_734 = vector.shape_cast %get3A_733 : vector<1x16xf32> to vector<16xf32>
        %mul3A_735 = vector.broadcast %squeeze3A_653 : f32 to vector<16xf32>
        %mul3A_736 = arith.mulf %get3A_734, %mul3A_735 : vector<16xf32>
        %swap3A_737 = arith.index_cast %add3A_651 : i32 to index
        %swap3A_738 = arith.constant 112 : index
        %swap3A_739 = tpu.vector_load %arg10[%swap3A_737, %swap3A_738] {strides = array<i32>} : memref<80x128xf32, #tpu.memory_space<vmem>>, vector<1x16xf32>,
        %swap3A_740 = vector.shape_cast %swap3A_739 : vector<1x16xf32> to vector<16xf32>
        %swap3A_741 = vector.shape_cast %mul3A_736 : vector<16xf32> to vector<1x16xf32>
        tpu.vector_store %arg10[%swap3A_737, %swap3A_738], %swap3A_741 {strides = array<i32>} : memref<80x128xf32, #tpu.memory_space<vmem>>, vector<1x16xf32>,
        %mul3A_742 = arith.constant 16 : i32
        %mul3A_743 = arith.muli %scan3A_80, %mul3A_742 : i32
        %add3A_744 = arith.constant 7 : i32
        %add3A_745 = arith.addi %mul3A_743, %add3A_744 : i32
        %slice3A_746 = vector.extract_strided_slice %get3A_85 {offsets = [7], sizes = [1], strides = [1]} : vector<16xf32> to vector<1xf32>
        %squeeze3A_747 = vector.extract %slice3A_746[0] : f32 from vector<1xf32>
        %get3A_748 = arith.index_cast %add3A_745 : i32 to index
        %get3A_749 = arith.constant 0 : index
        %get3A_750 = tpu.vector_load %arg10[%get3A_748, %get3A_749] {strides = array<i32>} : memref<80x128xf32, #tpu.memory_space<vmem>>, vector<1x16xf32>,
        %get3A_751 = vector.shape_cast %get3A_750 : vector<1x16xf32> to vector<16xf32>
        %mul3A_752 = vector.broadcast %squeeze3A_747 : f32 to vector<16xf32>
        %mul3A_753 = arith.mulf %get3A_751, %mul3A_752 : vector<16xf32>
        %swap3A_754 = arith.index_cast %add3A_745 : i32 to index
        %swap3A_755 = arith.constant 0 : index
        %swap3A_756 = tpu.vector_load %arg10[%swap3A_754, %swap3A_755] {strides = array<i32>} : memref<80x128xf32, #tpu.memory_space<vmem>>, vector<1x16xf32>,
        %swap3A_757 = vector.shape_cast %swap3A_756 : vector<1x16xf32> to vector<16xf32>
        %swap3A_758 = vector.shape_cast %mul3A_753 : vector<16xf32> to vector<1x16xf32>
        tpu.vector_store %arg10[%swap3A_754, %swap3A_755], %swap3A_758 {strides = array<i32>} : memref<80x128xf32, #tpu.memory_space<vmem>>, vector<1x16xf32>,
        %get3A_759 = arith.index_cast %add3A_745 : i32 to index
        %get3A_760 = arith.constant 16 : index
        %get3A_761 = tpu.vector_load %arg10[%get3A_759, %get3A_760] {strides = array<i32>} : memref<80x128xf32, #tpu.memory_space<vmem>>, vector<1x16xf32>,
        %get3A_762 = vector.shape_cast %get3A_761 : vector<1x16xf32> to vector<16xf32>
        %mul3A_763 = vector.broadcast %squeeze3A_747 : f32 to vector<16xf32>
        %mul3A_764 = arith.mulf %get3A_762, %mul3A_763 : vector<16xf32>
        %swap3A_765 = arith.index_cast %add3A_745 : i32 to index
        %swap3A_766 = arith.constant 16 : index
        %swap3A_767 = tpu.vector_load %arg10[%swap3A_765, %swap3A_766] {strides = array<i32>} : memref<80x128xf32, #tpu.memory_space<vmem>>, vector<1x16xf32>,
        %swap3A_768 = vector.shape_cast %swap3A_767 : vector<1x16xf32> to vector<16xf32>
        %swap3A_769 = vector.shape_cast %mul3A_764 : vector<16xf32> to vector<1x16xf32>
        tpu.vector_store %arg10[%swap3A_765, %swap3A_766], %swap3A_769 {strides = array<i32>} : memref<80x128xf32, #tpu.memory_space<vmem>>, vector<1x16xf32>,
        %get3A_770 = arith.index_cast %add3A_745 : i32 to index
        %get3A_771 = arith.constant 32 : index
        %get3A_772 = tpu.vector_load %arg10[%get3A_770, %get3A_771] {strides = array<i32>} : memref<80x128xf32, #tpu.memory_space<vmem>>, vector<1x16xf32>,
        %get3A_773 = vector.shape_cast %get3A_772 : vector<1x16xf32> to vector<16xf32>
        %mul3A_774 = vector.broadcast %squeeze3A_747 : f32 to vector<16xf32>
        %mul3A_775 = arith.mulf %get3A_773, %mul3A_774 : vector<16xf32>
        %swap3A_776 = arith.index_cast %add3A_745 : i32 to index
        %swap3A_777 = arith.constant 32 : index
        %swap3A_778 = tpu.vector_load %arg10[%swap3A_776, %swap3A_777] {strides = array<i32>} : memref<80x128xf32, #tpu.memory_space<vmem>>, vector<1x16xf32>,
        %swap3A_779 = vector.shape_cast %swap3A_778 : vector<1x16xf32> to vector<16xf32>
        %swap3A_780 = vector.shape_cast %mul3A_775 : vector<16xf32> to vector<1x16xf32>
        tpu.vector_store %arg10[%swap3A_776, %swap3A_777], %swap3A_780 {strides = array<i32>} : memref<80x128xf32, #tpu.memory_space<vmem>>, vector<1x16xf32>,
        %get3A_781 = arith.index_cast %add3A_745 : i32 to index
        %get3A_782 = arith.constant 48 : index
        %get3A_783 = tpu.vector_load %arg10[%get3A_781, %get3A_782] {strides = array<i32>} : memref<80x128xf32, #tpu.memory_space<vmem>>, vector<1x16xf32>,
        %get3A_784 = vector.shape_cast %get3A_783 : vector<1x16xf32> to vector<16xf32>
        %mul3A_785 = vector.broadcast %squeeze3A_747 : f32 to vector<16xf32>
        %mul3A_786 = arith.mulf %get3A_784, %mul3A_785 : vector<16xf32>
        %swap3A_787 = arith.index_cast %add3A_745 : i32 to index
        %swap3A_788 = arith.constant 48 : index
        %swap3A_789 = tpu.vector_load %arg10[%swap3A_787, %swap3A_788] {strides = array<i32>} : memref<80x128xf32, #tpu.memory_space<vmem>>, vector<1x16xf32>,
        %swap3A_790 = vector.shape_cast %swap3A_789 : vector<1x16xf32> to vector<16xf32>
        %swap3A_791 = vector.shape_cast %mul3A_786 : vector<16xf32> to vector<1x16xf32>
        tpu.vector_store %arg10[%swap3A_787, %swap3A_788], %swap3A_791 {strides = array<i32>} : memref<80x128xf32, #tpu.memory_space<vmem>>, vector<1x16xf32>,
        %get3A_792 = arith.index_cast %add3A_745 : i32 to index
        %get3A_793 = arith.constant 64 : index
        %get3A_794 = tpu.vector_load %arg10[%get3A_792, %get3A_793] {strides = array<i32>} : memref<80x128xf32, #tpu.memory_space<vmem>>, vector<1x16xf32>,
        %get3A_795 = vector.shape_cast %get3A_794 : vector<1x16xf32> to vector<16xf32>
        %mul3A_796 = vector.broadcast %squeeze3A_747 : f32 to vector<16xf32>
        %mul3A_797 = arith.mulf %get3A_795, %mul3A_796 : vector<16xf32>
        %swap3A_798 = arith.index_cast %add3A_745 : i32 to index
        %swap3A_799 = arith.constant 64 : index
        %swap3A_800 = tpu.vector_load %arg10[%swap3A_798, %swap3A_799] {strides = array<i32>} : memref<80x128xf32, #tpu.memory_space<vmem>>, vector<1x16xf32>,
        %swap3A_801 = vector.shape_cast %swap3A_800 : vector<1x16xf32> to vector<16xf32>
        %swap3A_802 = vector.shape_cast %mul3A_797 : vector<16xf32> to vector<1x16xf32>
        tpu.vector_store %arg10[%swap3A_798, %swap3A_799], %swap3A_802 {strides = array<i32>} : memref<80x128xf32, #tpu.memory_space<vmem>>, vector<1x16xf32>,
        %get3A_803 = arith.index_cast %add3A_745 : i32 to index
        %get3A_804 = arith.constant 80 : index
        %get3A_805 = tpu.vector_load %arg10[%get3A_803, %get3A_804] {strides = array<i32>} : memref<80x128xf32, #tpu.memory_space<vmem>>, vector<1x16xf32>,
        %get3A_806 = vector.shape_cast %get3A_805 : vector<1x16xf32> to vector<16xf32>
        %mul3A_807 = vector.broadcast %squeeze3A_747 : f32 to vector<16xf32>
        %mul3A_808 = arith.mulf %get3A_806, %mul3A_807 : vector<16xf32>
        %swap3A_809 = arith.index_cast %add3A_745 : i32 to index
        %swap3A_810 = arith.constant 80 : index
        %swap3A_811 = tpu.vector_load %arg10[%swap3A_809, %swap3A_810] {strides = array<i32>} : memref<80x128xf32, #tpu.memory_space<vmem>>, vector<1x16xf32>,
        %swap3A_812 = vector.shape_cast %swap3A_811 : vector<1x16xf32> to vector<16xf32>
        %swap3A_813 = vector.shape_cast %mul3A_808 : vector<16xf32> to vector<1x16xf32>
        tpu.vector_store %arg10[%swap3A_809, %swap3A_810], %swap3A_813 {strides = array<i32>} : memref<80x128xf32, #tpu.memory_space<vmem>>, vector<1x16xf32>,
        %get3A_814 = arith.index_cast %add3A_745 : i32 to index
        %get3A_815 = arith.constant 96 : index
        %get3A_816 = tpu.vector_load %arg10[%get3A_814, %get3A_815] {strides = array<i32>} : memref<80x128xf32, #tpu.memory_space<vmem>>, vector<1x16xf32>,
        %get3A_817 = vector.shape_cast %get3A_816 : vector<1x16xf32> to vector<16xf32>
        %mul3A_818 = vector.broadcast %squeeze3A_747 : f32 to vector<16xf32>
        %mul3A_819 = arith.mulf %get3A_817, %mul3A_818 : vector<16xf32>
        %swap3A_820 = arith.index_cast %add3A_745 : i32 to index
        %swap3A_821 = arith.constant 96 : index
        %swap3A_822 = tpu.vector_load %arg10[%swap3A_820, %swap3A_821] {strides = array<i32>} : memref<80x128xf32, #tpu.memory_space<vmem>>, vector<1x16xf32>,
        %swap3A_823 = vector.shape_cast %swap3A_822 : vector<1x16xf32> to vector<16xf32>
        %swap3A_824 = vector.shape_cast %mul3A_819 : vector<16xf32> to vector<1x16xf32>
        tpu.vector_store %arg10[%swap3A_820, %swap3A_821], %swap3A_824 {strides = array<i32>} : memref<80x128xf32, #tpu.memory_space<vmem>>, vector<1x16xf32>,
        %get3A_825 = arith.index_cast %add3A_745 : i32 to index
        %get3A_826 = arith.constant 112 : index
        %get3A_827 = tpu.vector_load %arg10[%get3A_825, %get3A_826] {strides = array<i32>} : memref<80x128xf32, #tpu.memory_space<vmem>>, vector<1x16xf32>,
        %get3A_828 = vector.shape_cast %get3A_827 : vector<1x16xf32> to vector<16xf32>
        %mul3A_829 = vector.broadcast %squeeze3A_747 : f32 to vector<16xf32>
        %mul3A_830 = arith.mulf %get3A_828, %mul3A_829 : vector<16xf32>
        %swap3A_831 = arith.index_cast %add3A_745 : i32 to index
        %swap3A_832 = arith.constant 112 : index
        %swap3A_833 = tpu.vector_load %arg10[%swap3A_831, %swap3A_832] {strides = array<i32>} : memref<80x128xf32, #tpu.memory_space<vmem>>, vector<1x16xf32>,
        %swap3A_834 = vector.shape_cast %swap3A_833 : vector<1x16xf32> to vector<16xf32>
        %swap3A_835 = vector.shape_cast %mul3A_830 : vector<16xf32> to vector<1x16xf32>
        tpu.vector_store %arg10[%swap3A_831, %swap3A_832], %swap3A_835 {strides = array<i32>} : memref<80x128xf32, #tpu.memory_space<vmem>>, vector<1x16xf32>,
        %mul3A_836 = arith.constant 16 : i32
        %mul3A_837 = arith.muli %scan3A_80, %mul3A_836 : i32
        %add3A_838 = arith.constant 8 : i32
        %add3A_839 = arith.addi %mul3A_837, %add3A_838 : i32
        %slice3A_840 = vector.extract_strided_slice %get3A_85 {offsets = [8], sizes = [1], strides = [1]} : vector<16xf32> to vector<1xf32>
        %squeeze3A_841 = vector.extract %slice3A_840[0] : f32 from vector<1xf32>
        %get3A_842 = arith.index_cast %add3A_839 : i32 to index
        %get3A_843 = arith.constant 0 : index
        %get3A_844 = tpu.vector_load %arg10[%get3A_842, %get3A_843] {strides = array<i32>} : memref<80x128xf32, #tpu.memory_space<vmem>>, vector<1x16xf32>,
        %get3A_845 = vector.shape_cast %get3A_844 : vector<1x16xf32> to vector<16xf32>
        %mul3A_846 = vector.broadcast %squeeze3A_841 : f32 to vector<16xf32>
        %mul3A_847 = arith.mulf %get3A_845, %mul3A_846 : vector<16xf32>
        %swap3A_848 = arith.index_cast %add3A_839 : i32 to index
        %swap3A_849 = arith.constant 0 : index
        %swap3A_850 = tpu.vector_load %arg10[%swap3A_848, %swap3A_849] {strides = array<i32>} : memref<80x128xf32, #tpu.memory_space<vmem>>, vector<1x16xf32>,
        %swap3A_851 = vector.shape_cast %swap3A_850 : vector<1x16xf32> to vector<16xf32>
        %swap3A_852 = vector.shape_cast %mul3A_847 : vector<16xf32> to vector<1x16xf32>
        tpu.vector_store %arg10[%swap3A_848, %swap3A_849], %swap3A_852 {strides = array<i32>} : memref<80x128xf32, #tpu.memory_space<vmem>>, vector<1x16xf32>,
        %get3A_853 = arith.index_cast %add3A_839 : i32 to index
        %get3A_854 = arith.constant 16 : index
        %get3A_855 = tpu.vector_load %arg10[%get3A_853, %get3A_854] {strides = array<i32>} : memref<80x128xf32, #tpu.memory_space<vmem>>, vector<1x16xf32>,
        %get3A_856 = vector.shape_cast %get3A_855 : vector<1x16xf32> to vector<16xf32>
        %mul3A_857 = vector.broadcast %squeeze3A_841 : f32 to vector<16xf32>
        %mul3A_858 = arith.mulf %get3A_856, %mul3A_857 : vector<16xf32>
        %swap3A_859 = arith.index_cast %add3A_839 : i32 to index
        %swap3A_860 = arith.constant 16 : index
        %swap3A_861 = tpu.vector_load %arg10[%swap3A_859, %swap3A_860] {strides = array<i32>} : memref<80x128xf32, #tpu.memory_space<vmem>>, vector<1x16xf32>,
        %swap3A_862 = vector.shape_cast %swap3A_861 : vector<1x16xf32> to vector<16xf32>
        %swap3A_863 = vector.shape_cast %mul3A_858 : vector<16xf32> to vector<1x16xf32>
        tpu.vector_store %arg10[%swap3A_859, %swap3A_860], %swap3A_863 {strides = array<i32>} : memref<80x128xf32, #tpu.memory_space<vmem>>, vector<1x16xf32>,
        %get3A_864 = arith.index_cast %add3A_839 : i32 to index
        %get3A_865 = arith.constant 32 : index
        %get3A_866 = tpu.vector_load %arg10[%get3A_864, %get3A_865] {strides = array<i32>} : memref<80x128xf32, #tpu.memory_space<vmem>>, vector<1x16xf32>,
        %get3A_867 = vector.shape_cast %get3A_866 : vector<1x16xf32> to vector<16xf32>
        %mul3A_868 = vector.broadcast %squeeze3A_841 : f32 to vector<16xf32>
        %mul3A_869 = arith.mulf %get3A_867, %mul3A_868 : vector<16xf32>
        %swap3A_870 = arith.index_cast %add3A_839 : i32 to index
        %swap3A_871 = arith.constant 32 : index
        %swap3A_872 = tpu.vector_load %arg10[%swap3A_870, %swap3A_871] {strides = array<i32>} : memref<80x128xf32, #tpu.memory_space<vmem>>, vector<1x16xf32>,
        %swap3A_873 = vector.shape_cast %swap3A_872 : vector<1x16xf32> to vector<16xf32>
        %swap3A_874 = vector.shape_cast %mul3A_869 : vector<16xf32> to vector<1x16xf32>
        tpu.vector_store %arg10[%swap3A_870, %swap3A_871], %swap3A_874 {strides = array<i32>} : memref<80x128xf32, #tpu.memory_space<vmem>>, vector<1x16xf32>,
        %get3A_875 = arith.index_cast %add3A_839 : i32 to index
        %get3A_876 = arith.constant 48 : index
        %get3A_877 = tpu.vector_load %arg10[%get3A_875, %get3A_876] {strides = array<i32>} : memref<80x128xf32, #tpu.memory_space<vmem>>, vector<1x16xf32>,
        %get3A_878 = vector.shape_cast %get3A_877 : vector<1x16xf32> to vector<16xf32>
        %mul3A_879 = vector.broadcast %squeeze3A_841 : f32 to vector<16xf32>
        %mul3A_880 = arith.mulf %get3A_878, %mul3A_879 : vector<16xf32>
        %swap3A_881 = arith.index_cast %add3A_839 : i32 to index
        %swap3A_882 = arith.constant 48 : index
        %swap3A_883 = tpu.vector_load %arg10[%swap3A_881, %swap3A_882] {strides = array<i32>} : memref<80x128xf32, #tpu.memory_space<vmem>>, vector<1x16xf32>,
        %swap3A_884 = vector.shape_cast %swap3A_883 : vector<1x16xf32> to vector<16xf32>
        %swap3A_885 = vector.shape_cast %mul3A_880 : vector<16xf32> to vector<1x16xf32>
        tpu.vector_store %arg10[%swap3A_881, %swap3A_882], %swap3A_885 {strides = array<i32>} : memref<80x128xf32, #tpu.memory_space<vmem>>, vector<1x16xf32>,
        %get3A_886 = arith.index_cast %add3A_839 : i32 to index
        %get3A_887 = arith.constant 64 : index
        %get3A_888 = tpu.vector_load %arg10[%get3A_886, %get3A_887] {strides = array<i32>} : memref<80x128xf32, #tpu.memory_space<vmem>>, vector<1x16xf32>,
        %get3A_889 = vector.shape_cast %get3A_888 : vector<1x16xf32> to vector<16xf32>
        %mul3A_890 = vector.broadcast %squeeze3A_841 : f32 to vector<16xf32>
        %mul3A_891 = arith.mulf %get3A_889, %mul3A_890 : vector<16xf32>
        %swap3A_892 = arith.index_cast %add3A_839 : i32 to index
        %swap3A_893 = arith.constant 64 : index
        %swap3A_894 = tpu.vector_load %arg10[%swap3A_892, %swap3A_893] {strides = array<i32>} : memref<80x128xf32, #tpu.memory_space<vmem>>, vector<1x16xf32>,
        %swap3A_895 = vector.shape_cast %swap3A_894 : vector<1x16xf32> to vector<16xf32>
        %swap3A_896 = vector.shape_cast %mul3A_891 : vector<16xf32> to vector<1x16xf32>
        tpu.vector_store %arg10[%swap3A_892, %swap3A_893], %swap3A_896 {strides = array<i32>} : memref<80x128xf32, #tpu.memory_space<vmem>>, vector<1x16xf32>,
        %get3A_897 = arith.index_cast %add3A_839 : i32 to index
        %get3A_898 = arith.constant 80 : index
        %get3A_899 = tpu.vector_load %arg10[%get3A_897, %get3A_898] {strides = array<i32>} : memref<80x128xf32, #tpu.memory_space<vmem>>, vector<1x16xf32>,
        %get3A_900 = vector.shape_cast %get3A_899 : vector<1x16xf32> to vector<16xf32>
        %mul3A_901 = vector.broadcast %squeeze3A_841 : f32 to vector<16xf32>
        %mul3A_902 = arith.mulf %get3A_900, %mul3A_901 : vector<16xf32>
        %swap3A_903 = arith.index_cast %add3A_839 : i32 to index
        %swap3A_904 = arith.constant 80 : index
        %swap3A_905 = tpu.vector_load %arg10[%swap3A_903, %swap3A_904] {strides = array<i32>} : memref<80x128xf32, #tpu.memory_space<vmem>>, vector<1x16xf32>,
        %swap3A_906 = vector.shape_cast %swap3A_905 : vector<1x16xf32> to vector<16xf32>
        %swap3A_907 = vector.shape_cast %mul3A_902 : vector<16xf32> to vector<1x16xf32>
        tpu.vector_store %arg10[%swap3A_903, %swap3A_904], %swap3A_907 {strides = array<i32>} : memref<80x128xf32, #tpu.memory_space<vmem>>, vector<1x16xf32>,
        %get3A_908 = arith.index_cast %add3A_839 : i32 to index
        %get3A_909 = arith.constant 96 : index
        %get3A_910 = tpu.vector_load %arg10[%get3A_908, %get3A_909] {strides = array<i32>} : memref<80x128xf32, #tpu.memory_space<vmem>>, vector<1x16xf32>,
        %get3A_911 = vector.shape_cast %get3A_910 : vector<1x16xf32> to vector<16xf32>
        %mul3A_912 = vector.broadcast %squeeze3A_841 : f32 to vector<16xf32>
        %mul3A_913 = arith.mulf %get3A_911, %mul3A_912 : vector<16xf32>
        %swap3A_914 = arith.index_cast %add3A_839 : i32 to index
        %swap3A_915 = arith.constant 96 : index
        %swap3A_916 = tpu.vector_load %arg10[%swap3A_914, %swap3A_915] {strides = array<i32>} : memref<80x128xf32, #tpu.memory_space<vmem>>, vector<1x16xf32>,
        %swap3A_917 = vector.shape_cast %swap3A_916 : vector<1x16xf32> to vector<16xf32>
        %swap3A_918 = vector.shape_cast %mul3A_913 : vector<16xf32> to vector<1x16xf32>
        tpu.vector_store %arg10[%swap3A_914, %swap3A_915], %swap3A_918 {strides = array<i32>} : memref<80x128xf32, #tpu.memory_space<vmem>>, vector<1x16xf32>,
        %get3A_919 = arith.index_cast %add3A_839 : i32 to index
        %get3A_920 = arith.constant 112 : index
        %get3A_921 = tpu.vector_load %arg10[%get3A_919, %get3A_920] {strides = array<i32>} : memref<80x128xf32, #tpu.memory_space<vmem>>, vector<1x16xf32>,
        %get3A_922 = vector.shape_cast %get3A_921 : vector<1x16xf32> to vector<16xf32>
        %mul3A_923 = vector.broadcast %squeeze3A_841 : f32 to vector<16xf32>
        %mul3A_924 = arith.mulf %get3A_922, %mul3A_923 : vector<16xf32>
        %swap3A_925 = arith.index_cast %add3A_839 : i32 to index
        %swap3A_926 = arith.constant 112 : index
        %swap3A_927 = tpu.vector_load %arg10[%swap3A_925, %swap3A_926] {strides = array<i32>} : memref<80x128xf32, #tpu.memory_space<vmem>>, vector<1x16xf32>,
        %swap3A_928 = vector.shape_cast %swap3A_927 : vector<1x16xf32> to vector<16xf32>
        %swap3A_929 = vector.shape_cast %mul3A_924 : vector<16xf32> to vector<1x16xf32>
        tpu.vector_store %arg10[%swap3A_925, %swap3A_926], %swap3A_929 {strides = array<i32>} : memref<80x128xf32, #tpu.memory_space<vmem>>, vector<1x16xf32>,
        %mul3A_930 = arith.constant 16 : i32
        %mul3A_931 = arith.muli %scan3A_80, %mul3A_930 : i32
        %add3A_932 = arith.constant 9 : i32
        %add3A_933 = arith.addi %mul3A_931, %add3A_932 : i32
        %slice3A_934 = vector.extract_strided_slice %get3A_85 {offsets = [9], sizes = [1], strides = [1]} : vector<16xf32> to vector<1xf32>
        %squeeze3A_935 = vector.extract %slice3A_934[0] : f32 from vector<1xf32>
        %get3A_936 = arith.index_cast %add3A_933 : i32 to index
        %get3A_937 = arith.constant 0 : index
        %get3A_938 = tpu.vector_load %arg10[%get3A_936, %get3A_937] {strides = array<i32>} : memref<80x128xf32, #tpu.memory_space<vmem>>, vector<1x16xf32>,
        %get3A_939 = vector.shape_cast %get3A_938 : vector<1x16xf32> to vector<16xf32>
        %mul3A_940 = vector.broadcast %squeeze3A_935 : f32 to vector<16xf32>
        %mul3A_941 = arith.mulf %get3A_939, %mul3A_940 : vector<16xf32>
        %swap3A_942 = arith.index_cast %add3A_933 : i32 to index
        %swap3A_943 = arith.constant 0 : index
        %swap3A_944 = tpu.vector_load %arg10[%swap3A_942, %swap3A_943] {strides = array<i32>} : memref<80x128xf32, #tpu.memory_space<vmem>>, vector<1x16xf32>,
        %swap3A_945 = vector.shape_cast %swap3A_944 : vector<1x16xf32> to vector<16xf32>
        %swap3A_946 = vector.shape_cast %mul3A_941 : vector<16xf32> to vector<1x16xf32>
        tpu.vector_store %arg10[%swap3A_942, %swap3A_943], %swap3A_946 {strides = array<i32>} : memref<80x128xf32, #tpu.memory_space<vmem>>, vector<1x16xf32>,
        %get3A_947 = arith.index_cast %add3A_933 : i32 to index
        %get3A_948 = arith.constant 16 : index
        %get3A_949 = tpu.vector_load %arg10[%get3A_947, %get3A_948] {strides = array<i32>} : memref<80x128xf32, #tpu.memory_space<vmem>>, vector<1x16xf32>,
        %get3A_950 = vector.shape_cast %get3A_949 : vector<1x16xf32> to vector<16xf32>
        %mul3A_951 = vector.broadcast %squeeze3A_935 : f32 to vector<16xf32>
        %mul3A_952 = arith.mulf %get3A_950, %mul3A_951 : vector<16xf32>
        %swap3A_953 = arith.index_cast %add3A_933 : i32 to index
        %swap3A_954 = arith.constant 16 : index
        %swap3A_955 = tpu.vector_load %arg10[%swap3A_953, %swap3A_954] {strides = array<i32>} : memref<80x128xf32, #tpu.memory_space<vmem>>, vector<1x16xf32>,
        %swap3A_956 = vector.shape_cast %swap3A_955 : vector<1x16xf32> to vector<16xf32>
        %swap3A_957 = vector.shape_cast %mul3A_952 : vector<16xf32> to vector<1x16xf32>
        tpu.vector_store %arg10[%swap3A_953, %swap3A_954], %swap3A_957 {strides = array<i32>} : memref<80x128xf32, #tpu.memory_space<vmem>>, vector<1x16xf32>,
        %get3A_958 = arith.index_cast %add3A_933 : i32 to index
        %get3A_959 = arith.constant 32 : index
        %get3A_960 = tpu.vector_load %arg10[%get3A_958, %get3A_959] {strides = array<i32>} : memref<80x128xf32, #tpu.memory_space<vmem>>, vector<1x16xf32>,
        %get3A_961 = vector.shape_cast %get3A_960 : vector<1x16xf32> to vector<16xf32>
        %mul3A_962 = vector.broadcast %squeeze3A_935 : f32 to vector<16xf32>
        %mul3A_963 = arith.mulf %get3A_961, %mul3A_962 : vector<16xf32>
        %swap3A_964 = arith.index_cast %add3A_933 : i32 to index
        %swap3A_965 = arith.constant 32 : index
        %swap3A_966 = tpu.vector_load %arg10[%swap3A_964, %swap3A_965] {strides = array<i32>} : memref<80x128xf32, #tpu.memory_space<vmem>>, vector<1x16xf32>,
        %swap3A_967 = vector.shape_cast %swap3A_966 : vector<1x16xf32> to vector<16xf32>
        %swap3A_968 = vector.shape_cast %mul3A_963 : vector<16xf32> to vector<1x16xf32>
        tpu.vector_store %arg10[%swap3A_964, %swap3A_965], %swap3A_968 {strides = array<i32>} : memref<80x128xf32, #tpu.memory_space<vmem>>, vector<1x16xf32>,
        %get3A_969 = arith.index_cast %add3A_933 : i32 to index
        %get3A_970 = arith.constant 48 : index
        %get3A_971 = tpu.vector_load %arg10[%get3A_969, %get3A_970] {strides = array<i32>} : memref<80x128xf32, #tpu.memory_space<vmem>>, vector<1x16xf32>,
        %get3A_972 = vector.shape_cast %get3A_971 : vector<1x16xf32> to vector<16xf32>
        %mul3A_973 = vector.broadcast %squeeze3A_935 : f32 to vector<16xf32>
        %mul3A_974 = arith.mulf %get3A_972, %mul3A_973 : vector<16xf32>
        %swap3A_975 = arith.index_cast %add3A_933 : i32 to index
        %swap3A_976 = arith.constant 48 : index
        %swap3A_977 = tpu.vector_load %arg10[%swap3A_975, %swap3A_976] {strides = array<i32>} : memref<80x128xf32, #tpu.memory_space<vmem>>, vector<1x16xf32>,
        %swap3A_978 = vector.shape_cast %swap3A_977 : vector<1x16xf32> to vector<16xf32>
        %swap3A_979 = vector.shape_cast %mul3A_974 : vector<16xf32> to vector<1x16xf32>
        tpu.vector_store %arg10[%swap3A_975, %swap3A_976], %swap3A_979 {strides = array<i32>} : memref<80x128xf32, #tpu.memory_space<vmem>>, vector<1x16xf32>,
        %get3A_980 = arith.index_cast %add3A_933 : i32 to index
        %get3A_981 = arith.constant 64 : index
        %get3A_982 = tpu.vector_load %arg10[%get3A_980, %get3A_981] {strides = array<i32>} : memref<80x128xf32, #tpu.memory_space<vmem>>, vector<1x16xf32>,
        %get3A_983 = vector.shape_cast %get3A_982 : vector<1x16xf32> to vector<16xf32>
        %mul3A_984 = vector.broadcast %squeeze3A_935 : f32 to vector<16xf32>
        %mul3A_985 = arith.mulf %get3A_983, %mul3A_984 : vector<16xf32>
        %swap3A_986 = arith.index_cast %add3A_933 : i32 to index
        %swap3A_987 = arith.constant 64 : index
        %swap3A_988 = tpu.vector_load %arg10[%swap3A_986, %swap3A_987] {strides = array<i32>} : memref<80x128xf32, #tpu.memory_space<vmem>>, vector<1x16xf32>,
        %swap3A_989 = vector.shape_cast %swap3A_988 : vector<1x16xf32> to vector<16xf32>
        %swap3A_990 = vector.shape_cast %mul3A_985 : vector<16xf32> to vector<1x16xf32>
        tpu.vector_store %arg10[%swap3A_986, %swap3A_987], %swap3A_990 {strides = array<i32>} : memref<80x128xf32, #tpu.memory_space<vmem>>, vector<1x16xf32>,
        %get3A_991 = arith.index_cast %add3A_933 : i32 to index
        %get3A_992 = arith.constant 80 : index
        %get3A_993 = tpu.vector_load %arg10[%get3A_991, %get3A_992] {strides = array<i32>} : memref<80x128xf32, #tpu.memory_space<vmem>>, vector<1x16xf32>,
        %get3A_994 = vector.shape_cast %get3A_993 : vector<1x16xf32> to vector<16xf32>
        %mul3A_995 = vector.broadcast %squeeze3A_935 : f32 to vector<16xf32>
        %mul3A_996 = arith.mulf %get3A_994, %mul3A_995 : vector<16xf32>
        %swap3A_997 = arith.index_cast %add3A_933 : i32 to index
        %swap3A_998 = arith.constant 80 : index
        %swap3A_999 = tpu.vector_load %arg10[%swap3A_997, %swap3A_998] {strides = array<i32>} : memref<80x128xf32, #tpu.memory_space<vmem>>, vector<1x16xf32>,
        %swap3A_1000 = vector.shape_cast %swap3A_999 : vector<1x16xf32> to vector<16xf32>
        %swap3A_1001 = vector.shape_cast %mul3A_996 : vector<16xf32> to vector<1x16xf32>
        tpu.vector_store %arg10[%swap3A_997, %swap3A_998], %swap3A_1001 {strides = array<i32>} : memref<80x128xf32, #tpu.memory_space<vmem>>, vector<1x16xf32>,
        %get3A_1002 = arith.index_cast %add3A_933 : i32 to index
        %get3A_1003 = arith.constant 96 : index
        %get3A_1004 = tpu.vector_load %arg10[%get3A_1002, %get3A_1003] {strides = array<i32>} : memref<80x128xf32, #tpu.memory_space<vmem>>, vector<1x16xf32>,
        %get3A_1005 = vector.shape_cast %get3A_1004 : vector<1x16xf32> to vector<16xf32>
        %mul3A_1006 = vector.broadcast %squeeze3A_935 : f32 to vector<16xf32>
        %mul3A_1007 = arith.mulf %get3A_1005, %mul3A_1006 : vector<16xf32>
        %swap3A_1008 = arith.index_cast %add3A_933 : i32 to index
        %swap3A_1009 = arith.constant 96 : index
        %swap3A_1010 = tpu.vector_load %arg10[%swap3A_1008, %swap3A_1009] {strides = array<i32>} : memref<80x128xf32, #tpu.memory_space<vmem>>, vector<1x16xf32>,
        %swap3A_1011 = vector.shape_cast %swap3A_1010 : vector<1x16xf32> to vector<16xf32>
        %swap3A_1012 = vector.shape_cast %mul3A_1007 : vector<16xf32> to vector<1x16xf32>
        tpu.vector_store %arg10[%swap3A_1008, %swap3A_1009], %swap3A_1012 {strides = array<i32>} : memref<80x128xf32, #tpu.memory_space<vmem>>, vector<1x16xf32>,
        %get3A_1013 = arith.index_cast %add3A_933 : i32 to index
        %get3A_1014 = arith.constant 112 : index
        %get3A_1015 = tpu.vector_load %arg10[%get3A_1013, %get3A_1014] {strides = array<i32>} : memref<80x128xf32, #tpu.memory_space<vmem>>, vector<1x16xf32>,
        %get3A_1016 = vector.shape_cast %get3A_1015 : vector<1x16xf32> to vector<16xf32>
        %mul3A_1017 = vector.broadcast %squeeze3A_935 : f32 to vector<16xf32>
        %mul3A_1018 = arith.mulf %get3A_1016, %mul3A_1017 : vector<16xf32>
        %swap3A_1019 = arith.index_cast %add3A_933 : i32 to index
        %swap3A_1020 = arith.constant 112 : index
        %swap3A_1021 = tpu.vector_load %arg10[%swap3A_1019, %swap3A_1020] {strides = array<i32>} : memref<80x128xf32, #tpu.memory_space<vmem>>, vector<1x16xf32>,
        %swap3A_1022 = vector.shape_cast %swap3A_1021 : vector<1x16xf32> to vector<16xf32>
        %swap3A_1023 = vector.shape_cast %mul3A_1018 : vector<16xf32> to vector<1x16xf32>
        tpu.vector_store %arg10[%swap3A_1019, %swap3A_1020], %swap3A_1023 {strides = array<i32>} : memref<80x128xf32, #tpu.memory_space<vmem>>, vector<1x16xf32>,
        %mul3A_1024 = arith.constant 16 : i32
        %mul3A_1025 = arith.muli %scan3A_80, %mul3A_1024 : i32
        %add3A_1026 = arith.constant 10 : i32
        %add3A_1027 = arith.addi %mul3A_1025, %add3A_1026 : i32
        %slice3A_1028 = vector.extract_strided_slice %get3A_85 {offsets = [10], sizes = [1], strides = [1]} : vector<16xf32> to vector<1xf32>
        %squeeze3A_1029 = vector.extract %slice3A_1028[0] : f32 from vector<1xf32>
        %get3A_1030 = arith.index_cast %add3A_1027 : i32 to index
        %get3A_1031 = arith.constant 0 : index
        %get3A_1032 = tpu.vector_load %arg10[%get3A_1030, %get3A_1031] {strides = array<i32>} : memref<80x128xf32, #tpu.memory_space<vmem>>, vector<1x16xf32>,
        %get3A_1033 = vector.shape_cast %get3A_1032 : vector<1x16xf32> to vector<16xf32>
        %mul3A_1034 = vector.broadcast %squeeze3A_1029 : f32 to vector<16xf32>
        %mul3A_1035 = arith.mulf %get3A_1033, %mul3A_1034 : vector<16xf32>
        %swap3A_1036 = arith.index_cast %add3A_1027 : i32 to index
        %swap3A_1037 = arith.constant 0 : index
        %swap3A_1038 = tpu.vector_load %arg10[%swap3A_1036, %swap3A_1037] {strides = array<i32>} : memref<80x128xf32, #tpu.memory_space<vmem>>, vector<1x16xf32>,
        %swap3A_1039 = vector.shape_cast %swap3A_1038 : vector<1x16xf32> to vector<16xf32>
        %swap3A_1040 = vector.shape_cast %mul3A_1035 : vector<16xf32> to vector<1x16xf32>
        tpu.vector_store %arg10[%swap3A_1036, %swap3A_1037], %swap3A_1040 {strides = array<i32>} : memref<80x128xf32, #tpu.memory_space<vmem>>, vector<1x16xf32>,
        %get3A_1041 = arith.index_cast %add3A_1027 : i32 to index
        %get3A_1042 = arith.constant 16 : index
        %get3A_1043 = tpu.vector_load %arg10[%get3A_1041, %get3A_1042] {strides = array<i32>} : memref<80x128xf32, #tpu.memory_space<vmem>>, vector<1x16xf32>,
        %get3A_1044 = vector.shape_cast %get3A_1043 : vector<1x16xf32> to vector<16xf32>
        %mul3A_1045 = vector.broadcast %squeeze3A_1029 : f32 to vector<16xf32>
        %mul3A_1046 = arith.mulf %get3A_1044, %mul3A_1045 : vector<16xf32>
        %swap3A_1047 = arith.index_cast %add3A_1027 : i32 to index
        %swap3A_1048 = arith.constant 16 : index
        %swap3A_1049 = tpu.vector_load %arg10[%swap3A_1047, %swap3A_1048] {strides = array<i32>} : memref<80x128xf32, #tpu.memory_space<vmem>>, vector<1x16xf32>,
        %swap3A_1050 = vector.shape_cast %swap3A_1049 : vector<1x16xf32> to vector<16xf32>
        %swap3A_1051 = vector.shape_cast %mul3A_1046 : vector<16xf32> to vector<1x16xf32>
        tpu.vector_store %arg10[%swap3A_1047, %swap3A_1048], %swap3A_1051 {strides = array<i32>} : memref<80x128xf32, #tpu.memory_space<vmem>>, vector<1x16xf32>,
        %get3A_1052 = arith.index_cast %add3A_1027 : i32 to index
        %get3A_1053 = arith.constant 32 : index
        %get3A_1054 = tpu.vector_load %arg10[%get3A_1052, %get3A_1053] {strides = array<i32>} : memref<80x128xf32, #tpu.memory_space<vmem>>, vector<1x16xf32>,
        %get3A_1055 = vector.shape_cast %get3A_1054 : vector<1x16xf32> to vector<16xf32>
        %mul3A_1056 = vector.broadcast %squeeze3A_1029 : f32 to vector<16xf32>
        %mul3A_1057 = arith.mulf %get3A_1055, %mul3A_1056 : vector<16xf32>
        %swap3A_1058 = arith.index_cast %add3A_1027 : i32 to index
        %swap3A_1059 = arith.constant 32 : index
        %swap3A_1060 = tpu.vector_load %arg10[%swap3A_1058, %swap3A_1059] {strides = array<i32>} : memref<80x128xf32, #tpu.memory_space<vmem>>, vector<1x16xf32>,
        %swap3A_1061 = vector.shape_cast %swap3A_1060 : vector<1x16xf32> to vector<16xf32>
        %swap3A_1062 = vector.shape_cast %mul3A_1057 : vector<16xf32> to vector<1x16xf32>
        tpu.vector_store %arg10[%swap3A_1058, %swap3A_1059], %swap3A_1062 {strides = array<i32>} : memref<80x128xf32, #tpu.memory_space<vmem>>, vector<1x16xf32>,
        %get3A_1063 = arith.index_cast %add3A_1027 : i32 to index
        %get3A_1064 = arith.constant 48 : index
        %get3A_1065 = tpu.vector_load %arg10[%get3A_1063, %get3A_1064] {strides = array<i32>} : memref<80x128xf32, #tpu.memory_space<vmem>>, vector<1x16xf32>,
        %get3A_1066 = vector.shape_cast %get3A_1065 : vector<1x16xf32> to vector<16xf32>
        %mul3A_1067 = vector.broadcast %squeeze3A_1029 : f32 to vector<16xf32>
        %mul3A_1068 = arith.mulf %get3A_1066, %mul3A_1067 : vector<16xf32>
        %swap3A_1069 = arith.index_cast %add3A_1027 : i32 to index
        %swap3A_1070 = arith.constant 48 : index
        %swap3A_1071 = tpu.vector_load %arg10[%swap3A_1069, %swap3A_1070] {strides = array<i32>} : memref<80x128xf32, #tpu.memory_space<vmem>>, vector<1x16xf32>,
        %swap3A_1072 = vector.shape_cast %swap3A_1071 : vector<1x16xf32> to vector<16xf32>
        %swap3A_1073 = vector.shape_cast %mul3A_1068 : vector<16xf32> to vector<1x16xf32>
        tpu.vector_store %arg10[%swap3A_1069, %swap3A_1070], %swap3A_1073 {strides = array<i32>} : memref<80x128xf32, #tpu.memory_space<vmem>>, vector<1x16xf32>,
        %get3A_1074 = arith.index_cast %add3A_1027 : i32 to index
        %get3A_1075 = arith.constant 64 : index
        %get3A_1076 = tpu.vector_load %arg10[%get3A_1074, %get3A_1075] {strides = array<i32>} : memref<80x128xf32, #tpu.memory_space<vmem>>, vector<1x16xf32>,
        %get3A_1077 = vector.shape_cast %get3A_1076 : vector<1x16xf32> to vector<16xf32>
        %mul3A_1078 = vector.broadcast %squeeze3A_1029 : f32 to vector<16xf32>
        %mul3A_1079 = arith.mulf %get3A_1077, %mul3A_1078 : vector<16xf32>
        %swap3A_1080 = arith.index_cast %add3A_1027 : i32 to index
        %swap3A_1081 = arith.constant 64 : index
        %swap3A_1082 = tpu.vector_load %arg10[%swap3A_1080, %swap3A_1081] {strides = array<i32>} : memref<80x128xf32, #tpu.memory_space<vmem>>, vector<1x16xf32>,
        %swap3A_1083 = vector.shape_cast %swap3A_1082 : vector<1x16xf32> to vector<16xf32>
        %swap3A_1084 = vector.shape_cast %mul3A_1079 : vector<16xf32> to vector<1x16xf32>
        tpu.vector_store %arg10[%swap3A_1080, %swap3A_1081], %swap3A_1084 {strides = array<i32>} : memref<80x128xf32, #tpu.memory_space<vmem>>, vector<1x16xf32>,
        %get3A_1085 = arith.index_cast %add3A_1027 : i32 to index
        %get3A_1086 = arith.constant 80 : index
        %get3A_1087 = tpu.vector_load %arg10[%get3A_1085, %get3A_1086] {strides = array<i32>} : memref<80x128xf32, #tpu.memory_space<vmem>>, vector<1x16xf32>,
        %get3A_1088 = vector.shape_cast %get3A_1087 : vector<1x16xf32> to vector<16xf32>
        %mul3A_1089 = vector.broadcast %squeeze3A_1029 : f32 to vector<16xf32>
        %mul3A_1090 = arith.mulf %get3A_1088, %mul3A_1089 : vector<16xf32>
        %swap3A_1091 = arith.index_cast %add3A_1027 : i32 to index
        %swap3A_1092 = arith.constant 80 : index
        %swap3A_1093 = tpu.vector_load %arg10[%swap3A_1091, %swap3A_1092] {strides = array<i32>} : memref<80x128xf32, #tpu.memory_space<vmem>>, vector<1x16xf32>,
        %swap3A_1094 = vector.shape_cast %swap3A_1093 : vector<1x16xf32> to vector<16xf32>
        %swap3A_1095 = vector.shape_cast %mul3A_1090 : vector<16xf32> to vector<1x16xf32>
        tpu.vector_store %arg10[%swap3A_1091, %swap3A_1092], %swap3A_1095 {strides = array<i32>} : memref<80x128xf32, #tpu.memory_space<vmem>>, vector<1x16xf32>,
        %get3A_1096 = arith.index_cast %add3A_1027 : i32 to index
        %get3A_1097 = arith.constant 96 : index
        %get3A_1098 = tpu.vector_load %arg10[%get3A_1096, %get3A_1097] {strides = array<i32>} : memref<80x128xf32, #tpu.memory_space<vmem>>, vector<1x16xf32>,
        %get3A_1099 = vector.shape_cast %get3A_1098 : vector<1x16xf32> to vector<16xf32>
        %mul3A_1100 = vector.broadcast %squeeze3A_1029 : f32 to vector<16xf32>
        %mul3A_1101 = arith.mulf %get3A_1099, %mul3A_1100 : vector<16xf32>
        %swap3A_1102 = arith.index_cast %add3A_1027 : i32 to index
        %swap3A_1103 = arith.constant 96 : index
        %swap3A_1104 = tpu.vector_load %arg10[%swap3A_1102, %swap3A_1103] {strides = array<i32>} : memref<80x128xf32, #tpu.memory_space<vmem>>, vector<1x16xf32>,
        %swap3A_1105 = vector.shape_cast %swap3A_1104 : vector<1x16xf32> to vector<16xf32>
        %swap3A_1106 = vector.shape_cast %mul3A_1101 : vector<16xf32> to vector<1x16xf32>
        tpu.vector_store %arg10[%swap3A_1102, %swap3A_1103], %swap3A_1106 {strides = array<i32>} : memref<80x128xf32, #tpu.memory_space<vmem>>, vector<1x16xf32>,
        %get3A_1107 = arith.index_cast %add3A_1027 : i32 to index
        %get3A_1108 = arith.constant 112 : index
        %get3A_1109 = tpu.vector_load %arg10[%get3A_1107, %get3A_1108] {strides = array<i32>} : memref<80x128xf32, #tpu.memory_space<vmem>>, vector<1x16xf32>,
        %get3A_1110 = vector.shape_cast %get3A_1109 : vector<1x16xf32> to vector<16xf32>
        %mul3A_1111 = vector.broadcast %squeeze3A_1029 : f32 to vector<16xf32>
        %mul3A_1112 = arith.mulf %get3A_1110, %mul3A_1111 : vector<16xf32>
        %swap3A_1113 = arith.index_cast %add3A_1027 : i32 to index
        %swap3A_1114 = arith.constant 112 : index
        %swap3A_1115 = tpu.vector_load %arg10[%swap3A_1113, %swap3A_1114] {strides = array<i32>} : memref<80x128xf32, #tpu.memory_space<vmem>>, vector<1x16xf32>,
        %swap3A_1116 = vector.shape_cast %swap3A_1115 : vector<1x16xf32> to vector<16xf32>
        %swap3A_1117 = vector.shape_cast %mul3A_1112 : vector<16xf32> to vector<1x16xf32>
        tpu.vector_store %arg10[%swap3A_1113, %swap3A_1114], %swap3A_1117 {strides = array<i32>} : memref<80x128xf32, #tpu.memory_space<vmem>>, vector<1x16xf32>,
        %mul3A_1118 = arith.constant 16 : i32
        %mul3A_1119 = arith.muli %scan3A_80, %mul3A_1118 : i32
        %add3A_1120 = arith.constant 11 : i32
        %add3A_1121 = arith.addi %mul3A_1119, %add3A_1120 : i32
        %slice3A_1122 = vector.extract_strided_slice %get3A_85 {offsets = [11], sizes = [1], strides = [1]} : vector<16xf32> to vector<1xf32>
        %squeeze3A_1123 = vector.extract %slice3A_1122[0] : f32 from vector<1xf32>
        %get3A_1124 = arith.index_cast %add3A_1121 : i32 to index
        %get3A_1125 = arith.constant 0 : index
        %get3A_1126 = tpu.vector_load %arg10[%get3A_1124, %get3A_1125] {strides = array<i32>} : memref<80x128xf32, #tpu.memory_space<vmem>>, vector<1x16xf32>,
        %get3A_1127 = vector.shape_cast %get3A_1126 : vector<1x16xf32> to vector<16xf32>
        %mul3A_1128 = vector.broadcast %squeeze3A_1123 : f32 to vector<16xf32>
        %mul3A_1129 = arith.mulf %get3A_1127, %mul3A_1128 : vector<16xf32>
        %swap3A_1130 = arith.index_cast %add3A_1121 : i32 to index
        %swap3A_1131 = arith.constant 0 : index
        %swap3A_1132 = tpu.vector_load %arg10[%swap3A_1130, %swap3A_1131] {strides = array<i32>} : memref<80x128xf32, #tpu.memory_space<vmem>>, vector<1x16xf32>,
        %swap3A_1133 = vector.shape_cast %swap3A_1132 : vector<1x16xf32> to vector<16xf32>
        %swap3A_1134 = vector.shape_cast %mul3A_1129 : vector<16xf32> to vector<1x16xf32>
        tpu.vector_store %arg10[%swap3A_1130, %swap3A_1131], %swap3A_1134 {strides = array<i32>} : memref<80x128xf32, #tpu.memory_space<vmem>>, vector<1x16xf32>,
        %get3A_1135 = arith.index_cast %add3A_1121 : i32 to index
        %get3A_1136 = arith.constant 16 : index
        %get3A_1137 = tpu.vector_load %arg10[%get3A_1135, %get3A_1136] {strides = array<i32>} : memref<80x128xf32, #tpu.memory_space<vmem>>, vector<1x16xf32>,
        %get3A_1138 = vector.shape_cast %get3A_1137 : vector<1x16xf32> to vector<16xf32>
        %mul3A_1139 = vector.broadcast %squeeze3A_1123 : f32 to vector<16xf32>
        %mul3A_1140 = arith.mulf %get3A_1138, %mul3A_1139 : vector<16xf32>
        %swap3A_1141 = arith.index_cast %add3A_1121 : i32 to index
        %swap3A_1142 = arith.constant 16 : index
        %swap3A_1143 = tpu.vector_load %arg10[%swap3A_1141, %swap3A_1142] {strides = array<i32>} : memref<80x128xf32, #tpu.memory_space<vmem>>, vector<1x16xf32>,
        %swap3A_1144 = vector.shape_cast %swap3A_1143 : vector<1x16xf32> to vector<16xf32>
        %swap3A_1145 = vector.shape_cast %mul3A_1140 : vector<16xf32> to vector<1x16xf32>
        tpu.vector_store %arg10[%swap3A_1141, %swap3A_1142], %swap3A_1145 {strides = array<i32>} : memref<80x128xf32, #tpu.memory_space<vmem>>, vector<1x16xf32>,
        %get3A_1146 = arith.index_cast %add3A_1121 : i32 to index
        %get3A_1147 = arith.constant 32 : index
        %get3A_1148 = tpu.vector_load %arg10[%get3A_1146, %get3A_1147] {strides = array<i32>} : memref<80x128xf32, #tpu.memory_space<vmem>>, vector<1x16xf32>,
        %get3A_1149 = vector.shape_cast %get3A_1148 : vector<1x16xf32> to vector<16xf32>
        %mul3A_1150 = vector.broadcast %squeeze3A_1123 : f32 to vector<16xf32>
        %mul3A_1151 = arith.mulf %get3A_1149, %mul3A_1150 : vector<16xf32>
        %swap3A_1152 = arith.index_cast %add3A_1121 : i32 to index
        %swap3A_1153 = arith.constant 32 : index
        %swap3A_1154 = tpu.vector_load %arg10[%swap3A_1152, %swap3A_1153] {strides = array<i32>} : memref<80x128xf32, #tpu.memory_space<vmem>>, vector<1x16xf32>,
        %swap3A_1155 = vector.shape_cast %swap3A_1154 : vector<1x16xf32> to vector<16xf32>
        %swap3A_1156 = vector.shape_cast %mul3A_1151 : vector<16xf32> to vector<1x16xf32>
        tpu.vector_store %arg10[%swap3A_1152, %swap3A_1153], %swap3A_1156 {strides = array<i32>} : memref<80x128xf32, #tpu.memory_space<vmem>>, vector<1x16xf32>,
        %get3A_1157 = arith.index_cast %add3A_1121 : i32 to index
        %get3A_1158 = arith.constant 48 : index
        %get3A_1159 = tpu.vector_load %arg10[%get3A_1157, %get3A_1158] {strides = array<i32>} : memref<80x128xf32, #tpu.memory_space<vmem>>, vector<1x16xf32>,
        %get3A_1160 = vector.shape_cast %get3A_1159 : vector<1x16xf32> to vector<16xf32>
        %mul3A_1161 = vector.broadcast %squeeze3A_1123 : f32 to vector<16xf32>
        %mul3A_1162 = arith.mulf %get3A_1160, %mul3A_1161 : vector<16xf32>
        %swap3A_1163 = arith.index_cast %add3A_1121 : i32 to index
        %swap3A_1164 = arith.constant 48 : index
        %swap3A_1165 = tpu.vector_load %arg10[%swap3A_1163, %swap3A_1164] {strides = array<i32>} : memref<80x128xf32, #tpu.memory_space<vmem>>, vector<1x16xf32>,
        %swap3A_1166 = vector.shape_cast %swap3A_1165 : vector<1x16xf32> to vector<16xf32>
        %swap3A_1167 = vector.shape_cast %mul3A_1162 : vector<16xf32> to vector<1x16xf32>
        tpu.vector_store %arg10[%swap3A_1163, %swap3A_1164], %swap3A_1167 {strides = array<i32>} : memref<80x128xf32, #tpu.memory_space<vmem>>, vector<1x16xf32>,
        %get3A_1168 = arith.index_cast %add3A_1121 : i32 to index
        %get3A_1169 = arith.constant 64 : index
        %get3A_1170 = tpu.vector_load %arg10[%get3A_1168, %get3A_1169] {strides = array<i32>} : memref<80x128xf32, #tpu.memory_space<vmem>>, vector<1x16xf32>,
        %get3A_1171 = vector.shape_cast %get3A_1170 : vector<1x16xf32> to vector<16xf32>
        %mul3A_1172 = vector.broadcast %squeeze3A_1123 : f32 to vector<16xf32>
        %mul3A_1173 = arith.mulf %get3A_1171, %mul3A_1172 : vector<16xf32>
        %swap3A_1174 = arith.index_cast %add3A_1121 : i32 to index
        %swap3A_1175 = arith.constant 64 : index
        %swap3A_1176 = tpu.vector_load %arg10[%swap3A_1174, %swap3A_1175] {strides = array<i32>} : memref<80x128xf32, #tpu.memory_space<vmem>>, vector<1x16xf32>,
        %swap3A_1177 = vector.shape_cast %swap3A_1176 : vector<1x16xf32> to vector<16xf32>
        %swap3A_1178 = vector.shape_cast %mul3A_1173 : vector<16xf32> to vector<1x16xf32>
        tpu.vector_store %arg10[%swap3A_1174, %swap3A_1175], %swap3A_1178 {strides = array<i32>} : memref<80x128xf32, #tpu.memory_space<vmem>>, vector<1x16xf32>,
        %get3A_1179 = arith.index_cast %add3A_1121 : i32 to index
        %get3A_1180 = arith.constant 80 : index
        %get3A_1181 = tpu.vector_load %arg10[%get3A_1179, %get3A_1180] {strides = array<i32>} : memref<80x128xf32, #tpu.memory_space<vmem>>, vector<1x16xf32>,
        %get3A_1182 = vector.shape_cast %get3A_1181 : vector<1x16xf32> to vector<16xf32>
        %mul3A_1183 = vector.broadcast %squeeze3A_1123 : f32 to vector<16xf32>
        %mul3A_1184 = arith.mulf %get3A_1182, %mul3A_1183 : vector<16xf32>
        %swap3A_1185 = arith.index_cast %add3A_1121 : i32 to index
        %swap3A_1186 = arith.constant 80 : index
        %swap3A_1187 = tpu.vector_load %arg10[%swap3A_1185, %swap3A_1186] {strides = array<i32>} : memref<80x128xf32, #tpu.memory_space<vmem>>, vector<1x16xf32>,
        %swap3A_1188 = vector.shape_cast %swap3A_1187 : vector<1x16xf32> to vector<16xf32>
        %swap3A_1189 = vector.shape_cast %mul3A_1184 : vector<16xf32> to vector<1x16xf32>
        tpu.vector_store %arg10[%swap3A_1185, %swap3A_1186], %swap3A_1189 {strides = array<i32>} : memref<80x128xf32, #tpu.memory_space<vmem>>, vector<1x16xf32>,
        %get3A_1190 = arith.index_cast %add3A_1121 : i32 to index
        %get3A_1191 = arith.constant 96 : index
        %get3A_1192 = tpu.vector_load %arg10[%get3A_1190, %get3A_1191] {strides = array<i32>} : memref<80x128xf32, #tpu.memory_space<vmem>>, vector<1x16xf32>,
        %get3A_1193 = vector.shape_cast %get3A_1192 : vector<1x16xf32> to vector<16xf32>
        %mul3A_1194 = vector.broadcast %squeeze3A_1123 : f32 to vector<16xf32>
        %mul3A_1195 = arith.mulf %get3A_1193, %mul3A_1194 : vector<16xf32>
        %swap3A_1196 = arith.index_cast %add3A_1121 : i32 to index
        %swap3A_1197 = arith.constant 96 : index
        %swap3A_1198 = tpu.vector_load %arg10[%swap3A_1196, %swap3A_1197] {strides = array<i32>} : memref<80x128xf32, #tpu.memory_space<vmem>>, vector<1x16xf32>,
        %swap3A_1199 = vector.shape_cast %swap3A_1198 : vector<1x16xf32> to vector<16xf32>
        %swap3A_1200 = vector.shape_cast %mul3A_1195 : vector<16xf32> to vector<1x16xf32>
        tpu.vector_store %arg10[%swap3A_1196, %swap3A_1197], %swap3A_1200 {strides = array<i32>} : memref<80x128xf32, #tpu.memory_space<vmem>>, vector<1x16xf32>,
        %get3A_1201 = arith.index_cast %add3A_1121 : i32 to index
        %get3A_1202 = arith.constant 112 : index
        %get3A_1203 = tpu.vector_load %arg10[%get3A_1201, %get3A_1202] {strides = array<i32>} : memref<80x128xf32, #tpu.memory_space<vmem>>, vector<1x16xf32>,
        %get3A_1204 = vector.shape_cast %get3A_1203 : vector<1x16xf32> to vector<16xf32>
        %mul3A_1205 = vector.broadcast %squeeze3A_1123 : f32 to vector<16xf32>
        %mul3A_1206 = arith.mulf %get3A_1204, %mul3A_1205 : vector<16xf32>
        %swap3A_1207 = arith.index_cast %add3A_1121 : i32 to index
        %swap3A_1208 = arith.constant 112 : index
        %swap3A_1209 = tpu.vector_load %arg10[%swap3A_1207, %swap3A_1208] {strides = array<i32>} : memref<80x128xf32, #tpu.memory_space<vmem>>, vector<1x16xf32>,
        %swap3A_1210 = vector.shape_cast %swap3A_1209 : vector<1x16xf32> to vector<16xf32>
        %swap3A_1211 = vector.shape_cast %mul3A_1206 : vector<16xf32> to vector<1x16xf32>
        tpu.vector_store %arg10[%swap3A_1207, %swap3A_1208], %swap3A_1211 {strides = array<i32>} : memref<80x128xf32, #tpu.memory_space<vmem>>, vector<1x16xf32>,
        %mul3A_1212 = arith.constant 16 : i32
        %mul3A_1213 = arith.muli %scan3A_80, %mul3A_1212 : i32
        %add3A_1214 = arith.constant 12 : i32
        %add3A_1215 = arith.addi %mul3A_1213, %add3A_1214 : i32
        %slice3A_1216 = vector.extract_strided_slice %get3A_85 {offsets = [12], sizes = [1], strides = [1]} : vector<16xf32> to vector<1xf32>
        %squeeze3A_1217 = vector.extract %slice3A_1216[0] : f32 from vector<1xf32>
        %get3A_1218 = arith.index_cast %add3A_1215 : i32 to index
        %get3A_1219 = arith.constant 0 : index
        %get3A_1220 = tpu.vector_load %arg10[%get3A_1218, %get3A_1219] {strides = array<i32>} : memref<80x128xf32, #tpu.memory_space<vmem>>, vector<1x16xf32>,
        %get3A_1221 = vector.shape_cast %get3A_1220 : vector<1x16xf32> to vector<16xf32>
        %mul3A_1222 = vector.broadcast %squeeze3A_1217 : f32 to vector<16xf32>
        %mul3A_1223 = arith.mulf %get3A_1221, %mul3A_1222 : vector<16xf32>
        %swap3A_1224 = arith.index_cast %add3A_1215 : i32 to index
        %swap3A_1225 = arith.constant 0 : index
        %swap3A_1226 = tpu.vector_load %arg10[%swap3A_1224, %swap3A_1225] {strides = array<i32>} : memref<80x128xf32, #tpu.memory_space<vmem>>, vector<1x16xf32>,
        %swap3A_1227 = vector.shape_cast %swap3A_1226 : vector<1x16xf32> to vector<16xf32>
        %swap3A_1228 = vector.shape_cast %mul3A_1223 : vector<16xf32> to vector<1x16xf32>
        tpu.vector_store %arg10[%swap3A_1224, %swap3A_1225], %swap3A_1228 {strides = array<i32>} : memref<80x128xf32, #tpu.memory_space<vmem>>, vector<1x16xf32>,
        %get3A_1229 = arith.index_cast %add3A_1215 : i32 to index
        %get3A_1230 = arith.constant 16 : index
        %get3A_1231 = tpu.vector_load %arg10[%get3A_1229, %get3A_1230] {strides = array<i32>} : memref<80x128xf32, #tpu.memory_space<vmem>>, vector<1x16xf32>,
        %get3A_1232 = vector.shape_cast %get3A_1231 : vector<1x16xf32> to vector<16xf32>
        %mul3A_1233 = vector.broadcast %squeeze3A_1217 : f32 to vector<16xf32>
        %mul3A_1234 = arith.mulf %get3A_1232, %mul3A_1233 : vector<16xf32>
        %swap3A_1235 = arith.index_cast %add3A_1215 : i32 to index
        %swap3A_1236 = arith.constant 16 : index
        %swap3A_1237 = tpu.vector_load %arg10[%swap3A_1235, %swap3A_1236] {strides = array<i32>} : memref<80x128xf32, #tpu.memory_space<vmem>>, vector<1x16xf32>,
        %swap3A_1238 = vector.shape_cast %swap3A_1237 : vector<1x16xf32> to vector<16xf32>
        %swap3A_1239 = vector.shape_cast %mul3A_1234 : vector<16xf32> to vector<1x16xf32>
        tpu.vector_store %arg10[%swap3A_1235, %swap3A_1236], %swap3A_1239 {strides = array<i32>} : memref<80x128xf32, #tpu.memory_space<vmem>>, vector<1x16xf32>,
        %get3A_1240 = arith.index_cast %add3A_1215 : i32 to index
        %get3A_1241 = arith.constant 32 : index
        %get3A_1242 = tpu.vector_load %arg10[%get3A_1240, %get3A_1241] {strides = array<i32>} : memref<80x128xf32, #tpu.memory_space<vmem>>, vector<1x16xf32>,
        %get3A_1243 = vector.shape_cast %get3A_1242 : vector<1x16xf32> to vector<16xf32>
        %mul3A_1244 = vector.broadcast %squeeze3A_1217 : f32 to vector<16xf32>
        %mul3A_1245 = arith.mulf %get3A_1243, %mul3A_1244 : vector<16xf32>
        %swap3A_1246 = arith.index_cast %add3A_1215 : i32 to index
        %swap3A_1247 = arith.constant 32 : index
        %swap3A_1248 = tpu.vector_load %arg10[%swap3A_1246, %swap3A_1247] {strides = array<i32>} : memref<80x128xf32, #tpu.memory_space<vmem>>, vector<1x16xf32>,
        %swap3A_1249 = vector.shape_cast %swap3A_1248 : vector<1x16xf32> to vector<16xf32>
        %swap3A_1250 = vector.shape_cast %mul3A_1245 : vector<16xf32> to vector<1x16xf32>
        tpu.vector_store %arg10[%swap3A_1246, %swap3A_1247], %swap3A_1250 {strides = array<i32>} : memref<80x128xf32, #tpu.memory_space<vmem>>, vector<1x16xf32>,
        %get3A_1251 = arith.index_cast %add3A_1215 : i32 to index
        %get3A_1252 = arith.constant 48 : index
        %get3A_1253 = tpu.vector_load %arg10[%get3A_1251, %get3A_1252] {strides = array<i32>} : memref<80x128xf32, #tpu.memory_space<vmem>>, vector<1x16xf32>,
        %get3A_1254 = vector.shape_cast %get3A_1253 : vector<1x16xf32> to vector<16xf32>
        %mul3A_1255 = vector.broadcast %squeeze3A_1217 : f32 to vector<16xf32>
        %mul3A_1256 = arith.mulf %get3A_1254, %mul3A_1255 : vector<16xf32>
        %swap3A_1257 = arith.index_cast %add3A_1215 : i32 to index
        %swap3A_1258 = arith.constant 48 : index
        %swap3A_1259 = tpu.vector_load %arg10[%swap3A_1257, %swap3A_1258] {strides = array<i32>} : memref<80x128xf32, #tpu.memory_space<vmem>>, vector<1x16xf32>,
        %swap3A_1260 = vector.shape_cast %swap3A_1259 : vector<1x16xf32> to vector<16xf32>
        %swap3A_1261 = vector.shape_cast %mul3A_1256 : vector<16xf32> to vector<1x16xf32>
        tpu.vector_store %arg10[%swap3A_1257, %swap3A_1258], %swap3A_1261 {strides = array<i32>} : memref<80x128xf32, #tpu.memory_space<vmem>>, vector<1x16xf32>,
        %get3A_1262 = arith.index_cast %add3A_1215 : i32 to index
        %get3A_1263 = arith.constant 64 : index
        %get3A_1264 = tpu.vector_load %arg10[%get3A_1262, %get3A_1263] {strides = array<i32>} : memref<80x128xf32, #tpu.memory_space<vmem>>, vector<1x16xf32>,
        %get3A_1265 = vector.shape_cast %get3A_1264 : vector<1x16xf32> to vector<16xf32>
        %mul3A_1266 = vector.broadcast %squeeze3A_1217 : f32 to vector<16xf32>
        %mul3A_1267 = arith.mulf %get3A_1265, %mul3A_1266 : vector<16xf32>
        %swap3A_1268 = arith.index_cast %add3A_1215 : i32 to index
        %swap3A_1269 = arith.constant 64 : index
        %swap3A_1270 = tpu.vector_load %arg10[%swap3A_1268, %swap3A_1269] {strides = array<i32>} : memref<80x128xf32, #tpu.memory_space<vmem>>, vector<1x16xf32>,
        %swap3A_1271 = vector.shape_cast %swap3A_1270 : vector<1x16xf32> to vector<16xf32>
        %swap3A_1272 = vector.shape_cast %mul3A_1267 : vector<16xf32> to vector<1x16xf32>
        tpu.vector_store %arg10[%swap3A_1268, %swap3A_1269], %swap3A_1272 {strides = array<i32>} : memref<80x128xf32, #tpu.memory_space<vmem>>, vector<1x16xf32>,
        %get3A_1273 = arith.index_cast %add3A_1215 : i32 to index
        %get3A_1274 = arith.constant 80 : index
        %get3A_1275 = tpu.vector_load %arg10[%get3A_1273, %get3A_1274] {strides = array<i32>} : memref<80x128xf32, #tpu.memory_space<vmem>>, vector<1x16xf32>,
        %get3A_1276 = vector.shape_cast %get3A_1275 : vector<1x16xf32> to vector<16xf32>
        %mul3A_1277 = vector.broadcast %squeeze3A_1217 : f32 to vector<16xf32>
        %mul3A_1278 = arith.mulf %get3A_1276, %mul3A_1277 : vector<16xf32>
        %swap3A_1279 = arith.index_cast %add3A_1215 : i32 to index
        %swap3A_1280 = arith.constant 80 : index
        %swap3A_1281 = tpu.vector_load %arg10[%swap3A_1279, %swap3A_1280] {strides = array<i32>} : memref<80x128xf32, #tpu.memory_space<vmem>>, vector<1x16xf32>,
        %swap3A_1282 = vector.shape_cast %swap3A_1281 : vector<1x16xf32> to vector<16xf32>
        %swap3A_1283 = vector.shape_cast %mul3A_1278 : vector<16xf32> to vector<1x16xf32>
        tpu.vector_store %arg10[%swap3A_1279, %swap3A_1280], %swap3A_1283 {strides = array<i32>} : memref<80x128xf32, #tpu.memory_space<vmem>>, vector<1x16xf32>,
        %get3A_1284 = arith.index_cast %add3A_1215 : i32 to index
        %get3A_1285 = arith.constant 96 : index
        %get3A_1286 = tpu.vector_load %arg10[%get3A_1284, %get3A_1285] {strides = array<i32>} : memref<80x128xf32, #tpu.memory_space<vmem>>, vector<1x16xf32>,
        %get3A_1287 = vector.shape_cast %get3A_1286 : vector<1x16xf32> to vector<16xf32>
        %mul3A_1288 = vector.broadcast %squeeze3A_1217 : f32 to vector<16xf32>
        %mul3A_1289 = arith.mulf %get3A_1287, %mul3A_1288 : vector<16xf32>
        %swap3A_1290 = arith.index_cast %add3A_1215 : i32 to index
        %swap3A_1291 = arith.constant 96 : index
        %swap3A_1292 = tpu.vector_load %arg10[%swap3A_1290, %swap3A_1291] {strides = array<i32>} : memref<80x128xf32, #tpu.memory_space<vmem>>, vector<1x16xf32>,
        %swap3A_1293 = vector.shape_cast %swap3A_1292 : vector<1x16xf32> to vector<16xf32>
        %swap3A_1294 = vector.shape_cast %mul3A_1289 : vector<16xf32> to vector<1x16xf32>
        tpu.vector_store %arg10[%swap3A_1290, %swap3A_1291], %swap3A_1294 {strides = array<i32>} : memref<80x128xf32, #tpu.memory_space<vmem>>, vector<1x16xf32>,
        %get3A_1295 = arith.index_cast %add3A_1215 : i32 to index
        %get3A_1296 = arith.constant 112 : index
        %get3A_1297 = tpu.vector_load %arg10[%get3A_1295, %get3A_1296] {strides = array<i32>} : memref<80x128xf32, #tpu.memory_space<vmem>>, vector<1x16xf32>,
        %get3A_1298 = vector.shape_cast %get3A_1297 : vector<1x16xf32> to vector<16xf32>
        %mul3A_1299 = vector.broadcast %squeeze3A_1217 : f32 to vector<16xf32>
        %mul3A_1300 = arith.mulf %get3A_1298, %mul3A_1299 : vector<16xf32>
        %swap3A_1301 = arith.index_cast %add3A_1215 : i32 to index
        %swap3A_1302 = arith.constant 112 : index
        %swap3A_1303 = tpu.vector_load %arg10[%swap3A_1301, %swap3A_1302] {strides = array<i32>} : memref<80x128xf32, #tpu.memory_space<vmem>>, vector<1x16xf32>,
        %swap3A_1304 = vector.shape_cast %swap3A_1303 : vector<1x16xf32> to vector<16xf32>
        %swap3A_1305 = vector.shape_cast %mul3A_1300 : vector<16xf32> to vector<1x16xf32>
        tpu.vector_store %arg10[%swap3A_1301, %swap3A_1302], %swap3A_1305 {strides = array<i32>} : memref<80x128xf32, #tpu.memory_space<vmem>>, vector<1x16xf32>,
        %mul3A_1306 = arith.constant 16 : i32
        %mul3A_1307 = arith.muli %scan3A_80, %mul3A_1306 : i32
        %add3A_1308 = arith.constant 13 : i32
        %add3A_1309 = arith.addi %mul3A_1307, %add3A_1308 : i32
        %slice3A_1310 = vector.extract_strided_slice %get3A_85 {offsets = [13], sizes = [1], strides = [1]} : vector<16xf32> to vector<1xf32>
        %squeeze3A_1311 = vector.extract %slice3A_1310[0] : f32 from vector<1xf32>
        %get3A_1312 = arith.index_cast %add3A_1309 : i32 to index
        %get3A_1313 = arith.constant 0 : index
        %get3A_1314 = tpu.vector_load %arg10[%get3A_1312, %get3A_1313] {strides = array<i32>} : memref<80x128xf32, #tpu.memory_space<vmem>>, vector<1x16xf32>,
        %get3A_1315 = vector.shape_cast %get3A_1314 : vector<1x16xf32> to vector<16xf32>
        %mul3A_1316 = vector.broadcast %squeeze3A_1311 : f32 to vector<16xf32>
        %mul3A_1317 = arith.mulf %get3A_1315, %mul3A_1316 : vector<16xf32>
        %swap3A_1318 = arith.index_cast %add3A_1309 : i32 to index
        %swap3A_1319 = arith.constant 0 : index
        %swap3A_1320 = tpu.vector_load %arg10[%swap3A_1318, %swap3A_1319] {strides = array<i32>} : memref<80x128xf32, #tpu.memory_space<vmem>>, vector<1x16xf32>,
        %swap3A_1321 = vector.shape_cast %swap3A_1320 : vector<1x16xf32> to vector<16xf32>
        %swap3A_1322 = vector.shape_cast %mul3A_1317 : vector<16xf32> to vector<1x16xf32>
        tpu.vector_store %arg10[%swap3A_1318, %swap3A_1319], %swap3A_1322 {strides = array<i32>} : memref<80x128xf32, #tpu.memory_space<vmem>>, vector<1x16xf32>,
        %get3A_1323 = arith.index_cast %add3A_1309 : i32 to index
        %get3A_1324 = arith.constant 16 : index
        %get3A_1325 = tpu.vector_load %arg10[%get3A_1323, %get3A_1324] {strides = array<i32>} : memref<80x128xf32, #tpu.memory_space<vmem>>, vector<1x16xf32>,
        %get3A_1326 = vector.shape_cast %get3A_1325 : vector<1x16xf32> to vector<16xf32>
        %mul3A_1327 = vector.broadcast %squeeze3A_1311 : f32 to vector<16xf32>
        %mul3A_1328 = arith.mulf %get3A_1326, %mul3A_1327 : vector<16xf32>
        %swap3A_1329 = arith.index_cast %add3A_1309 : i32 to index
        %swap3A_1330 = arith.constant 16 : index
        %swap3A_1331 = tpu.vector_load %arg10[%swap3A_1329, %swap3A_1330] {strides = array<i32>} : memref<80x128xf32, #tpu.memory_space<vmem>>, vector<1x16xf32>,
        %swap3A_1332 = vector.shape_cast %swap3A_1331 : vector<1x16xf32> to vector<16xf32>
        %swap3A_1333 = vector.shape_cast %mul3A_1328 : vector<16xf32> to vector<1x16xf32>
        tpu.vector_store %arg10[%swap3A_1329, %swap3A_1330], %swap3A_1333 {strides = array<i32>} : memref<80x128xf32, #tpu.memory_space<vmem>>, vector<1x16xf32>,
        %get3A_1334 = arith.index_cast %add3A_1309 : i32 to index
        %get3A_1335 = arith.constant 32 : index
        %get3A_1336 = tpu.vector_load %arg10[%get3A_1334, %get3A_1335] {strides = array<i32>} : memref<80x128xf32, #tpu.memory_space<vmem>>, vector<1x16xf32>,
        %get3A_1337 = vector.shape_cast %get3A_1336 : vector<1x16xf32> to vector<16xf32>
        %mul3A_1338 = vector.broadcast %squeeze3A_1311 : f32 to vector<16xf32>
        %mul3A_1339 = arith.mulf %get3A_1337, %mul3A_1338 : vector<16xf32>
        %swap3A_1340 = arith.index_cast %add3A_1309 : i32 to index
        %swap3A_1341 = arith.constant 32 : index
        %swap3A_1342 = tpu.vector_load %arg10[%swap3A_1340, %swap3A_1341] {strides = array<i32>} : memref<80x128xf32, #tpu.memory_space<vmem>>, vector<1x16xf32>,
        %swap3A_1343 = vector.shape_cast %swap3A_1342 : vector<1x16xf32> to vector<16xf32>
        %swap3A_1344 = vector.shape_cast %mul3A_1339 : vector<16xf32> to vector<1x16xf32>
        tpu.vector_store %arg10[%swap3A_1340, %swap3A_1341], %swap3A_1344 {strides = array<i32>} : memref<80x128xf32, #tpu.memory_space<vmem>>, vector<1x16xf32>,
        %get3A_1345 = arith.index_cast %add3A_1309 : i32 to index
        %get3A_1346 = arith.constant 48 : index
        %get3A_1347 = tpu.vector_load %arg10[%get3A_1345, %get3A_1346] {strides = array<i32>} : memref<80x128xf32, #tpu.memory_space<vmem>>, vector<1x16xf32>,
        %get3A_1348 = vector.shape_cast %get3A_1347 : vector<1x16xf32> to vector<16xf32>
        %mul3A_1349 = vector.broadcast %squeeze3A_1311 : f32 to vector<16xf32>
        %mul3A_1350 = arith.mulf %get3A_1348, %mul3A_1349 : vector<16xf32>
        %swap3A_1351 = arith.index_cast %add3A_1309 : i32 to index
        %swap3A_1352 = arith.constant 48 : index
        %swap3A_1353 = tpu.vector_load %arg10[%swap3A_1351, %swap3A_1352] {strides = array<i32>} : memref<80x128xf32, #tpu.memory_space<vmem>>, vector<1x16xf32>,
        %swap3A_1354 = vector.shape_cast %swap3A_1353 : vector<1x16xf32> to vector<16xf32>
        %swap3A_1355 = vector.shape_cast %mul3A_1350 : vector<16xf32> to vector<1x16xf32>
        tpu.vector_store %arg10[%swap3A_1351, %swap3A_1352], %swap3A_1355 {strides = array<i32>} : memref<80x128xf32, #tpu.memory_space<vmem>>, vector<1x16xf32>,
        %get3A_1356 = arith.index_cast %add3A_1309 : i32 to index
        %get3A_1357 = arith.constant 64 : index
        %get3A_1358 = tpu.vector_load %arg10[%get3A_1356, %get3A_1357] {strides = array<i32>} : memref<80x128xf32, #tpu.memory_space<vmem>>, vector<1x16xf32>,
        %get3A_1359 = vector.shape_cast %get3A_1358 : vector<1x16xf32> to vector<16xf32>
        %mul3A_1360 = vector.broadcast %squeeze3A_1311 : f32 to vector<16xf32>
        %mul3A_1361 = arith.mulf %get3A_1359, %mul3A_1360 : vector<16xf32>
        %swap3A_1362 = arith.index_cast %add3A_1309 : i32 to index
        %swap3A_1363 = arith.constant 64 : index
        %swap3A_1364 = tpu.vector_load %arg10[%swap3A_1362, %swap3A_1363] {strides = array<i32>} : memref<80x128xf32, #tpu.memory_space<vmem>>, vector<1x16xf32>,
        %swap3A_1365 = vector.shape_cast %swap3A_1364 : vector<1x16xf32> to vector<16xf32>
        %swap3A_1366 = vector.shape_cast %mul3A_1361 : vector<16xf32> to vector<1x16xf32>
        tpu.vector_store %arg10[%swap3A_1362, %swap3A_1363], %swap3A_1366 {strides = array<i32>} : memref<80x128xf32, #tpu.memory_space<vmem>>, vector<1x16xf32>,
        %get3A_1367 = arith.index_cast %add3A_1309 : i32 to index
        %get3A_1368 = arith.constant 80 : index
        %get3A_1369 = tpu.vector_load %arg10[%get3A_1367, %get3A_1368] {strides = array<i32>} : memref<80x128xf32, #tpu.memory_space<vmem>>, vector<1x16xf32>,
        %get3A_1370 = vector.shape_cast %get3A_1369 : vector<1x16xf32> to vector<16xf32>
        %mul3A_1371 = vector.broadcast %squeeze3A_1311 : f32 to vector<16xf32>
        %mul3A_1372 = arith.mulf %get3A_1370, %mul3A_1371 : vector<16xf32>
        %swap3A_1373 = arith.index_cast %add3A_1309 : i32 to index
        %swap3A_1374 = arith.constant 80 : index
        %swap3A_1375 = tpu.vector_load %arg10[%swap3A_1373, %swap3A_1374] {strides = array<i32>} : memref<80x128xf32, #tpu.memory_space<vmem>>, vector<1x16xf32>,
        %swap3A_1376 = vector.shape_cast %swap3A_1375 : vector<1x16xf32> to vector<16xf32>
        %swap3A_1377 = vector.shape_cast %mul3A_1372 : vector<16xf32> to vector<1x16xf32>
        tpu.vector_store %arg10[%swap3A_1373, %swap3A_1374], %swap3A_1377 {strides = array<i32>} : memref<80x128xf32, #tpu.memory_space<vmem>>, vector<1x16xf32>,
        %get3A_1378 = arith.index_cast %add3A_1309 : i32 to index
        %get3A_1379 = arith.constant 96 : index
        %get3A_1380 = tpu.vector_load %arg10[%get3A_1378, %get3A_1379] {strides = array<i32>} : memref<80x128xf32, #tpu.memory_space<vmem>>, vector<1x16xf32>,
        %get3A_1381 = vector.shape_cast %get3A_1380 : vector<1x16xf32> to vector<16xf32>
        %mul3A_1382 = vector.broadcast %squeeze3A_1311 : f32 to vector<16xf32>
        %mul3A_1383 = arith.mulf %get3A_1381, %mul3A_1382 : vector<16xf32>
        %swap3A_1384 = arith.index_cast %add3A_1309 : i32 to index
        %swap3A_1385 = arith.constant 96 : index
        %swap3A_1386 = tpu.vector_load %arg10[%swap3A_1384, %swap3A_1385] {strides = array<i32>} : memref<80x128xf32, #tpu.memory_space<vmem>>, vector<1x16xf32>,
        %swap3A_1387 = vector.shape_cast %swap3A_1386 : vector<1x16xf32> to vector<16xf32>
        %swap3A_1388 = vector.shape_cast %mul3A_1383 : vector<16xf32> to vector<1x16xf32>
        tpu.vector_store %arg10[%swap3A_1384, %swap3A_1385], %swap3A_1388 {strides = array<i32>} : memref<80x128xf32, #tpu.memory_space<vmem>>, vector<1x16xf32>,
        %get3A_1389 = arith.index_cast %add3A_1309 : i32 to index
        %get3A_1390 = arith.constant 112 : index
        %get3A_1391 = tpu.vector_load %arg10[%get3A_1389, %get3A_1390] {strides = array<i32>} : memref<80x128xf32, #tpu.memory_space<vmem>>, vector<1x16xf32>,
        %get3A_1392 = vector.shape_cast %get3A_1391 : vector<1x16xf32> to vector<16xf32>
        %mul3A_1393 = vector.broadcast %squeeze3A_1311 : f32 to vector<16xf32>
        %mul3A_1394 = arith.mulf %get3A_1392, %mul3A_1393 : vector<16xf32>
        %swap3A_1395 = arith.index_cast %add3A_1309 : i32 to index
        %swap3A_1396 = arith.constant 112 : index
        %swap3A_1397 = tpu.vector_load %arg10[%swap3A_1395, %swap3A_1396] {strides = array<i32>} : memref<80x128xf32, #tpu.memory_space<vmem>>, vector<1x16xf32>,
        %swap3A_1398 = vector.shape_cast %swap3A_1397 : vector<1x16xf32> to vector<16xf32>
        %swap3A_1399 = vector.shape_cast %mul3A_1394 : vector<16xf32> to vector<1x16xf32>
        tpu.vector_store %arg10[%swap3A_1395, %swap3A_1396], %swap3A_1399 {strides = array<i32>} : memref<80x128xf32, #tpu.memory_space<vmem>>, vector<1x16xf32>,
        %mul3A_1400 = arith.constant 16 : i32
        %mul3A_1401 = arith.muli %scan3A_80, %mul3A_1400 : i32
        %add3A_1402 = arith.constant 14 : i32
        %add3A_1403 = arith.addi %mul3A_1401, %add3A_1402 : i32
        %slice3A_1404 = vector.extract_strided_slice %get3A_85 {offsets = [14], sizes = [1], strides = [1]} : vector<16xf32> to vector<1xf32>
        %squeeze3A_1405 = vector.extract %slice3A_1404[0] : f32 from vector<1xf32>
        %get3A_1406 = arith.index_cast %add3A_1403 : i32 to index
        %get3A_1407 = arith.constant 0 : index
        %get3A_1408 = tpu.vector_load %arg10[%get3A_1406, %get3A_1407] {strides = array<i32>} : memref<80x128xf32, #tpu.memory_space<vmem>>, vector<1x16xf32>,
        %get3A_1409 = vector.shape_cast %get3A_1408 : vector<1x16xf32> to vector<16xf32>
        %mul3A_1410 = vector.broadcast %squeeze3A_1405 : f32 to vector<16xf32>
        %mul3A_1411 = arith.mulf %get3A_1409, %mul3A_1410 : vector<16xf32>
        %swap3A_1412 = arith.index_cast %add3A_1403 : i32 to index
        %swap3A_1413 = arith.constant 0 : index
        %swap3A_1414 = tpu.vector_load %arg10[%swap3A_1412, %swap3A_1413] {strides = array<i32>} : memref<80x128xf32, #tpu.memory_space<vmem>>, vector<1x16xf32>,
        %swap3A_1415 = vector.shape_cast %swap3A_1414 : vector<1x16xf32> to vector<16xf32>
        %swap3A_1416 = vector.shape_cast %mul3A_1411 : vector<16xf32> to vector<1x16xf32>
        tpu.vector_store %arg10[%swap3A_1412, %swap3A_1413], %swap3A_1416 {strides = array<i32>} : memref<80x128xf32, #tpu.memory_space<vmem>>, vector<1x16xf32>,
        %get3A_1417 = arith.index_cast %add3A_1403 : i32 to index
        %get3A_1418 = arith.constant 16 : index
        %get3A_1419 = tpu.vector_load %arg10[%get3A_1417, %get3A_1418] {strides = array<i32>} : memref<80x128xf32, #tpu.memory_space<vmem>>, vector<1x16xf32>,
        %get3A_1420 = vector.shape_cast %get3A_1419 : vector<1x16xf32> to vector<16xf32>
        %mul3A_1421 = vector.broadcast %squeeze3A_1405 : f32 to vector<16xf32>
        %mul3A_1422 = arith.mulf %get3A_1420, %mul3A_1421 : vector<16xf32>
        %swap3A_1423 = arith.index_cast %add3A_1403 : i32 to index
        %swap3A_1424 = arith.constant 16 : index
        %swap3A_1425 = tpu.vector_load %arg10[%swap3A_1423, %swap3A_1424] {strides = array<i32>} : memref<80x128xf32, #tpu.memory_space<vmem>>, vector<1x16xf32>,
        %swap3A_1426 = vector.shape_cast %swap3A_1425 : vector<1x16xf32> to vector<16xf32>
        %swap3A_1427 = vector.shape_cast %mul3A_1422 : vector<16xf32> to vector<1x16xf32>
        tpu.vector_store %arg10[%swap3A_1423, %swap3A_1424], %swap3A_1427 {strides = array<i32>} : memref<80x128xf32, #tpu.memory_space<vmem>>, vector<1x16xf32>,
        %get3A_1428 = arith.index_cast %add3A_1403 : i32 to index
        %get3A_1429 = arith.constant 32 : index
        %get3A_1430 = tpu.vector_load %arg10[%get3A_1428, %get3A_1429] {strides = array<i32>} : memref<80x128xf32, #tpu.memory_space<vmem>>, vector<1x16xf32>,
        %get3A_1431 = vector.shape_cast %get3A_1430 : vector<1x16xf32> to vector<16xf32>
        %mul3A_1432 = vector.broadcast %squeeze3A_1405 : f32 to vector<16xf32>
        %mul3A_1433 = arith.mulf %get3A_1431, %mul3A_1432 : vector<16xf32>
        %swap3A_1434 = arith.index_cast %add3A_1403 : i32 to index
        %swap3A_1435 = arith.constant 32 : index
        %swap3A_1436 = tpu.vector_load %arg10[%swap3A_1434, %swap3A_1435] {strides = array<i32>} : memref<80x128xf32, #tpu.memory_space<vmem>>, vector<1x16xf32>,
        %swap3A_1437 = vector.shape_cast %swap3A_1436 : vector<1x16xf32> to vector<16xf32>
        %swap3A_1438 = vector.shape_cast %mul3A_1433 : vector<16xf32> to vector<1x16xf32>
        tpu.vector_store %arg10[%swap3A_1434, %swap3A_1435], %swap3A_1438 {strides = array<i32>} : memref<80x128xf32, #tpu.memory_space<vmem>>, vector<1x16xf32>,
        %get3A_1439 = arith.index_cast %add3A_1403 : i32 to index
        %get3A_1440 = arith.constant 48 : index
        %get3A_1441 = tpu.vector_load %arg10[%get3A_1439, %get3A_1440] {strides = array<i32>} : memref<80x128xf32, #tpu.memory_space<vmem>>, vector<1x16xf32>,
        %get3A_1442 = vector.shape_cast %get3A_1441 : vector<1x16xf32> to vector<16xf32>
        %mul3A_1443 = vector.broadcast %squeeze3A_1405 : f32 to vector<16xf32>
        %mul3A_1444 = arith.mulf %get3A_1442, %mul3A_1443 : vector<16xf32>
        %swap3A_1445 = arith.index_cast %add3A_1403 : i32 to index
        %swap3A_1446 = arith.constant 48 : index
        %swap3A_1447 = tpu.vector_load %arg10[%swap3A_1445, %swap3A_1446] {strides = array<i32>} : memref<80x128xf32, #tpu.memory_space<vmem>>, vector<1x16xf32>,
        %swap3A_1448 = vector.shape_cast %swap3A_1447 : vector<1x16xf32> to vector<16xf32>
        %swap3A_1449 = vector.shape_cast %mul3A_1444 : vector<16xf32> to vector<1x16xf32>
        tpu.vector_store %arg10[%swap3A_1445, %swap3A_1446], %swap3A_1449 {strides = array<i32>} : memref<80x128xf32, #tpu.memory_space<vmem>>, vector<1x16xf32>,
        %get3A_1450 = arith.index_cast %add3A_1403 : i32 to index
        %get3A_1451 = arith.constant 64 : index
        %get3A_1452 = tpu.vector_load %arg10[%get3A_1450, %get3A_1451] {strides = array<i32>} : memref<80x128xf32, #tpu.memory_space<vmem>>, vector<1x16xf32>,
        %get3A_1453 = vector.shape_cast %get3A_1452 : vector<1x16xf32> to vector<16xf32>
        %mul3A_1454 = vector.broadcast %squeeze3A_1405 : f32 to vector<16xf32>
        %mul3A_1455 = arith.mulf %get3A_1453, %mul3A_1454 : vector<16xf32>
        %swap3A_1456 = arith.index_cast %add3A_1403 : i32 to index
        %swap3A_1457 = arith.constant 64 : index
        %swap3A_1458 = tpu.vector_load %arg10[%swap3A_1456, %swap3A_1457] {strides = array<i32>} : memref<80x128xf32, #tpu.memory_space<vmem>>, vector<1x16xf32>,
        %swap3A_1459 = vector.shape_cast %swap3A_1458 : vector<1x16xf32> to vector<16xf32>
        %swap3A_1460 = vector.shape_cast %mul3A_1455 : vector<16xf32> to vector<1x16xf32>
        tpu.vector_store %arg10[%swap3A_1456, %swap3A_1457], %swap3A_1460 {strides = array<i32>} : memref<80x128xf32, #tpu.memory_space<vmem>>, vector<1x16xf32>,
        %get3A_1461 = arith.index_cast %add3A_1403 : i32 to index
        %get3A_1462 = arith.constant 80 : index
        %get3A_1463 = tpu.vector_load %arg10[%get3A_1461, %get3A_1462] {strides = array<i32>} : memref<80x128xf32, #tpu.memory_space<vmem>>, vector<1x16xf32>,
        %get3A_1464 = vector.shape_cast %get3A_1463 : vector<1x16xf32> to vector<16xf32>
        %mul3A_1465 = vector.broadcast %squeeze3A_1405 : f32 to vector<16xf32>
        %mul3A_1466 = arith.mulf %get3A_1464, %mul3A_1465 : vector<16xf32>
        %swap3A_1467 = arith.index_cast %add3A_1403 : i32 to index
        %swap3A_1468 = arith.constant 80 : index
        %swap3A_1469 = tpu.vector_load %arg10[%swap3A_1467, %swap3A_1468] {strides = array<i32>} : memref<80x128xf32, #tpu.memory_space<vmem>>, vector<1x16xf32>,
        %swap3A_1470 = vector.shape_cast %swap3A_1469 : vector<1x16xf32> to vector<16xf32>
        %swap3A_1471 = vector.shape_cast %mul3A_1466 : vector<16xf32> to vector<1x16xf32>
        tpu.vector_store %arg10[%swap3A_1467, %swap3A_1468], %swap3A_1471 {strides = array<i32>} : memref<80x128xf32, #tpu.memory_space<vmem>>, vector<1x16xf32>,
        %get3A_1472 = arith.index_cast %add3A_1403 : i32 to index
        %get3A_1473 = arith.constant 96 : index
        %get3A_1474 = tpu.vector_load %arg10[%get3A_1472, %get3A_1473] {strides = array<i32>} : memref<80x128xf32, #tpu.memory_space<vmem>>, vector<1x16xf32>,
        %get3A_1475 = vector.shape_cast %get3A_1474 : vector<1x16xf32> to vector<16xf32>
        %mul3A_1476 = vector.broadcast %squeeze3A_1405 : f32 to vector<16xf32>
        %mul3A_1477 = arith.mulf %get3A_1475, %mul3A_1476 : vector<16xf32>
        %swap3A_1478 = arith.index_cast %add3A_1403 : i32 to index
        %swap3A_1479 = arith.constant 96 : index
        %swap3A_1480 = tpu.vector_load %arg10[%swap3A_1478, %swap3A_1479] {strides = array<i32>} : memref<80x128xf32, #tpu.memory_space<vmem>>, vector<1x16xf32>,
        %swap3A_1481 = vector.shape_cast %swap3A_1480 : vector<1x16xf32> to vector<16xf32>
        %swap3A_1482 = vector.shape_cast %mul3A_1477 : vector<16xf32> to vector<1x16xf32>
        tpu.vector_store %arg10[%swap3A_1478, %swap3A_1479], %swap3A_1482 {strides = array<i32>} : memref<80x128xf32, #tpu.memory_space<vmem>>, vector<1x16xf32>,
        %get3A_1483 = arith.index_cast %add3A_1403 : i32 to index
        %get3A_1484 = arith.constant 112 : index
        %get3A_1485 = tpu.vector_load %arg10[%get3A_1483, %get3A_1484] {strides = array<i32>} : memref<80x128xf32, #tpu.memory_space<vmem>>, vector<1x16xf32>,
        %get3A_1486 = vector.shape_cast %get3A_1485 : vector<1x16xf32> to vector<16xf32>
        %mul3A_1487 = vector.broadcast %squeeze3A_1405 : f32 to vector<16xf32>
        %mul3A_1488 = arith.mulf %get3A_1486, %mul3A_1487 : vector<16xf32>
        %swap3A_1489 = arith.index_cast %add3A_1403 : i32 to index
        %swap3A_1490 = arith.constant 112 : index
        %swap3A_1491 = tpu.vector_load %arg10[%swap3A_1489, %swap3A_1490] {strides = array<i32>} : memref<80x128xf32, #tpu.memory_space<vmem>>, vector<1x16xf32>,
        %swap3A_1492 = vector.shape_cast %swap3A_1491 : vector<1x16xf32> to vector<16xf32>
        %swap3A_1493 = vector.shape_cast %mul3A_1488 : vector<16xf32> to vector<1x16xf32>
        tpu.vector_store %arg10[%swap3A_1489, %swap3A_1490], %swap3A_1493 {strides = array<i32>} : memref<80x128xf32, #tpu.memory_space<vmem>>, vector<1x16xf32>,
        %mul3A_1494 = arith.constant 16 : i32
        %mul3A_1495 = arith.muli %scan3A_80, %mul3A_1494 : i32
        %add3A_1496 = arith.constant 15 : i32
        %add3A_1497 = arith.addi %mul3A_1495, %add3A_1496 : i32
        %slice3A_1498 = vector.extract_strided_slice %get3A_85 {offsets = [15], sizes = [1], strides = [1]} : vector<16xf32> to vector<1xf32>
        %squeeze3A_1499 = vector.extract %slice3A_1498[0] : f32 from vector<1xf32>
        %get3A_1500 = arith.index_cast %add3A_1497 : i32 to index
        %get3A_1501 = arith.constant 0 : index
        %get3A_1502 = tpu.vector_load %arg10[%get3A_1500, %get3A_1501] {strides = array<i32>} : memref<80x128xf32, #tpu.memory_space<vmem>>, vector<1x16xf32>,
        %get3A_1503 = vector.shape_cast %get3A_1502 : vector<1x16xf32> to vector<16xf32>
        %mul3A_1504 = vector.broadcast %squeeze3A_1499 : f32 to vector<16xf32>
        %mul3A_1505 = arith.mulf %get3A_1503, %mul3A_1504 : vector<16xf32>
        %swap3A_1506 = arith.index_cast %add3A_1497 : i32 to index
        %swap3A_1507 = arith.constant 0 : index
        %swap3A_1508 = tpu.vector_load %arg10[%swap3A_1506, %swap3A_1507] {strides = array<i32>} : memref<80x128xf32, #tpu.memory_space<vmem>>, vector<1x16xf32>,
        %swap3A_1509 = vector.shape_cast %swap3A_1508 : vector<1x16xf32> to vector<16xf32>
        %swap3A_1510 = vector.shape_cast %mul3A_1505 : vector<16xf32> to vector<1x16xf32>
        tpu.vector_store %arg10[%swap3A_1506, %swap3A_1507], %swap3A_1510 {strides = array<i32>} : memref<80x128xf32, #tpu.memory_space<vmem>>, vector<1x16xf32>,
        %get3A_1511 = arith.index_cast %add3A_1497 : i32 to index
        %get3A_1512 = arith.constant 16 : index
        %get3A_1513 = tpu.vector_load %arg10[%get3A_1511, %get3A_1512] {strides = array<i32>} : memref<80x128xf32, #tpu.memory_space<vmem>>, vector<1x16xf32>,
        %get3A_1514 = vector.shape_cast %get3A_1513 : vector<1x16xf32> to vector<16xf32>
        %mul3A_1515 = vector.broadcast %squeeze3A_1499 : f32 to vector<16xf32>
        %mul3A_1516 = arith.mulf %get3A_1514, %mul3A_1515 : vector<16xf32>
        %swap3A_1517 = arith.index_cast %add3A_1497 : i32 to index
        %swap3A_1518 = arith.constant 16 : index
        %swap3A_1519 = tpu.vector_load %arg10[%swap3A_1517, %swap3A_1518] {strides = array<i32>} : memref<80x128xf32, #tpu.memory_space<vmem>>, vector<1x16xf32>,
        %swap3A_1520 = vector.shape_cast %swap3A_1519 : vector<1x16xf32> to vector<16xf32>
        %swap3A_1521 = vector.shape_cast %mul3A_1516 : vector<16xf32> to vector<1x16xf32>
        tpu.vector_store %arg10[%swap3A_1517, %swap3A_1518], %swap3A_1521 {strides = array<i32>} : memref<80x128xf32, #tpu.memory_space<vmem>>, vector<1x16xf32>,
        %get3A_1522 = arith.index_cast %add3A_1497 : i32 to index
        %get3A_1523 = arith.constant 32 : index
        %get3A_1524 = tpu.vector_load %arg10[%get3A_1522, %get3A_1523] {strides = array<i32>} : memref<80x128xf32, #tpu.memory_space<vmem>>, vector<1x16xf32>,
        %get3A_1525 = vector.shape_cast %get3A_1524 : vector<1x16xf32> to vector<16xf32>
        %mul3A_1526 = vector.broadcast %squeeze3A_1499 : f32 to vector<16xf32>
        %mul3A_1527 = arith.mulf %get3A_1525, %mul3A_1526 : vector<16xf32>
        %swap3A_1528 = arith.index_cast %add3A_1497 : i32 to index
        %swap3A_1529 = arith.constant 32 : index
        %swap3A_1530 = tpu.vector_load %arg10[%swap3A_1528, %swap3A_1529] {strides = array<i32>} : memref<80x128xf32, #tpu.memory_space<vmem>>, vector<1x16xf32>,
        %swap3A_1531 = vector.shape_cast %swap3A_1530 : vector<1x16xf32> to vector<16xf32>
        %swap3A_1532 = vector.shape_cast %mul3A_1527 : vector<16xf32> to vector<1x16xf32>
        tpu.vector_store %arg10[%swap3A_1528, %swap3A_1529], %swap3A_1532 {strides = array<i32>} : memref<80x128xf32, #tpu.memory_space<vmem>>, vector<1x16xf32>,
        %get3A_1533 = arith.index_cast %add3A_1497 : i32 to index
        %get3A_1534 = arith.constant 48 : index
        %get3A_1535 = tpu.vector_load %arg10[%get3A_1533, %get3A_1534] {strides = array<i32>} : memref<80x128xf32, #tpu.memory_space<vmem>>, vector<1x16xf32>,
        %get3A_1536 = vector.shape_cast %get3A_1535 : vector<1x16xf32> to vector<16xf32>
        %mul3A_1537 = vector.broadcast %squeeze3A_1499 : f32 to vector<16xf32>
        %mul3A_1538 = arith.mulf %get3A_1536, %mul3A_1537 : vector<16xf32>
        %swap3A_1539 = arith.index_cast %add3A_1497 : i32 to index
        %swap3A_1540 = arith.constant 48 : index
        %swap3A_1541 = tpu.vector_load %arg10[%swap3A_1539, %swap3A_1540] {strides = array<i32>} : memref<80x128xf32, #tpu.memory_space<vmem>>, vector<1x16xf32>,
        %swap3A_1542 = vector.shape_cast %swap3A_1541 : vector<1x16xf32> to vector<16xf32>
        %swap3A_1543 = vector.shape_cast %mul3A_1538 : vector<16xf32> to vector<1x16xf32>
        tpu.vector_store %arg10[%swap3A_1539, %swap3A_1540], %swap3A_1543 {strides = array<i32>} : memref<80x128xf32, #tpu.memory_space<vmem>>, vector<1x16xf32>,
        %get3A_1544 = arith.index_cast %add3A_1497 : i32 to index
        %get3A_1545 = arith.constant 64 : index
        %get3A_1546 = tpu.vector_load %arg10[%get3A_1544, %get3A_1545] {strides = array<i32>} : memref<80x128xf32, #tpu.memory_space<vmem>>, vector<1x16xf32>,
        %get3A_1547 = vector.shape_cast %get3A_1546 : vector<1x16xf32> to vector<16xf32>
        %mul3A_1548 = vector.broadcast %squeeze3A_1499 : f32 to vector<16xf32>
        %mul3A_1549 = arith.mulf %get3A_1547, %mul3A_1548 : vector<16xf32>
        %swap3A_1550 = arith.index_cast %add3A_1497 : i32 to index
        %swap3A_1551 = arith.constant 64 : index
        %swap3A_1552 = tpu.vector_load %arg10[%swap3A_1550, %swap3A_1551] {strides = array<i32>} : memref<80x128xf32, #tpu.memory_space<vmem>>, vector<1x16xf32>,
        %swap3A_1553 = vector.shape_cast %swap3A_1552 : vector<1x16xf32> to vector<16xf32>
        %swap3A_1554 = vector.shape_cast %mul3A_1549 : vector<16xf32> to vector<1x16xf32>
        tpu.vector_store %arg10[%swap3A_1550, %swap3A_1551], %swap3A_1554 {strides = array<i32>} : memref<80x128xf32, #tpu.memory_space<vmem>>, vector<1x16xf32>,
        %get3A_1555 = arith.index_cast %add3A_1497 : i32 to index
        %get3A_1556 = arith.constant 80 : index
        %get3A_1557 = tpu.vector_load %arg10[%get3A_1555, %get3A_1556] {strides = array<i32>} : memref<80x128xf32, #tpu.memory_space<vmem>>, vector<1x16xf32>,
        %get3A_1558 = vector.shape_cast %get3A_1557 : vector<1x16xf32> to vector<16xf32>
        %mul3A_1559 = vector.broadcast %squeeze3A_1499 : f32 to vector<16xf32>
        %mul3A_1560 = arith.mulf %get3A_1558, %mul3A_1559 : vector<16xf32>
        %swap3A_1561 = arith.index_cast %add3A_1497 : i32 to index
        %swap3A_1562 = arith.constant 80 : index
        %swap3A_1563 = tpu.vector_load %arg10[%swap3A_1561, %swap3A_1562] {strides = array<i32>} : memref<80x128xf32, #tpu.memory_space<vmem>>, vector<1x16xf32>,
        %swap3A_1564 = vector.shape_cast %swap3A_1563 : vector<1x16xf32> to vector<16xf32>
        %swap3A_1565 = vector.shape_cast %mul3A_1560 : vector<16xf32> to vector<1x16xf32>
        tpu.vector_store %arg10[%swap3A_1561, %swap3A_1562], %swap3A_1565 {strides = array<i32>} : memref<80x128xf32, #tpu.memory_space<vmem>>, vector<1x16xf32>,
        %get3A_1566 = arith.index_cast %add3A_1497 : i32 to index
        %get3A_1567 = arith.constant 96 : index
        %get3A_1568 = tpu.vector_load %arg10[%get3A_1566, %get3A_1567] {strides = array<i32>} : memref<80x128xf32, #tpu.memory_space<vmem>>, vector<1x16xf32>,
        %get3A_1569 = vector.shape_cast %get3A_1568 : vector<1x16xf32> to vector<16xf32>
        %mul3A_1570 = vector.broadcast %squeeze3A_1499 : f32 to vector<16xf32>
        %mul3A_1571 = arith.mulf %get3A_1569, %mul3A_1570 : vector<16xf32>
        %swap3A_1572 = arith.index_cast %add3A_1497 : i32 to index
        %swap3A_1573 = arith.constant 96 : index
        %swap3A_1574 = tpu.vector_load %arg10[%swap3A_1572, %swap3A_1573] {strides = array<i32>} : memref<80x128xf32, #tpu.memory_space<vmem>>, vector<1x16xf32>,
        %swap3A_1575 = vector.shape_cast %swap3A_1574 : vector<1x16xf32> to vector<16xf32>
        %swap3A_1576 = vector.shape_cast %mul3A_1571 : vector<16xf32> to vector<1x16xf32>
        tpu.vector_store %arg10[%swap3A_1572, %swap3A_1573], %swap3A_1576 {strides = array<i32>} : memref<80x128xf32, #tpu.memory_space<vmem>>, vector<1x16xf32>,
        %get3A_1577 = arith.index_cast %add3A_1497 : i32 to index
        %get3A_1578 = arith.constant 112 : index
        %get3A_1579 = tpu.vector_load %arg10[%get3A_1577, %get3A_1578] {strides = array<i32>} : memref<80x128xf32, #tpu.memory_space<vmem>>, vector<1x16xf32>,
        %get3A_1580 = vector.shape_cast %get3A_1579 : vector<1x16xf32> to vector<16xf32>
        %mul3A_1581 = vector.broadcast %squeeze3A_1499 : f32 to vector<16xf32>
        %mul3A_1582 = arith.mulf %get3A_1580, %mul3A_1581 : vector<16xf32>
        %swap3A_1583 = arith.index_cast %add3A_1497 : i32 to index
        %swap3A_1584 = arith.constant 112 : index
        %swap3A_1585 = tpu.vector_load %arg10[%swap3A_1583, %swap3A_1584] {strides = array<i32>} : memref<80x128xf32, #tpu.memory_space<vmem>>, vector<1x16xf32>,
        %swap3A_1586 = vector.shape_cast %swap3A_1585 : vector<1x16xf32> to vector<16xf32>
        %swap3A_1587 = vector.shape_cast %mul3A_1582 : vector<16xf32> to vector<1x16xf32>
        tpu.vector_store %arg10[%swap3A_1583, %swap3A_1584], %swap3A_1587 {strides = array<i32>} : memref<80x128xf32, #tpu.memory_space<vmem>>, vector<1x16xf32>,
      }
      %scan3A_79 = arith.constant 5 : i32
      "tpu.region"() ({
        %run_scoped3A = tpu.sem_alloc : memref<!tpu.dma_semaphore, #tpu.memory_space<semaphore_mem>>
        %dma_start3A_80 = arith.constant 0 : i32
        %dma_start3A_81 = arith.constant 0 : i32
        %dma_start3A_82 = tpu.memref_slice %arg12[%dma_start3A_80, %dma_start3A_81] : memref<10000x128xf32, #tpu.memory_space<vmem_shared>> -> memref<10000x128xf32, #tpu.memory_space<vmem_shared>>
        tpu.enqueue_indirect_dma source(%arg10 : memref<80x128xf32, #tpu.memory_space<vmem>>) target(%dma_start3A_82 : memref<10000x128xf32, #tpu.memory_space<vmem_shared>>) offsets(%arg9 : memref<80xi32, #tpu.memory_space<vmem>>) semaphore(%run_scoped3A : memref<!tpu.dma_semaphore, #tpu.memory_space<semaphore_mem>>) {add = true}
        %dma_wait3A_83 = arith.constant 0 : i32
        %dma_wait3A_84 = arith.constant 0 : i32
        %dma_wait3A_85 = tpu.memref_slice %arg12[%dma_wait3A_83, %dma_wait3A_84] : memref<10000x128xf32, #tpu.memory_space<vmem_shared>> -> memref<10000x128xf32, #tpu.memory_space<vmem_shared>>
        tpu.wait_indirect_dma semaphore(%run_scoped3A : memref<!tpu.dma_semaphore, #tpu.memory_space<semaphore_mem>>) src(%arg10 : memref<80x128xf32, #tpu.memory_space<vmem>>) dst(%dma_wait3A_85 : memref<10000x128xf32, #tpu.memory_space<vmem_shared>>)
        tpu.yield
      }) : () -> ()
    }
    %scan3A_11 = arith.constant 250 : i32
    %barrier3A_12 = arith.constant 0 : index
    tpu.barrier barrier_id(%barrier3A_12)
    %mul3A_13 = arith.constant 624 : i32
    %mul3A_14 = arith.muli %arg1, %mul3A_13 : i32
    %add3A = arith.addi %mul3A_4, %mul3A_14 : i32
    "tpu.region"() ({
      %run_scoped3A = tpu.sem_alloc : memref<!tpu.dma_semaphore, #tpu.memory_space<semaphore_mem>>
      %dma_start3A = arith.constant 0 : i32
      %dma_start3A_20 = tpu.memref_slice %arg7[%add3A, %dma_start3A] : memref<20000x128xf32, #tpu.memory_space<hbm>> -> memref<624x128xf32, #tpu.memory_space<hbm>>
      %dma_start3A_21 = arith.constant 0 : i32
      %dma_start3A_22 = tpu.memref_slice %arg12[%mul3A_14, %dma_start3A_21] : memref<10000x128xf32, #tpu.memory_space<vmem_shared>> -> memref<624x128xf32, #tpu.memory_space<vmem_shared>>
      tpu.enqueue_dma source(%dma_start3A_22 : memref<624x128xf32, #tpu.memory_space<vmem_shared>>) target(%dma_start3A_20 : memref<624x128xf32, #tpu.memory_space<hbm>>) target_semaphore(%run_scoped3A : memref<!tpu.dma_semaphore, #tpu.memory_space<semaphore_mem>>)
      %dma_wait3A = arith.constant 0 : i32
      %dma_wait3A_23 = tpu.memref_slice %arg7[%add3A, %dma_wait3A] : memref<20000x128xf32, #tpu.memory_space<hbm>> -> memref<624x128xf32, #tpu.memory_space<hbm>>
      %dma_wait3A_24 = arith.constant 0 : i32
      %dma_wait3A_25 = tpu.memref_slice %arg12[%mul3A_14, %dma_wait3A_24] : memref<10000x128xf32, #tpu.memory_space<vmem_shared>> -> memref<624x128xf32, #tpu.memory_space<vmem_shared>>
      tpu.wait_dma2 semaphore(%run_scoped3A : memref<!tpu.dma_semaphore, #tpu.memory_space<semaphore_mem>>) src(%dma_wait3A_25 : memref<624x128xf32, #tpu.memory_space<vmem_shared>>) dst(%dma_wait3A_23 : memref<624x128xf32, #tpu.memory_space<hbm>>)
      tpu.yield
    }) : () -> ()
    %eq3A_15 = arith.constant 15 : i32
    %eq3A_16 = arith.cmpi eq, %arg1, %eq3A_15 : i32
    %convert_element_type3A_17 = arith.extui %eq3A_16 : i1 to i32
    %cond3A_18 = arith.constant 0 : i32
    %cond3A_19 = arith.cmpi ne, %convert_element_type3A_17, %cond3A_18 : i32
    scf.if %cond3A_19 {
      %add3A_20 = arith.constant 9984 : i32
      %add3A_21 = arith.addi %mul3A_4, %add3A_20 : i32
      "tpu.region"() ({
        %run_scoped3A = tpu.sem_alloc : memref<!tpu.dma_semaphore, #tpu.memory_space<semaphore_mem>>
        %dma_start3A = arith.constant 0 : i32
        %dma_start3A_22 = tpu.memref_slice %arg7[%add3A_21, %dma_start3A] : memref<20000x128xf32, #tpu.memory_space<hbm>> -> memref<16x128xf32, #tpu.memory_space<hbm>>
        %dma_start3A_23 = arith.constant 9984 : i32
        %dma_start3A_24 = arith.constant 0 : i32
        %dma_start3A_25 = tpu.memref_slice %arg12[%dma_start3A_23, %dma_start3A_24] : memref<10000x128xf32, #tpu.memory_space<vmem_shared>> -> memref<16x128xf32, #tpu.memory_space<vmem_shared>>
        tpu.enqueue_dma source(%dma_start3A_25 : memref<16x128xf32, #tpu.memory_space<vmem_shared>>) target(%dma_start3A_22 : memref<16x128xf32, #tpu.memory_space<hbm>>) target_semaphore(%run_scoped3A : memref<!tpu.dma_semaphore, #tpu.memory_space<semaphore_mem>>)
        %dma_wait3A = arith.constant 0 : i32
        %dma_wait3A_26 = tpu.memref_slice %arg7[%add3A_21, %dma_wait3A] : memref<20000x128xf32, #tpu.memory_space<hbm>> -> memref<16x128xf32, #tpu.memory_space<hbm>>
        %dma_wait3A_27 = arith.constant 9984 : i32
        %dma_wait3A_28 = arith.constant 0 : i32
        %dma_wait3A_29 = tpu.memref_slice %arg12[%dma_wait3A_27, %dma_wait3A_28] : memref<10000x128xf32, #tpu.memory_space<vmem_shared>> -> memref<16x128xf32, #tpu.memory_space<vmem_shared>>
        tpu.wait_dma2 semaphore(%run_scoped3A : memref<!tpu.dma_semaphore, #tpu.memory_space<semaphore_mem>>) src(%dma_wait3A_29 : memref<16x128xf32, #tpu.memory_space<vmem_shared>>) dst(%dma_wait3A_26 : memref<16x128xf32, #tpu.memory_space<hbm>>)
        tpu.yield
      }) : () -> ()
    } else {
    }
    return
  }
}

module attributes {stable_mosaic.version = 14 : i64} {
  func.func @_dense_body(%arg0: i32, %arg1: memref<1000x128xf32, #tpu.memory_space<vmem>>, %arg2: memref<128x128xf32, #tpu.memory_space<vmem>>, %arg3: memref<1000x128xf32, #tpu.memory_space<vmem>>, %arg4: memref<1000x128xf32, #tpu.memory_space<vmem>>) attributes {dimension_semantics = [#tpu.dimension_semantics<arbitrary>], iteration_bounds = array<i64: 10>, scalar_prefetch = 0 : i64, scratch_operands = 0 : i64, tpu.core_type = #tpu.core_type<tc>, window_params = [{transform_indices = @transform_0, window_bounds = array<i64: 1000, 128>}, {pipeline_mode = #tpu.pipeline_mode<synchronous>, transform_indices = @transform_1, window_bounds = array<i64: 128, 128>}, {transform_indices = @transform_2, window_bounds = array<i64: 1000, 128>}, {transform_indices = @transform_3, window_bounds = array<i64: 1000, 128>}]} {
    %get3A = arith.constant 0 : index
    %get3A_0 = arith.constant 0 : index
    %get3A_1 = vector.load %arg1[%get3A, %get3A_0] : memref<1000x128xf32, #tpu.memory_space<vmem>>, vector<1000x128xf32>
    %get3A_2 = arith.constant 0 : index
    %get3A_3 = arith.constant 0 : index
    %get3A_4 = vector.load %arg2[%get3A_2, %get3A_3] : memref<128x128xf32, #tpu.memory_space<vmem>>, vector<128x128xf32>
    %dot_general3A = arith.constant dense<0.000000e+00> : vector<1000x128xf32>
    %dot_general3A_5 = tpu.matmul %get3A_1, %get3A_4, %dot_general3A {dimension_numbers = #tpu.dot_dimension_numbers<[1], [0], [0], [1], [0, 0, 1, 1], [], []>, transpose_lhs_hint = false} : vector<1000x128xf32>, vector<128x128xf32>, vector<1000x128xf32> -> vector<1000x128xf32>
    %max3A = arith.constant 0.000000e+00 : f32
    %max3A_6 = vector.broadcast %max3A : f32 to vector<1000x128xf32>
    %max3A_7 = arith.maximumf %dot_general3A_5, %max3A_6 : vector<1000x128xf32>
    %neg3A = arith.constant 0.000000e+00 : f32
    %neg3A_8 = vector.broadcast %neg3A : f32 to vector<1000x128xf32>
    %neg3A_9 = arith.subf %neg3A_8, %max3A_7 : vector<1000x128xf32>
    %exp3A = math.exp %neg3A_9 : vector<1000x128xf32>
    %gt3A = arith.constant 0.000000e+00 : f32
    %gt3A_10 = vector.broadcast %gt3A : f32 to vector<1000x128xf32>
    %gt3A_11 = arith.cmpf ogt, %dot_general3A_5, %gt3A_10 : vector<1000x128xf32>
    %exp3A_12 = math.exp %dot_general3A_5 : vector<1000x128xf32>
    %sub3A = arith.constant 1.000000e+00 : f32
    %sub3A_13 = vector.broadcast %sub3A : f32 to vector<1000x128xf32>
    %sub3A_14 = arith.subf %exp3A_12, %sub3A_13 : vector<1000x128xf32>
    %select_n3A = arith.select %gt3A_11, %dot_general3A_5, %sub3A_14 : vector<1000x128xi1>, vector<1000x128xf32>
    %mul3A = arith.mulf %select_n3A, %exp3A : vector<1000x128xf32>
    %swap3A = arith.constant 0 : index
    %swap3A_15 = arith.constant 0 : index
    %swap3A_16 = vector.load %arg3[%swap3A, %swap3A_15] : memref<1000x128xf32, #tpu.memory_space<vmem>>, vector<1000x128xf32>
    tpu.vector_store %arg3[%swap3A, %swap3A_15], %mul3A {strides = array<i32>} : memref<1000x128xf32, #tpu.memory_space<vmem>>, vector<1000x128xf32>,
    %mul3A_17 = arith.mulf %max3A_7, %exp3A : vector<1000x128xf32>
    %mul3A_18 = arith.mulf %mul3A_17, %exp3A : vector<1000x128xf32>
    %swap3A_19 = arith.constant 0 : index
    %swap3A_20 = arith.constant 0 : index
    %swap3A_21 = vector.load %arg4[%swap3A_19, %swap3A_20] : memref<1000x128xf32, #tpu.memory_space<vmem>>, vector<1000x128xf32>
    tpu.vector_store %arg4[%swap3A_19, %swap3A_20], %mul3A_18 {strides = array<i32>} : memref<1000x128xf32, #tpu.memory_space<vmem>>, vector<1000x128xf32>,
    return
  }
  func.func @transform_0(%arg0: i32) -> (i32, i32) {
    %c0_i32 = arith.constant 0 : i32
    %c0_i32_0 = arith.constant 0 : i32
    return %arg0, %c0_i32 : i32, i32
  }
  func.func @transform_1(%arg0: i32) -> (i32, i32) {
    %c0_i32 = arith.constant 0 : i32
    %c0_i32_0 = arith.constant 0 : i32
    %c0_i32_1 = arith.constant 0 : i32
    return %c0_i32, %c0_i32_0 : i32, i32
  }
  func.func @transform_2(%arg0: i32) -> (i32, i32) {
    %c0_i32 = arith.constant 0 : i32
    %c0_i32_0 = arith.constant 0 : i32
    return %arg0, %c0_i32 : i32, i32
  }
  func.func @transform_3(%arg0: i32) -> (i32, i32) {
    %c0_i32 = arith.constant 0 : i32
    %c0_i32_0 = arith.constant 0 : i32
    return %arg0, %c0_i32 : i32, i32
  }
}

</mosaic_0001>

<sc_bundles>
// kernel: kernel.5.cloned.1.call-start
scs
__scs_entry_jumppad:
0x0: {  	(pc) =	sbr.rel $0x88, $3  }
0x1: {  	(tag) =	ssettag $0x0;
	lr =	simm.s32 $0x1  }
0x2: {  	[smem:$0x3F9C] =	sst lr;
	_ =	strace $0xD0000000  }
0x3: {  	_ = 	snop  }
0x4: {  	_ = 	snop  }
0x5: {  	_ = 	snop  }
0x6: {  	_ = 	snop  }
0x7: {  	_ = 	snop  }
__scs_overlays_trampoline_lowered:
0x8: {  	[smem:$0x3FAB] =	sst s0  }
0x9: {  	[smem:$0x3FAC] =	sst s1  }
0xa: {  	[smem:$0x3FAD] =	sst s2  }
0xb: {  	[smem:$0x3FAE] =	sst s3  }
0xc: {  	[smem:$0x3FAF] =	sst s4  }
0xd: {  	[smem:$0x3FB0] =	sst s5  }
0xe: {  	[smem:$0x3FB1] =	sst s6  }
0xf: {  	[smem:$0x3FB2] =	sst s7  }
0x10: {  	[smem:$0x3FB3] =	sst s8  }
0x11: {  	[smem:$0x3FB4] =	sst s9;
	s0 =	simm.s32 @!p0 $0x0  }
0x12: {  	s1 =	sld [smem:$0x3F9A];
	s0 =	simm.s32 @p0 $0x1  }
0x13: {  	[smem:$0x3FB5] =	sst s0;
	s0 =	simm.s32 @!p1 $0x0  }
0x14: {  	s2 =	sld [smem:$0x3F99];
	s0 =	simm.s32 @p1 $0x1  }
0x15: {  	[smem:$0x3FB6] =	sst s0;
	s0 =	simm.s32 @!p2 $0x0  }
0x16: {  	s3 =	sld [smem:$0x3FDB];
	s0 =	simm.s32 @p2 $0x1  }
0x17: {  	s4 =	simm.s32 $0x1BF5;
	[smem:$0x3FB8] =	sst s0  }
0x18: {  	s0 =	sld [smem:$0x3F9B];
	_ =	swait.ge [sflag:s4], $0x0  }
0x19: {  	s7 =	sld [smem:$0x3F9C]  }
0x1a: {  	s8 =	sadd.s32 $0xFFFFE003, lr  }
0x1b: {  	s9 =	sadd.s32 $0xFFFFFEF7, lr;
	s5 =	simm.s32 $0xFFFFFFFF;
	p2 =	slt.u32 s8, $0xFFFFF086  }
0x1c: {  	p1 =	slt.u32 s9, $0xF7A;
	s5 =	simm.s32 @!p2 $0x0  }
0x1d: {  	s5 =	simm.s32 @p1 $0x1;
	p0 =	seq.s32 s7, s2  }
0x1e: {  	s7 =	smul.u32 @!p0 $0xF7A, s2;
	p2 =	seq.s32 @!p0 s5, $0x0  }
0x1f: {  	s9 =	smul.u32 $0xF7A, s1;
	s8 =	simm.s32 @!p0 $0x1BF5;
	p2 =	por !p2, p0  }
0x20: {  	[sflag:s8] =	ssyncset.s32 @!p0 $0xFFFFF086;
	s6 =	sadd.s32 @!p0 s3, s7;
	s7 =	simm.s32 @!p0 $0x108  }
0x21: {  	s3 =	sadd.s32 s3, s9;
	s6 =	sadd.s32 @!p0 $0x88, s6;
	s7 =	simm.s32 @p2 $0x1082  }
0x22: {  	[simem:s7], [sflag:s8] =	dma.local @!p0 [hbm:s6], $0xF7A  }
0x23: {  	s9 =	sor.u32 $0xD0000000, s2;
	s6 =	simm.s32 $0x108;
	_ =	swait.ge @!p0 [sflag:s8], $0x0  }
0x24: {  	s3 =	sadd.s32 $0x88, s3;
	s6 =	simm.s32 @!p1 $0x1082;
	[sflag:s4] =	ssyncset.s32 $0xFFFFF086  }
0x25: {  	[simem:s6], [sflag:s4] =	dma.local [hbm:s3], $0xF7A  }
0x26: {  	[smem:$0x3F9C] =	sst s1;
	(tag) =	ssettag s2;
	_ =	strace s9  }
0x27: {  	s1 =	sld [smem:$0x3FAC]  }
0x28: {  	s2 =	sld [smem:$0x3FAD]  }
0x29: {  	s4 =	sld [smem:$0x3FAF]  }
0x2a: {  	p0 =	seq.s32 s5, $0x0;
	s5 =	sld [smem:$0x3FB0]  }
0x2b: {  	s6 =	sld [smem:$0x3FB1]  }
0x2c: {  	s7 =	sld [smem:$0x3FB2]  }
0x2d: {  	s3 =	simm.s32 $0x108;
	s8 =	sld [smem:$0x3FB3]  }
0x2e: {  	s3 =	simm.s32 @!p0 $0x1082;
	s9 =	sld [smem:$0x3FB4]  }
0x2f: {  	lr =	sadd.s32 s0, s3;
	s0 =	sld [smem:$0x3FAB]  }
0x30: {  	s3 =	sld [smem:$0x3FAE]  }
0x31: {  	[smem:$0x3FB7] =	sst s10  }
0x32: {  	s10 =	sld [smem:$0x3FB5];
	_ =	sdelay $0x3  }
0x33: {  	p0 =	seq.s32 s10, $0x1;
	s10 =	sld [smem:$0x3FB7];
	_ =	sdelay $0x3  }
0x34: {  	[smem:$0x3FB7] =	sst s10  }
0x35: {  	s10 =	sld [smem:$0x3FB6];
	_ =	sdelay $0x3  }
0x36: {  	p1 =	seq.s32 s10, $0x1;
	s10 =	sld [smem:$0x3FB7];
	_ =	sdelay $0x3  }
0x37: {  	[smem:$0x3FB7] =	sst s10  }
0x38: {  	s10 =	sld [smem:$0x3FB8]  }
0x39: {  	_ = 	snop;
	(pc) =	sbr.ind lr, $3  }
0x3a: {  	_ = 	snop  }
0x3b: {  	_ = 	snop  }
0x3c: {  	p2 =	seq.s32 s10, $0x1;
	s10 =	sld [smem:$0x3FB7]  }
0x3d: {  	_ =	shalt  }
0x3e: {  	_ =	shalt  }
0x3f: {  	_ =	shalt  }
0x40: {  	_ =	shalt  }
0x41: {  	_ =	shalt  }
0x42: {  	_ =	shalt  }
0x43: {  	_ =	shalt  }
0x44: {  	_ =	shalt  }
0x45: {  	_ =	shalt  }
0x46: {  	_ =	shalt  }
0x47: {  	_ =	shalt  }
0x48: {  	_ =	shalt  }
0x49: {  	_ =	shalt  }
0x4a: {  	_ =	shalt  }
0x4b: {  	_ =	shalt  }
0x4c: {  	_ =	shalt  }
0x4d: {  	_ =	shalt  }
0x4e: {  	_ =	shalt  }
0x4f: {  	_ =	shalt  }
0x50: {  	_ =	shalt  }
0x51: {  	_ =	shalt  }
0x52: {  	_ =	shalt  }
0x53: {  	_ =	shalt  }
0x54: {  	_ =	shalt  }
0x55: {  	_ =	shalt  }
0x56: {  	_ =	shalt  }
0x57: {  	_ =	shalt  }
0x58: {  	_ =	shalt  }
0x59: {  	_ =	shalt  }
0x5a: {  	_ =	shalt  }
0x5b: {  	_ =	shalt  }
0x5c: {  	_ =	shalt  }
0x5d: {  	_ =	shalt  }
0x5e: {  	_ =	shalt  }
0x5f: {  	_ =	shalt  }
0x60: {  	_ =	shalt  }
0x61: {  	_ =	shalt  }
0x62: {  	_ =	shalt  }
0x63: {  	_ =	shalt  }
0x64: {  	_ =	shalt  }
0x65: {  	_ =	shalt  }
0x66: {  	_ =	shalt  }
0x67: {  	_ =	shalt  }
0x68: {  	_ =	shalt  }
0x69: {  	_ =	shalt  }
0x6a: {  	_ =	shalt  }
0x6b: {  	_ =	shalt  }
0x6c: {  	_ =	shalt  }
0x6d: {  	_ =	shalt  }
0x6e: {  	_ =	shalt  }
0x6f: {  	_ =	shalt  }
0x70: {  	_ =	shalt  }
0x71: {  	_ =	shalt  }
0x72: {  	_ =	shalt  }
0x73: {  	_ =	shalt  }
0x74: {  	_ =	shalt  }
0x75: {  	_ =	shalt  }
0x76: {  	_ =	shalt  }
0x77: {  	_ =	shalt  }
0x78: {  	_ =	shalt  }
0x79: {  	_ =	shalt  }
0x7a: {  	_ =	shalt  }
0x7b: {  	_ =	shalt  }
0x7c: {  	_ =	shalt  }
0x7d: {  	_ =	shalt  }
0x7e: {  	_ =	shalt  }
0x7f: {  	_ =	shalt  }
0x80: {  	_ =	shalt  }
0x81: {  	_ =	shalt  }
0x82: {  	_ =	shalt  }
0x83: {  	_ =	shalt  }
0x84: {  	_ =	shalt  }
0x85: {  	_ =	shalt  }
0x86: {  	_ =	shalt  }
0x87: {  	_ =	shalt  }
.Lfunc_end0:
.L_simem_size_0:
called_computation_lowered:
.L_overlay_start_0:
0x88: {  	s2 =	sld [smem:$0x3FD9]  }
0x89: {  	s3 =	sld [smem:$0x3FFE];
	_ =	sdelay $0x1  }
0x8a: {  	s1 =	srdreg.scid  }
0x8b: {  	s0 =	sand.u32 $0x1, s1  }
0x8c: {  	s14 =	sshll.u32 s0, $0xA;
	s2 =	sadd.s32 s3, s2  }
0x8d: {  	s2 =	sadd.s32 s2, s14  }
0x8e: {  	[smem:$0x3FC3] =	sst s2  }
0x8f: {  	_ = 	snop  }
0x90: {  	s2 =	sld [smem:$0x3FD0];
	_ =	sdelay $0x2  }
0x91: {  	s15 =	simm.s32 $0xA;
	s4 =	simm.s32 $0x10  }
0x92: {  	[smem:s4], [sflag:s15] =	dma.local [hbm:s2], $0x1  }
0x93: {  	_ =	swait.eq [sflag:s15], $0x1  }
0x94: {  	[sflag:s15] =	ssyncset.done $0x0  }
0x95: {  	s16 =	sld [smem:$0x10];
	[sflag:s15] =	ssyncadd.s32 $0xFFFFFFFF  }
0x96: {  	s17 =	sld [smem:$0x11];
	(tm) =	ssettm $0x1  }
0x97: {  	s18 =	sld [smem:$0x3FFB];
	_ =	sdelay $0x3  }
0x98: {  	_ =	strace s18  }
0x99: {  	s4 =	sld [smem:$0x3FFC];
	_ =	sdelay $0x3  }
0x9a: {  	_ =	strace s4  }
0x9b: {  	s4 =	sld [smem:$0x3FFD];
	_ =	sdelay $0x3  }
0x9c: {  	_ =	strace s4  }
0x9d: {  	_ =	strace $0x8FFFFFFF  }
0x9e: {  	s19 =	sld [smem:$0x3FDB];
	_ =	sdelay $0x1  }
0x9f: {  	s5 =	simm.s32 $_scs_section_size  }
0xa0: {  	s6 =	simm.s32 $_size__tile_overlayer_lowered;
	s7 =	simm.s32 $_tile_overlayer_lowered  }
0xa1: {  	s22 =	simm.s32 $0x1BFF;
	s21 =	sshll.u32 s7, $0x1;
	s4 =	sadd.s32 s5, s19  }
0xa2: {  	s8 =	simm.s32 $0x0;
	s20 =	sshll.u32 s6, $0x1;
	s6 =	sadd.s32 s21, s4  }
0xa3: {  	[timem:s8], [sflag:s22] =	dma.local [hbm:s6], s20  }
0xa4: {  	_ =	swait.ge [sflag:s22], s20  }
0xa5: {  	s5 =	ssub.s32 $0x0, s20;
	[sflag:s22] =	ssyncset.done $0x0  }
0xa6: {  	[sflag:s22] =	ssyncadd.s32 s5;
	_ =	sdelay $0x1  }
0xa7: {  	s23 =	simm.s32 $0x1B8B  }
0xa8: {  	_ =	swait.ge [sflag:s23], $0x1  }
0xa9: {  	[sflag:s23] =	ssyncset.done $0x0  }
0xaa: {  	s25 =	simm.s32 $0x1B8E;
	s24 =	sld [smem:$0x3FFE];
	[sflag:s23] =	ssyncadd.s32 $0xFFFFFFFF  }
0xab: {  	s26 =	simm.s32 $execute0_lowered;
	[smem:$0x3FD2] =	sst s25  }
0xac: {  	s6 =	sshll.u32 s26, $0x1;
	_ =	strace $0x80000046;
	[dreg:$0x1] =	wrdreg $0xFFFFFFFF  }
0xad: {  	s28 =	simm.s32 $_size_execute0_lowered;
	s4 =	sadd.s32 s4, s6;
	[dreg:$0x0] =	wrdreg $0x0  }
0xae: {  	s6 =	sshll.u32 s28, $0x1;
	[dreg:$0x2] =	wrdreg s4  }
0xaf: {  	[dreg:$0x3] =	wrdreg s6  }
0xb0: {  	[dreg:$0x4] =	wrdreg $0xC0  }
0xb1: {  	_ =	task [dreg:s8], $0x5FFFF  }
0xb2: {  	[dreg:$0x1] =	wrdreg $0xFFFFFFFF  }
0xb3: {  	[dreg:$0x0] =	wrdreg $0x60  }
0xb4: {  	[dreg:$0x2] =	wrdreg s24  }
0xb5: {  	[dreg:$0x3] =	wrdreg s17  }
0xb6: {  	[dreg:$0x4] =	wrdreg s16  }
0xb7: {  	[dreg:$0x5] =	wrdreg $0x29800  }
0xb8: {  	[dreg:$0x6] =	wrdreg $0x9  }
0xb9: {  	_ =	task.clear_ibuf [dreg:s8], $0x7FFFF;
	_ =	strace $0x90000046  }
0xba: {  	s29 =	simm.s32 $0x9;
	_ =	strace $0x80000048  }
0xbb: {  	_ =	swait.ge [sflag:s29], $0x1  }
0xbc: {  	[sflag:s29] =	ssyncadd.s32 $0xFFFFFFFF  }
0xbd: {  	_ =	strace $0x90000048  }
0xbe: {  	_ =	sfence  }
0xbf: {  	s30 =	sld [smem:$0x0];
	_ =	sdelay $0x2  }
0xc0: {  	s31 =	sshll.u32 s1, $0xD;
	s1 =	sshrl.u32 s1, $0x2  }
0xc1: {  	s3 =	sand.u32 $0x4000, s31;
	s1 =	sadd.s32 s1, s30  }
0xc2: {  	s0 =	sor.u32 s3, s0;
	s1 =	sshll.u32 s1, $0x11  }
0xc3: {  	s0 =	sor.u32 s1, s0  }
0xc4: {  	s0 =	sadd.s32 $0x8F2B, s0  }
0xc5: {  	[sflag:s0] =	ssyncadd.remote.s32 $0x1  }
0xc6: {  	_ =	sfence.sel $0xFFFF  }
0xc7: {  	[dreg:$0x0] =	wrdreg $0xFFFFFFFF;
	(pc) =	sbr.abs _section_cstart, $3  }
0xc8: {  	[dreg:$0x1] =	wrdreg $0xFFFFFFFF  }
0xc9: {  	_ =	task.clear_ibuf [dreg:s8], $0x2FFFF;
	_ =	strace $0x9FFFFFFF  }
0xca: {  	(tm) =	ssettm $0x7FFFFFFF  }
0xcb: {  	_ =	shalt  }
tec
execute0_lowered:
.L_overlay_start_1:
0x0: {  	(tag) =	ssettag $0x1  }
0x1: {  	s9 =	rddreg [dreg:$0x0]  }
0x2: {  	s1 =	rddreg [dreg:$0x1]  }
0x3: {  	s2 =	rddreg [dreg:$0x2]  }
0x4: {  	s3 =	rddreg [dreg:$0x3]  }
0x5: {  	s0 =	rddreg [dreg:$0x4];
	s4 =	simm.s32 $0x0;
	s7 =	srdreg.scid  }
0x6: {  	s5 =	stileid.u32;
	s19 =	simm.s32 $0x2900;
	s21 =	simm.s32 $0x100  }
0x7: {  	s22 =	simm.s32 $0x1;
	s28 =	simm.s32 $0x0;
	[smem:$0x7FF] =	sst s4  }
0x8: {  	s6 =	sadd.s32 $0x800, s9;
	s11 =	sand.u32 $0x1, s7;
	s12 =	smul.u32 $0x270, s5  }
0x9: {  	s7 =	sadd.s32 $0xA600, s9;
	s8 =	sadd.s32 $0x58800, s9;
	s14 =	smul.u32 $0x4E000, s5  }
0xa: {  	s15 =	sadd.s32 $0x5B000, s9;
	s30 =	sshll.u32 s5, $0x6;
	s18 =	sadd.s32 $0x138000, s3  }
0xb: {  	p0 =	sne.s32 s5, $0xF;
	_ =	strace $0x80000047;
	s20 =	smul.u32 $0x2710, s11  }
0xc: {  	s10 =	ssub.s32 $0x2, s11;
	s31 =	smul.u32 $0x138800, s11;
	s9 =	sor.u32 $0x1C02, s30  }
0xd: {  	s11 =	smul.u32 $0x4E200, s11;
	s13 =	sshrl.u32 s10, $0x1;
	s29 =	sshrl.u32 s14, $0x2  }
0xe: {  	s16 =	ssub.s32 s10, s13;
	s17 =	sadd.s32 s29, s3;
	s10 =	smul.u32 $0x4E20, s5  }
0xf: {  	s12 =	sadd.s32 s12, s20;
	s13 =	sshrl.u32 s31, $0x3;
	v0 =	vmov s20;
	s20 =	simm.s32 $0x50  }
0x10: {  	s12 =	sshll.u32 s12, $0x4;
	s13 =	sadd.s32 s15, s13;
	s14 =	smax.u32 s16, $0x1  }
0x11: {  	s16 =	simm.s32 $0x2;
	s12 =	sadd.s32 s15, s12;
	s13 =	sadd.s32 $0x27000, s13  }
0x12: {  	s15 =	sshrl.u32 s17, $0x3;
	s17 =	sshrl.u32 @!p0 s18, $0x3;
	s18 =	simm.s32 $0x80  }
.LBB2_1:
0x13: {  	[spmem:s15], [sflag:s9] =	dma.local [hbm:s8], $0x2700  }
0x14: {  	_ =	swait.ge [sflag:s16], $0x2700  }
0x15: {  	[sflag:s16] =	ssyncset.done $0x0  }
0x16: {  	s23 =	simm.s32 @!p0 $0x2;
	[sflag:s16] =	ssyncadd.s32 $0xFFFFD900  }
0x17: {  	[spmem:s17], [sflag:s9] =	dma.local @!p0 [hbm:s8], $0x100  }
0x18: {  	_ =	swait.ge @!p0 [sflag:s23], $0x100  }
0x19: {  	[sflag:s23] =	ssyncset.done @!p0 $0x0  }
0x1a: {  	[sflag:s23] =	ssyncadd.s32 @!p0 $0xFFFFFF00  }
0x1b: {  	s23 =	simm.s32 $0x0;
	[bflag:$0x0] =	sbarrier.arrive $0xFFFF  }
.LBB2_2:
0x1c: {  	s24 =	smul.u32 $0x50, s23;
	_ =	sdelay $0x1  }
0x1d: {  	s24 =	sadd.s32 s10, s24  }
0x1e: {  	s25 =	sshrl.u32 s24, $0x3  }
0x1f: {  	s26 =	sadd.s32 s1, s25  }
0x20: {  	[tilespmem:s28], [sflag:$0x2] =	stream.linear.gather [hbm4b:s26+s28], $0x50, $0x38;
	[tilespmem:$0x16200] =	vst v63  }
0x21: {  	_ =	swait.ge [sflag:s16], $0x50  }
0x22: {  	[sflag:s16] =	ssyncset.done $0x0  }
0x23: {  	s25 =	sadd.s32 s6, s25;
	[sflag:s16] =	ssyncadd.s32 $0xFFFFFFB0  }
0x24: {  	[tilespmem:s18], [sflag:$0x2] =	stream.linear.gather [hbm4b:s25+s28], $0x50, $0x38;
	[tilespmem:$0x16200] =	vst v63  }
0x25: {  	s24 =	sadd.s32 s11, s24;
	_ =	swait.ge [sflag:s16], $0x50  }
0x26: {  	s24 =	sshrl.u32 s24, $0x3;
	[sflag:s16] =	ssyncset.done $0x0  }
0x27: {  	s24 =	sadd.s32 s2, s24;
	[sflag:s16] =	ssyncadd.s32 $0xFFFFFFB0  }
0x28: {  	[tilespmem:s19], [sflag:$0x2] =	stream.linear.gather [hbm4b:s24+s28], $0x50, $0x38;
	[tilespmem:$0x16200] =	vst v63  }
0x29: {  	_ =	swait.ge [sflag:s16], $0x50  }
0x2a: {  	[sflag:s16] =	ssyncset.done $0x0  }
0x2b: {  	[sflag:s16] =	ssyncadd.s32 $0xFFFFFFB0  }
0x2c: {  	v1 =	vld [tilespmem:$0x0]  }
0x2d: {  	v2 =	vld [tilespmem:$0x10]  }
0x2e: {  	v3 =	vld [tilespmem:$0x20]  }
0x2f: {  	v4 =	vld [tilespmem:$0x30]  }
0x30: {  	v5 =	vld [tilespmem:$0x40]  }
0x31: {  	v1 =	vadd.s32 v0, v1  }
0x32: {  	[tilespmem:$0x0] =	vst v1;
	v1 =	vadd.s32 v0, v2  }
0x33: {  	[tilespmem:$0x10] =	vst v1;
	v1 =	vadd.s32 v0, v3  }
0x34: {  	[tilespmem:$0x20] =	vst v1;
	v1 =	vadd.s32 v0, v4  }
0x35: {  	[tilespmem:$0x30] =	vst v1;
	v1 =	vadd.s32 v0, v5  }
0x36: {  	[tilespmem:$0x40] =	vst v1  }
0x37: {  	[tilespmem:s21], [sflag:$0x1] =	stream.indirect.gather [hbm4b:s7+s20], $0x80, s28, s20, $0xb8;
	[tilespmem:$0x16200] =	vst v63  }
0x38: {  	_ =	swait.ge [sflag:s22], $0x2800  }
0x39: {  	s30 =	simm.s32 $0x0;
	[sflag:s22] =	ssyncset.done $0x0  }
0x3a: {  	s24 =	sand.u32 $0x3FFFFFF0, s30;
	[sflag:s22] =	ssyncadd.s32 $0xFFFFD800  }
0x3b: {  	s31 =	simm.s32 $0x0;
	v1 =	vld [tilespmem:s24+$0x2900]  }
0x3c: {  	s24 =	sand.u32 $0x3FFFF800, s31  }
0x3d: {  	v3 =	vld [tilespmem:s24+$0x120]  }
0x3e: {  	v21 =	vld [tilespmem:s24+$0x130]  }
0x3f: {  	v10 =	vld [tilespmem:s24+$0x160]  }
0x40: {  	v11 =	vld [tilespmem:s24+$0x170];
	v2 =	vbroadcast v1, $0x0  }
0x41: {  	v12 =	vld [tilespmem:s24+$0x180]  }
0x42: {  	v13 =	vld [tilespmem:s24+$0x190];
	v3 =	vmul.f32 v3, v2  }
0x43: {  	v14 =	vld [tilespmem:s24+$0x1A0];
	v4 =	vmul.f32 v21, v2  }
0x44: {  	v9 =	vld [tilespmem:s24+$0x1B0];
	v23 =	vbroadcast v1, $0x1;
	v22 =	vmul.f32 v10, v2;
	[tilespmem:s24+$0x120] =	vst v3  }
0x45: {  	v7 =	vld [tilespmem:s24+$0x1C0];
	v11 =	vmul.f32 v11, v2;
	[tilespmem:s24+$0x130] =	vst v4  }
0x46: {  	v8 =	vld [tilespmem:s24+$0x1D0];
	v12 =	vmul.f32 v12, v23;
	[tilespmem:s24+$0x160] =	vst v22  }
0x47: {  	v25 =	vld [tilespmem:s24+$0x1F0];
	v13 =	vmul.f32 v13, v23;
	[tilespmem:s24+$0x170] =	vst v11  }
0x48: {  	v26 =	vld [tilespmem:s24+$0x200];
	v14 =	vmul.f32 v14, v23;
	[tilespmem:s24+$0x180] =	vst v12  }
0x49: {  	v27 =	vld [tilespmem:s24+$0x210];
	v9 =	vmul.f32 v9, v23;
	[tilespmem:s24+$0x190] =	vst v13  }
0x4a: {  	v6 =	vld [tilespmem:s24+$0x670];
	v7 =	vmul.f32 v7, v23;
	[tilespmem:s24+$0x1A0] =	vst v14  }
0x4b: {  	v24 =	vld [tilespmem:s24+$0x1E0];
	v15 =	vbroadcast v1, $0x2;
	v8 =	vmul.f32 v8, v23;
	[tilespmem:s24+$0x1B0] =	vst v9  }
0x4c: {  	v28 =	vld [tilespmem:s24+$0x220];
	v10 =	vmul.f32 v25, v23;
	[tilespmem:s24+$0x1C0] =	vst v7  }
0x4d: {  	v29 =	vld [tilespmem:s24+$0x230];
	v5 =	vbroadcast v1, $0xA;
	v32 =	vmul.f32 v26, v15;
	[tilespmem:s24+$0x1D0] =	vst v8  }
0x4e: {  	v30 =	vld [tilespmem:s24+$0x240];
	v34 =	vmul.f32 v27, v15;
	[tilespmem:s24+$0x1F0] =	vst v10  }
0x4f: {  	v33 =	vld [tilespmem:s24+$0x260];
	v3 =	vmul.f32 v6, v5;
	[tilespmem:s24+$0x200] =	vst v32  }
0x50: {  	v35 =	vld [tilespmem:s24+$0x270];
	v11 =	vmul.f32 v24, v23;
	[tilespmem:s24+$0x210] =	vst v34  }
0x51: {  	v36 =	vld [tilespmem:s24+$0x280];
	v9 =	vmul.f32 v28, v15;
	[tilespmem:s24+$0x670] =	vst v3  }
0x52: {  	v31 =	vld [tilespmem:s24+$0x250];
	v7 =	vmul.f32 v29, v15;
	[tilespmem:s24+$0x1E0] =	vst v11  }
0x53: {  	v37 =	vld [tilespmem:s24+$0x290];
	v8 =	vmul.f32 v30, v15;
	[tilespmem:s24+$0x220] =	vst v9  }
0x54: {  	v38 =	vld [tilespmem:s24+$0x2A0];
	v41 =	vbroadcast v1, $0x3;
	v10 =	vmul.f32 v33, v15;
	[tilespmem:s24+$0x230] =	vst v7  }
0x55: {  	v39 =	vld [tilespmem:s24+$0x2B0];
	v12 =	vmul.f32 v35, v15;
	[tilespmem:s24+$0x240] =	vst v8  }
0x56: {  	v42 =	vld [tilespmem:s24+$0x2D0];
	v13 =	vmul.f32 v36, v41;
	[tilespmem:s24+$0x260] =	vst v10  }
0x57: {  	v43 =	vld [tilespmem:s24+$0x2E0];
	v11 =	vmul.f32 v31, v15;
	[tilespmem:s24+$0x270] =	vst v12  }
0x58: {  	v44 =	vld [tilespmem:s24+$0x2F0];
	v9 =	vmul.f32 v37, v41;
	[tilespmem:s24+$0x280] =	vst v13  }
0x59: {  	v40 =	vld [tilespmem:s24+$0x2C0];
	v7 =	vmul.f32 v38, v41;
	[tilespmem:s24+$0x250] =	vst v11  }
0x5a: {  	v45 =	vld [tilespmem:s24+$0x300];
	v8 =	vmul.f32 v39, v41;
	[tilespmem:s24+$0x290] =	vst v9  }
0x5b: {  	v46 =	vld [tilespmem:s24+$0x310];
	v10 =	vmul.f32 v42, v41;
	[tilespmem:s24+$0x2A0] =	vst v7  }
0x5c: {  	v47 =	vld [tilespmem:s24+$0x320];
	v12 =	vmul.f32 v43, v41;
	[tilespmem:s24+$0x2B0] =	vst v8  }
0x5d: {  	v49 =	vld [tilespmem:s24+$0x340];
	v50 =	vbroadcast v1, $0x4;
	v13 =	vmul.f32 v44, v41;
	[tilespmem:s24+$0x2D0] =	vst v10  }
0x5e: {  	v51 =	vld [tilespmem:s24+$0x350];
	v11 =	vmul.f32 v40, v41;
	[tilespmem:s24+$0x2E0] =	vst v12  }
0x5f: {  	v52 =	vld [tilespmem:s24+$0x360];
	v9 =	vmul.f32 v45, v50;
	[tilespmem:s24+$0x2F0] =	vst v13  }
0x60: {  	v48 =	vld [tilespmem:s24+$0x330];
	v7 =	vmul.f32 v46, v50;
	[tilespmem:s24+$0x2C0] =	vst v11  }
0x61: {  	v53 =	vld [tilespmem:s24+$0x370];
	v8 =	vmul.f32 v47, v50;
	[tilespmem:s24+$0x300] =	vst v9  }
0x62: {  	v54 =	vld [tilespmem:s24+$0x380];
	v10 =	vmul.f32 v49, v50;
	[tilespmem:s24+$0x310] =	vst v7  }
0x63: {  	v55 =	vld [tilespmem:s24+$0x390];
	v12 =	vmul.f32 v51, v50;
	[tilespmem:s24+$0x320] =	vst v8  }
0x64: {  	v57 =	vld [tilespmem:s24+$0x3B0];
	v13 =	vmul.f32 v52, v50;
	[tilespmem:s24+$0x340] =	vst v10  }
0x65: {  	v58 =	vld [tilespmem:s24+$0x3C0];
	v59 =	vbroadcast v1, $0x5;
	v11 =	vmul.f32 v48, v50;
	[tilespmem:s24+$0x350] =	vst v12  }
0x66: {  	v60 =	vld [tilespmem:s24+$0x3D0];
	v9 =	vmul.f32 v53, v50;
	[tilespmem:s24+$0x360] =	vst v13  }
0x67: {  	v56 =	vld [tilespmem:s24+$0x3A0];
	v7 =	vmul.f32 v54, v59;
	[tilespmem:s24+$0x330] =	vst v11  }
0x68: {  	v61 =	vld [tilespmem:s24+$0x3E0];
	v8 =	vmul.f32 v55, v59;
	[tilespmem:s24+$0x370] =	vst v9  }
0x69: {  	v62 =	vld [tilespmem:s24+$0x3F0];
	v10 =	vmul.f32 v57, v59;
	[tilespmem:s24+$0x380] =	vst v7  }
0x6a: {  	v63 =	vld [tilespmem:s24+$0x400];
	v12 =	vmul.f32 v58, v59;
	[tilespmem:s24+$0x390] =	vst v8  }
0x6b: {  	v19 =	vld [tilespmem:s24+$0x420];
	v13 =	vmul.f32 v60, v59;
	[tilespmem:s24+$0x3B0] =	vst v10  }
0x6c: {  	v20 =	vld [tilespmem:s24+$0x430];
	v11 =	vmul.f32 v56, v59;
	[tilespmem:s24+$0x3C0] =	vst v12  }
0x6d: {  	v21 =	vld [tilespmem:s24+$0x440];
	v22 =	vbroadcast v1, $0x6;
	v9 =	vmul.f32 v61, v59;
	[tilespmem:s24+$0x3D0] =	vst v13  }
0x6e: {  	v18 =	vld [tilespmem:s24+$0x410];
	v7 =	vmul.f32 v62, v59;
	[tilespmem:s24+$0x3A0] =	vst v11  }
0x6f: {  	v23 =	vld [tilespmem:s24+$0x450];
	v8 =	vmul.f32 v63, v22;
	[tilespmem:s24+$0x3E0] =	vst v9  }
0x70: {  	v24 =	vld [tilespmem:s24+$0x460];
	v10 =	vmul.f32 v19, v22;
	[tilespmem:s24+$0x3F0] =	vst v7  }
0x71: {  	v25 =	vld [tilespmem:s24+$0x470];
	v12 =	vmul.f32 v20, v22;
	[tilespmem:s24+$0x400] =	vst v8  }
0x72: {  	v27 =	vld [tilespmem:s24+$0x490];
	v13 =	vmul.f32 v21, v22;
	[tilespmem:s24+$0x420] =	vst v10  }
0x73: {  	v28 =	vld [tilespmem:s24+$0x4A0];
	v11 =	vmul.f32 v18, v22;
	[tilespmem:s24+$0x430] =	vst v12  }
0x74: {  	v29 =	vld [tilespmem:s24+$0x4B0];
	v9 =	vmul.f32 v23, v22;
	[tilespmem:s24+$0x440] =	vst v13  }
0x75: {  	v31 =	vbroadcast v1, $0x7;
	v53 =	vld [tilespmem:s24+$0x600];
	v7 =	vmul.f32 v24, v22;
	[tilespmem:s24+$0x410] =	vst v11  }
0x76: {  	v57 =	vld [tilespmem:s24+$0x640];
	v8 =	vmul.f32 v25, v22;
	[tilespmem:s24+$0x450] =	vst v9  }
0x77: {  	v58 =	vld [tilespmem:s24+$0x650];
	v10 =	vmul.f32 v27, v31;
	[tilespmem:s24+$0x460] =	vst v7  }
0x78: {  	v26 =	vld [tilespmem:s24+$0x480];
	v12 =	vmul.f32 v28, v31;
	[tilespmem:s24+$0x470] =	vst v8  }
0x79: {  	v30 =	vld [tilespmem:s24+$0x4C0];
	v13 =	vmul.f32 v29, v31;
	[tilespmem:s24+$0x490] =	vst v10  }
0x7a: {  	v32 =	vld [tilespmem:s24+$0x4D0];
	v59 =	vmul.f32 v53, v5;
	[tilespmem:s24+$0x4A0] =	vst v12  }
0x7b: {  	v33 =	vld [tilespmem:s24+$0x4E0];
	v18 =	vmul.f32 v57, v5;
	[tilespmem:s24+$0x4B0] =	vst v13  }
0x7c: {  	v35 =	vld [tilespmem:s24+$0x500];
	v20 =	vmul.f32 v58, v5;
	[tilespmem:s24+$0x600] =	vst v59  }
0x7d: {  	v36 =	vld [tilespmem:s24+$0x510];
	v11 =	vmul.f32 v26, v31;
	[tilespmem:s24+$0x640] =	vst v18  }
0x7e: {  	v37 =	vld [tilespmem:s24+$0x520];
	v9 =	vmul.f32 v30, v31;
	[tilespmem:s24+$0x650] =	vst v20  }
0x7f: {  	v4 =	vld [tilespmem:s24+$0x680];
	v40 =	vbroadcast v1, $0x8;
	v7 =	vmul.f32 v32, v31;
	[tilespmem:s24+$0x480] =	vst v11  }
0x80: {  	v6 =	vld [tilespmem:s24+$0x690];
	v8 =	vmul.f32 v33, v31;
	[tilespmem:s24+$0x4C0] =	vst v9  }
0x81: {  	v3 =	vld [tilespmem:s24+$0x8D0];
	v10 =	vmul.f32 v35, v40;
	[tilespmem:s24+$0x4D0] =	vst v7  }
0x82: {  	v61 =	vld [tilespmem:s24+$0x100];
	v23 =	vbroadcast v1, $0xB;
	v12 =	vmul.f32 v36, v40;
	[tilespmem:s24+$0x4E0] =	vst v8  }
0x83: {  	v34 =	vld [tilespmem:s24+$0x4F0];
	v13 =	vmul.f32 v37, v40;
	[tilespmem:s24+$0x500] =	vst v10  }
0x84: {  	v38 =	vld [tilespmem:s24+$0x530];
	v27 =	vbroadcast v1, $0xF;
	v4 =	vmul.f32 v4, v23;
	[tilespmem:s24+$0x510] =	vst v12  }
0x85: {  	v39 =	vld [tilespmem:s24+$0x540];
	v6 =	vmul.f32 v6, v23;
	[tilespmem:s24+$0x520] =	vst v13  }
0x86: {  	v41 =	vld [tilespmem:s24+$0x550];
	v3 =	vmul.f32 v3, v27;
	[tilespmem:s24+$0x680] =	vst v4  }
0x87: {  	v43 =	vld [tilespmem:s24+$0x570];
	v24 =	vmul.f32 v2, v61;
	[tilespmem:s24+$0x690] =	vst v6  }
0x88: {  	v44 =	vld [tilespmem:s24+$0x580];
	v11 =	vmul.f32 v34, v31;
	[tilespmem:s24+$0x8D0] =	vst v3  }
0x89: {  	v45 =	vld [tilespmem:s24+$0x590];
	v9 =	vmul.f32 v38, v40;
	[tilespmem:s24+$0x100] =	vst v24  }
0x8a: {  	v63 =	vld [tilespmem:s24+$0x140];
	v7 =	vmul.f32 v39, v40;
	[tilespmem:s24+$0x4F0] =	vst v11  }
0x8b: {  	v49 =	vbroadcast v1, $0x9;
	v29 =	vld [tilespmem:s24+$0x6F0];
	v8 =	vmul.f32 v41, v40;
	[tilespmem:s24+$0x530] =	vst v9  }
0x8c: {  	v42 =	vld [tilespmem:s24+$0x560];
	v10 =	vmul.f32 v43, v40;
	[tilespmem:s24+$0x540] =	vst v7  }
0x8d: {  	v46 =	vld [tilespmem:s24+$0x5A0];
	v12 =	vmul.f32 v44, v49;
	[tilespmem:s24+$0x550] =	vst v8  }
0x8e: {  	v47 =	vld [tilespmem:s24+$0x5B0];
	v13 =	vmul.f32 v45, v49;
	[tilespmem:s24+$0x570] =	vst v10  }
0x8f: {  	v48 =	vld [tilespmem:s24+$0x5C0];
	v3 =	vmul.f32 v63, v2;
	[tilespmem:s24+$0x580] =	vst v12  }
0x90: {  	v51 =	vld [tilespmem:s24+$0x5E0];
	v6 =	vmul.f32 v29, v23;
	[tilespmem:s24+$0x590] =	vst v13  }
0x91: {  	v52 =	vld [tilespmem:s24+$0x5F0];
	v11 =	vmul.f32 v42, v40;
	[tilespmem:s24+$0x140] =	vst v3  }
0x92: {  	v28 =	vld [tilespmem:s24+$0x6E0];
	v9 =	vmul.f32 v46, v49;
	[tilespmem:s24+$0x6F0] =	vst v6  }
0x93: {  	v26 =	vld [tilespmem:s24+$0x6D0];
	v7 =	vmul.f32 v47, v49;
	[tilespmem:s24+$0x560] =	vst v11  }
0x94: {  	v30 =	vld [tilespmem:s24+$0x700];
	v8 =	vmul.f32 v48, v49;
	[tilespmem:s24+$0x5A0] =	vst v9  }
0x95: {  	v50 =	vld [tilespmem:s24+$0x5D0];
	v10 =	vmul.f32 v51, v49;
	[tilespmem:s24+$0x5B0] =	vst v7  }
0x96: {  	v54 =	vld [tilespmem:s24+$0x610];
	v12 =	vmul.f32 v52, v49;
	[tilespmem:s24+$0x5C0] =	vst v8  }
0x97: {  	v55 =	vld [tilespmem:s24+$0x620];
	v35 =	vbroadcast v1, $0xC;
	v40 =	vmul.f32 v28, v23;
	[tilespmem:s24+$0x5E0] =	vst v10  }
0x98: {  	v56 =	vld [tilespmem:s24+$0x630];
	v32 =	vmul.f32 v26, v23;
	[tilespmem:s24+$0x5F0] =	vst v12  }
0x99: {  	v60 =	vld [tilespmem:s24+$0x660];
	v15 =	vmul.f32 v30, v35;
	[tilespmem:s24+$0x6E0] =	vst v40  }
0x9a: {  	v62 =	vld [tilespmem:s24+$0x110];
	v11 =	vmul.f32 v50, v49;
	[tilespmem:s24+$0x6D0] =	vst v32  }
0x9b: {  	v19 =	vld [tilespmem:s24+$0x150];
	v9 =	vmul.f32 v54, v5;
	[tilespmem:s24+$0x700] =	vst v15  }
0x9c: {  	v33 =	vld [tilespmem:s24+$0x730];
	v7 =	vmul.f32 v55, v5;
	[tilespmem:s24+$0x5D0] =	vst v11  }
0x9d: {  	v61 =	vld [tilespmem:s24+$0x8F0];
	v8 =	vmul.f32 v56, v5;
	[tilespmem:s24+$0x610] =	vst v9  }
0x9e: {  	v38 =	vld [tilespmem:s24+$0x770];
	v5 =	vmul.f32 v60, v5;
	[tilespmem:s24+$0x620] =	vst v7  }
0x9f: {  	v21 =	vld [tilespmem:s24+$0x6A0];
	v12 =	vmul.f32 v62, v2;
	[tilespmem:s24+$0x630] =	vst v8  }
0xa0: {  	v22 =	vld [tilespmem:s24+$0x6B0];
	v2 =	vmul.f32 v19, v2;
	[tilespmem:s24+$0x660] =	vst v5  }
0xa1: {  	v25 =	vld [tilespmem:s24+$0x6C0];
	v62 =	vmul.f32 v33, v35;
	[tilespmem:s24+$0x110] =	vst v12  }
0xa2: {  	v31 =	vld [tilespmem:s24+$0x710];
	v63 =	vmul.f32 v61, v27;
	[tilespmem:s24+$0x150] =	vst v2  }
0xa3: {  	v34 =	vld [tilespmem:s24+$0x740];
	v15 =	vmul.f32 v38, v35;
	[tilespmem:s24+$0x730] =	vst v62  }
0xa4: {  	v41 =	vld [tilespmem:s24+$0x7A0];
	v7 =	vmul.f32 v21, v23;
	[tilespmem:s24+$0x8F0] =	vst v63  }
0xa5: {  	v46 =	vld [tilespmem:s24+$0x7E0];
	v8 =	vmul.f32 v22, v23;
	[tilespmem:s24+$0x770] =	vst v15  }
0xa6: {  	v36 =	vld [tilespmem:s24+$0x750];
	v5 =	vmul.f32 v25, v23;
	[tilespmem:s24+$0x6A0] =	vst v7  }
0xa7: {  	v44 =	vbroadcast v1, $0xD;
	v9 =	vmul.f32 v31, v35;
	v2 =	vld [tilespmem:s24+$0x790];
	[tilespmem:s24+$0x6B0] =	vst v8  }
0xa8: {  	v37 =	vld [tilespmem:s24+$0x760];
	v12 =	vmul.f32 v34, v35;
	[tilespmem:s24+$0x6C0] =	vst v5  }
0xa9: {  	v39 =	vld [tilespmem:s24+$0x780];
	v11 =	vmul.f32 v41, v44;
	[tilespmem:s24+$0x710] =	vst v9  }
0xaa: {  	v42 =	vld [tilespmem:s24+$0x7B0];
	v51 =	vmul.f32 v46, v44;
	[tilespmem:s24+$0x740] =	vst v12  }
0xab: {  	v48 =	vld [tilespmem:s24+$0x810];
	v8 =	vmul.f32 v36, v35;
	[tilespmem:s24+$0x7A0] =	vst v11  }
0xac: {  	v49 =	vld [tilespmem:s24+$0x820];
	[tilespmem:s24+$0x7E0] =	vst v51;
	v2 =	vmul.f32 v2, v44  }
0xad: {  	v50 =	vld [tilespmem:s24+$0x830];
	v5 =	vmul.f32 v37, v35;
	[tilespmem:s24+$0x750] =	vst v8  }
0xae: {  	v1 =	vbroadcast v1, $0xE;
	v9 =	vmul.f32 v39, v44;
	[tilespmem:s24+$0x790] =	vst v2;
	v2 =	vld [tilespmem:s24+$0x800]  }
0xaf: {  	v60 =	vld [tilespmem:s24+$0x8E0];
	v12 =	vmul.f32 v42, v44;
	[tilespmem:s24+$0x760] =	vst v5  }
0xb0: {  	v45 =	vld [tilespmem:s24+$0x7D0];
	v11 =	vmul.f32 v48, v1;
	[tilespmem:s24+$0x780] =	vst v9  }
0xb1: {  	v47 =	vld [tilespmem:s24+$0x7F0];
	v10 =	vmul.f32 v49, v1;
	[tilespmem:s24+$0x7B0] =	vst v12  }
0xb2: {  	v43 =	vld [tilespmem:s24+$0x7C0];
	v6 =	vmul.f32 v50, v1;
	[tilespmem:s24+$0x810] =	vst v11  }
0xb3: {  	v55 =	vld [tilespmem:s24+$0x880];
	[tilespmem:s24+$0x820] =	vst v10;
	v2 =	vmul.f32 v2, v1  }
0xb4: {  	v57 =	vld [tilespmem:s24+$0x8A0];
	v4 =	vmul.f32 v60, v27;
	[tilespmem:s24+$0x830] =	vst v6  }
0xb5: {  	v5 =	vmul.f32 v45, v44;
	[tilespmem:s24+$0x800] =	vst v2;
	v2 =	vld [tilespmem:s24+$0x870]  }
0xb6: {  	v52 =	vld [tilespmem:s24+$0x840];
	v9 =	vmul.f32 v47, v44;
	[tilespmem:s24+$0x8E0] =	vst v4  }
0xb7: {  	v56 =	vld [tilespmem:s24+$0x890];
	v8 =	vmul.f32 v43, v44;
	[tilespmem:s24+$0x7D0] =	vst v5  }
0xb8: {  	v54 =	vld [tilespmem:s24+$0x860];
	v11 =	vmul.f32 v55, v27;
	[tilespmem:s24+$0x7F0] =	vst v9  }
0xb9: {  	v58 =	vld [tilespmem:s24+$0x8B0];
	v6 =	vmul.f32 v57, v27;
	[tilespmem:s24+$0x7C0] =	vst v8  }
0xba: {  	v53 =	vld [tilespmem:s24+$0x850];
	[tilespmem:s24+$0x880] =	vst v11;
	v2 =	vmul.f32 v2, v1  }
0xbb: {  	v59 =	vld [tilespmem:s24+$0x8C0];
	v5 =	vmul.f32 v52, v1;
	[tilespmem:s24+$0x8A0] =	vst v6  }
0xbc: {  	[tilespmem:s24+$0x870] =	vst v2;
	v2 =	vmul.f32 v56, v27  }
0xbd: {  	v3 =	vld [tilespmem:s24+$0x720];
	v9 =	vmul.f32 v54, v1;
	[tilespmem:s24+$0x840] =	vst v5  }
0xbe: {  	[tilespmem:s24+$0x890] =	vst v2;
	v2 =	vmul.f32 v58, v27  }
0xbf: {  	[tilespmem:s24+$0x860] =	vst v9;
	v1 =	vmul.f32 v53, v1  }
0xc0: {  	[tilespmem:s24+$0x8B0] =	vst v2;
	v2 =	vmul.f32 v59, v27  }
0xc1: {  	[tilespmem:s24+$0x850] =	vst v1  }
0xc2: {  	s25 =	simm.s32 $0x1;
	[tilespmem:s24+$0x8C0] =	vst v2;
	v2 =	vmul.f32 v3, v35  }
.LBB2_3:
0xc3: {  	s26 =	sshll.u32 s25, $0x4  }
0xc4: {  	p1 =	sne.s32 s25, $0x4;
	[tilespmem:s24+$0x720] =	vst v2;
	s24 =	smov.u32 s25;
	s25 =	sadd.s32 $0x1, s25  }
0xc5: {  	s26 =	sand.u32 $0x3FFFFFF0, s26  }
0xc6: {  	s24 =	sshll.u32 s24, $0xB;
	v1 =	vld [tilespmem:s26+$0x2900]  }
0xc7: {  	s24 =	sand.u32 $0x3FFFF800, s24  }
0xc8: {  	v8 =	vld [tilespmem:s24+$0x1C0]  }
0xc9: {  	v9 =	vld [tilespmem:s24+$0x1D0]  }
0xca: {  	v10 =	vld [tilespmem:s24+$0x1B0]  }
0xcb: {  	v2 =	vbroadcast v1, $0x0;
	v3 =	vld [tilespmem:s24+$0x120];
	v7 =	vbroadcast v1, $0x4  }
0xcc: {  	v5 =	vld [tilespmem:s24+$0x130]  }
0xcd: {  	v6 =	vld [tilespmem:s24+$0x670]  }
0xce: {  	v11 =	vld [tilespmem:s24+$0x160]  }
0xcf: {  	v12 =	vld [tilespmem:s24+$0x170]  }
0xd0: {  	v4 =	vbroadcast v1, $0xA;
	v3 =	vmul.f32 v3, v2;
	v13 =	vld [tilespmem:s24+$0x180]  }
0xd1: {  	v5 =	vmul.f32 v5, v2;
	v14 =	vld [tilespmem:s24+$0x190]  }
0xd2: {  	[tilespmem:s24+$0x120] =	vst v3;
	v15 =	vld [tilespmem:s24+$0x1A0];
	v3 =	vmul.f32 v6, v4  }
0xd3: {  	[tilespmem:s24+$0x130] =	vst v5;
	v6 =	vmul.f32 v11, v2;
	v11 =	vbroadcast v1, $0x1;
	v5 =	vld [tilespmem:s24+$0x680]  }
0xd4: {  	v12 =	vmul.f32 v12, v2;
	[tilespmem:s24+$0x670] =	vst v3;
	v3 =	vld [tilespmem:s24+$0x8D0]  }
0xd5: {  	[tilespmem:s24+$0x160] =	vst v6;
	v13 =	vmul.f32 v13, v11;
	v6 =	vld [tilespmem:s24+$0x690]  }
0xd6: {  	[tilespmem:s24+$0x170] =	vst v12;
	v12 =	vmul.f32 v14, v11;
	v14 =	vld [tilespmem:s24+$0x1E0]  }
0xd7: {  	[tilespmem:s24+$0x180] =	vst v13;
	v13 =	vmul.f32 v15, v11;
	v15 =	vld [tilespmem:s24+$0x1F0]  }
0xd8: {  	v10 =	vmul.f32 v10, v11;
	[tilespmem:s24+$0x190] =	vst v12;
	v12 =	vld [tilespmem:s24+$0x200]  }
0xd9: {  	v8 =	vmul.f32 v8, v11;
	[tilespmem:s24+$0x1A0] =	vst v13;
	v13 =	vld [tilespmem:s24+$0x210]  }
0xda: {  	v9 =	vmul.f32 v9, v11;
	[tilespmem:s24+$0x1B0] =	vst v10;
	v10 =	vld [tilespmem:s24+$0x220]  }
0xdb: {  	[tilespmem:s24+$0x1C0] =	vst v8;
	v8 =	vmul.f32 v14, v11;
	v14 =	vbroadcast v1, $0x2;
	v16 =	vld [tilespmem:s24+$0x230]  }
0xdc: {  	[tilespmem:s24+$0x1D0] =	vst v9;
	v9 =	vmul.f32 v15, v11;
	v11 =	vld [tilespmem:s24+$0x240]  }
0xdd: {  	[tilespmem:s24+$0x1E0] =	vst v8;
	v8 =	vmul.f32 v12, v14;
	v12 =	vld [tilespmem:s24+$0x250]  }
0xde: {  	[tilespmem:s24+$0x1F0] =	vst v9;
	v9 =	vmul.f32 v13, v14;
	v13 =	vld [tilespmem:s24+$0x260]  }
0xdf: {  	[tilespmem:s24+$0x200] =	vst v8;
	v8 =	vmul.f32 v10, v14;
	v10 =	vld [tilespmem:s24+$0x270]  }
0xe0: {  	[tilespmem:s24+$0x210] =	vst v9;
	v9 =	vmul.f32 v16, v14;
	v15 =	vld [tilespmem:s24+$0x280]  }
0xe1: {  	[tilespmem:s24+$0x220] =	vst v8;
	v8 =	vmul.f32 v11, v14;
	v11 =	vld [tilespmem:s24+$0x290]  }
0xe2: {  	[tilespmem:s24+$0x230] =	vst v9;
	v9 =	vmul.f32 v12, v14;
	v12 =	vld [tilespmem:s24+$0x2A0]  }
0xe3: {  	[tilespmem:s24+$0x240] =	vst v8;
	v8 =	vmul.f32 v13, v14;
	v13 =	vbroadcast v1, $0x3;
	v16 =	vld [tilespmem:s24+$0x2B0]  }
0xe4: {  	[tilespmem:s24+$0x250] =	vst v9;
	v9 =	vmul.f32 v10, v14;
	v10 =	vld [tilespmem:s24+$0x2C0]  }
0xe5: {  	[tilespmem:s24+$0x260] =	vst v8;
	v8 =	vmul.f32 v15, v13;
	v14 =	vld [tilespmem:s24+$0x2D0]  }
0xe6: {  	[tilespmem:s24+$0x270] =	vst v9;
	v9 =	vmul.f32 v11, v13;
	v11 =	vld [tilespmem:s24+$0x2E0]  }
0xe7: {  	[tilespmem:s24+$0x280] =	vst v8;
	v8 =	vmul.f32 v12, v13;
	v12 =	vld [tilespmem:s24+$0x2F0]  }
0xe8: {  	[tilespmem:s24+$0x290] =	vst v9;
	v9 =	vmul.f32 v16, v13;
	v15 =	vld [tilespmem:s24+$0x300]  }
0xe9: {  	[tilespmem:s24+$0x2A0] =	vst v8;
	v8 =	vmul.f32 v10, v13;
	v10 =	vld [tilespmem:s24+$0x310]  }
0xea: {  	[tilespmem:s24+$0x2B0] =	vst v9;
	v9 =	vmul.f32 v14, v13;
	v14 =	vld [tilespmem:s24+$0x320]  }
0xeb: {  	[tilespmem:s24+$0x2C0] =	vst v8;
	v8 =	vmul.f32 v11, v13;
	v11 =	vld [tilespmem:s24+$0x330]  }
0xec: {  	[tilespmem:s24+$0x2D0] =	vst v9;
	v9 =	vmul.f32 v12, v13;
	v12 =	vld [tilespmem:s24+$0x340]  }
0xed: {  	[tilespmem:s24+$0x2E0] =	vst v8;
	v8 =	vmul.f32 v15, v7;
	v13 =	vld [tilespmem:s24+$0x350]  }
0xee: {  	[tilespmem:s24+$0x2F0] =	vst v9;
	v9 =	vmul.f32 v10, v7;
	v10 =	vld [tilespmem:s24+$0x360]  }
0xef: {  	[tilespmem:s24+$0x300] =	vst v8;
	v8 =	vmul.f32 v14, v7;
	v14 =	vld [tilespmem:s24+$0x370]  }
0xf0: {  	[tilespmem:s24+$0x310] =	vst v9;
	v9 =	vmul.f32 v11, v7;
	v11 =	vld [tilespmem:s24+$0x380]  }
0xf1: {  	[tilespmem:s24+$0x320] =	vst v8;
	v8 =	vmul.f32 v12, v7;
	v12 =	vld [tilespmem:s24+$0x390]  }
0xf2: {  	[tilespmem:s24+$0x330] =	vst v9;
	v9 =	vmul.f32 v13, v7;
	v13 =	vld [tilespmem:s24+$0x3A0]  }
0xf3: {  	[tilespmem:s24+$0x340] =	vst v8;
	v8 =	vmul.f32 v10, v7;
	v10 =	vbroadcast v1, $0x5;
	v15 =	vld [tilespmem:s24+$0x3B0]  }
0xf4: {  	[tilespmem:s24+$0x350] =	vst v9;
	v7 =	vmul.f32 v14, v7;
	v9 =	vld [tilespmem:s24+$0x3C0]  }
0xf5: {  	[tilespmem:s24+$0x360] =	vst v8;
	v8 =	vmul.f32 v11, v10;
	v11 =	vld [tilespmem:s24+$0x3D0]  }
0xf6: {  	[tilespmem:s24+$0x370] =	vst v7;
	v7 =	vmul.f32 v12, v10;
	v12 =	vld [tilespmem:s24+$0x3E0]  }
0xf7: {  	[tilespmem:s24+$0x380] =	vst v8;
	v8 =	vmul.f32 v13, v10;
	v13 =	vld [tilespmem:s24+$0x3F0]  }
0xf8: {  	[tilespmem:s24+$0x390] =	vst v7;
	v7 =	vmul.f32 v15, v10;
	v14 =	vld [tilespmem:s24+$0x400]  }
0xf9: {  	[tilespmem:s24+$0x3A0] =	vst v8;
	v8 =	vmul.f32 v9, v10;
	v9 =	vld [tilespmem:s24+$0x410]  }
0xfa: {  	[tilespmem:s24+$0x3B0] =	vst v7;
	v7 =	vmul.f32 v11, v10;
	v11 =	vld [tilespmem:s24+$0x420]  }
0xfb: {  	[tilespmem:s24+$0x3C0] =	vst v8;
	v8 =	vmul.f32 v12, v10;
	v12 =	vbroadcast v1, $0x6;
	v15 =	vld [tilespmem:s24+$0x430]  }
0xfc: {  	[tilespmem:s24+$0x3D0] =	vst v7;
	v7 =	vmul.f32 v13, v10;
	v10 =	vld [tilespmem:s24+$0x440]  }
0xfd: {  	[tilespmem:s24+$0x3E0] =	vst v8;
	v8 =	vmul.f32 v14, v12;
	v13 =	vld [tilespmem:s24+$0x450]  }
0xfe: {  	[tilespmem:s24+$0x3F0] =	vst v7;
	v7 =	vmul.f32 v9, v12;
	v9 =	vld [tilespmem:s24+$0x460]  }
0xff: {  	[tilespmem:s24+$0x400] =	vst v8;
	v8 =	vmul.f32 v11, v12;
	v11 =	vld [tilespmem:s24+$0x470]  }
0x100: {  	[tilespmem:s24+$0x410] =	vst v7;
	v7 =	vmul.f32 v15, v12;
	v14 =	vld [tilespmem:s24+$0x480]  }
0x101: {  	[tilespmem:s24+$0x420] =	vst v8;
	v8 =	vmul.f32 v10, v12;
	v10 =	vld [tilespmem:s24+$0x490]  }
0x102: {  	[tilespmem:s24+$0x430] =	vst v7;
	v7 =	vmul.f32 v13, v12;
	v13 =	vld [tilespmem:s24+$0x4A0]  }
0x103: {  	[tilespmem:s24+$0x440] =	vst v8;
	v8 =	vmul.f32 v9, v12;
	v9 =	vbroadcast v1, $0x7;
	v15 =	vld [tilespmem:s24+$0x4B0]  }
0x104: {  	[tilespmem:s24+$0x450] =	vst v7;
	v7 =	vmul.f32 v11, v12;
	v11 =	vld [tilespmem:s24+$0x4C0]  }
0x105: {  	[tilespmem:s24+$0x460] =	vst v8;
	v8 =	vmul.f32 v14, v9;
	v12 =	vld [tilespmem:s24+$0x4D0]  }
0x106: {  	[tilespmem:s24+$0x470] =	vst v7;
	v7 =	vmul.f32 v10, v9;
	v10 =	vld [tilespmem:s24+$0x4E0]  }
0x107: {  	[tilespmem:s24+$0x480] =	vst v8;
	v8 =	vmul.f32 v13, v9;
	v13 =	vld [tilespmem:s24+$0x4F0]  }
0x108: {  	[tilespmem:s24+$0x490] =	vst v7;
	v7 =	vmul.f32 v15, v9;
	v14 =	vld [tilespmem:s24+$0x500]  }
0x109: {  	[tilespmem:s24+$0x4A0] =	vst v8;
	v8 =	vmul.f32 v11, v9;
	v11 =	vld [tilespmem:s24+$0x510]  }
0x10a: {  	[tilespmem:s24+$0x4B0] =	vst v7;
	v7 =	vmul.f32 v12, v9;
	v12 =	vld [tilespmem:s24+$0x520]  }
0x10b: {  	[tilespmem:s24+$0x4C0] =	vst v8;
	v8 =	vmul.f32 v10, v9;
	v10 =	vbroadcast v1, $0x8;
	v15 =	vld [tilespmem:s24+$0x530]  }
0x10c: {  	[tilespmem:s24+$0x4D0] =	vst v7;
	v7 =	vmul.f32 v13, v9;
	v9 =	vld [tilespmem:s24+$0x540]  }
0x10d: {  	[tilespmem:s24+$0x4E0] =	vst v8;
	v8 =	vmul.f32 v14, v10;
	v13 =	vld [tilespmem:s24+$0x550]  }
0x10e: {  	[tilespmem:s24+$0x4F0] =	vst v7;
	v7 =	vmul.f32 v11, v10;
	v11 =	vld [tilespmem:s24+$0x560]  }
0x10f: {  	[tilespmem:s24+$0x500] =	vst v8;
	v8 =	vmul.f32 v12, v10;
	v12 =	vld [tilespmem:s24+$0x570]  }
0x110: {  	[tilespmem:s24+$0x510] =	vst v7;
	v7 =	vmul.f32 v15, v10;
	v14 =	vld [tilespmem:s24+$0x580]  }
0x111: {  	[tilespmem:s24+$0x520] =	vst v8;
	v8 =	vmul.f32 v9, v10;
	v9 =	vld [tilespmem:s24+$0x590]  }
0x112: {  	[tilespmem:s24+$0x530] =	vst v7;
	v7 =	vmul.f32 v13, v10;
	v13 =	vld [tilespmem:s24+$0x5A0]  }
0x113: {  	[tilespmem:s24+$0x540] =	vst v8;
	v8 =	vmul.f32 v11, v10;
	v11 =	vbroadcast v1, $0x9;
	v15 =	vld [tilespmem:s24+$0x5B0]  }
0x114: {  	[tilespmem:s24+$0x550] =	vst v7;
	v7 =	vmul.f32 v12, v10;
	v10 =	vld [tilespmem:s24+$0x5C0]  }
0x115: {  	[tilespmem:s24+$0x560] =	vst v8;
	v8 =	vmul.f32 v14, v11;
	v12 =	vld [tilespmem:s24+$0x5D0]  }
0x116: {  	[tilespmem:s24+$0x570] =	vst v7;
	v7 =	vmul.f32 v9, v11;
	v9 =	vld [tilespmem:s24+$0x5E0]  }
0x117: {  	[tilespmem:s24+$0x580] =	vst v8;
	v8 =	vmul.f32 v13, v11;
	v13 =	vld [tilespmem:s24+$0x5F0]  }
0x118: {  	[tilespmem:s24+$0x590] =	vst v7;
	v7 =	vmul.f32 v15, v11;
	v14 =	vld [tilespmem:s24+$0x600]  }
0x119: {  	[tilespmem:s24+$0x5A0] =	vst v8;
	v8 =	vmul.f32 v10, v11;
	v10 =	vld [tilespmem:s24+$0x610]  }
0x11a: {  	[tilespmem:s24+$0x5B0] =	vst v7;
	v7 =	vmul.f32 v12, v11;
	v12 =	vld [tilespmem:s24+$0x620]  }
0x11b: {  	[tilespmem:s24+$0x5C0] =	vst v8;
	v8 =	vmul.f32 v9, v11;
	v9 =	vld [tilespmem:s24+$0x630]  }
0x11c: {  	[tilespmem:s24+$0x5D0] =	vst v7;
	v7 =	vmul.f32 v13, v11;
	v11 =	vld [tilespmem:s24+$0x640]  }
0x11d: {  	[tilespmem:s24+$0x5E0] =	vst v8;
	v8 =	vmul.f32 v14, v4;
	v13 =	vld [tilespmem:s24+$0x650]  }
0x11e: {  	[tilespmem:s24+$0x5F0] =	vst v7;
	v7 =	vmul.f32 v10, v4;
	v10 =	vld [tilespmem:s24+$0x660]  }
0x11f: {  	v14 =	vld [tilespmem:s24+$0x100];
	[tilespmem:s24+$0x600] =	vst v8;
	v8 =	vmul.f32 v12, v4  }
0x120: {  	v12 =	vld [tilespmem:s24+$0x110];
	[tilespmem:s24+$0x610] =	vst v7;
	v7 =	vmul.f32 v9, v4  }
0x121: {  	v9 =	vld [tilespmem:s24+$0x140];
	[tilespmem:s24+$0x620] =	vst v8;
	v8 =	vmul.f32 v11, v4  }
0x122: {  	v11 =	vld [tilespmem:s24+$0x150];
	[tilespmem:s24+$0x630] =	vst v7;
	v7 =	vmul.f32 v13, v4  }
0x123: {  	[tilespmem:s24+$0x640] =	vst v8;
	v8 =	vmul.f32 v10, v4;
	v10 =	vbroadcast v1, $0xB;
	v13 =	vld [tilespmem:s24+$0x6A0]  }
0x124: {  	v4 =	vbroadcast v1, $0xF;
	v14 =	vmul.f32 v2, v14;
	[tilespmem:s24+$0x650] =	vst v7;
	v7 =	vld [tilespmem:s24+$0x6B0]  }
0x125: {  	v12 =	vmul.f32 v12, v2;
	[tilespmem:s24+$0x660] =	vst v8;
	v5 =	vmul.f32 v5, v10;
	v8 =	vld [tilespmem:s24+$0x6C0]  }
0x126: {  	v6 =	vmul.f32 v6, v10;
	[tilespmem:s24+$0x100] =	vst v14;
	v9 =	vmul.f32 v9, v2;
	v14 =	vld [tilespmem:s24+$0x6D0]  }
0x127: {  	v3 =	vmul.f32 v3, v4;
	v11 =	vmul.f32 v11, v2;
	[tilespmem:s24+$0x680] =	vst v5;
	v2 =	vld [tilespmem:s24+$0x6E0]  }
0x128: {  	[tilespmem:s24+$0x690] =	vst v6;
	v5 =	vmul.f32 v13, v10;
	v6 =	vld [tilespmem:s24+$0x6F0]  }
0x129: {  	v7 =	vmul.f32 v7, v10;
	v13 =	vld [tilespmem:s24+$0x700];
	[tilespmem:s24+$0x8D0] =	vst v3  }
0x12a: {  	[tilespmem:s24+$0x110] =	vst v12;
	v3 =	vmul.f32 v8, v10;
	v8 =	vld [tilespmem:s24+$0x710]  }
0x12b: {  	[tilespmem:s24+$0x140] =	vst v9;
	v9 =	vmul.f32 v14, v10;
	v12 =	vld [tilespmem:s24+$0x720]  }
0x12c: {  	v14 =	vbroadcast v1, $0xC;
	[tilespmem:s24+$0x6A0] =	vst v5;
	v5 =	vmul.f32 v2, v10;
	v15 =	vld [tilespmem:s24+$0x730]  }
0x12d: {  	[tilespmem:s24+$0x6D0] =	vst v9;
	v6 =	vmul.f32 v6, v10;
	v9 =	vld [tilespmem:s24+$0x740]  }
0x12e: {  	[tilespmem:s24+$0x6B0] =	vst v7;
	v2 =	vmul.f32 v13, v14;
	v7 =	vld [tilespmem:s24+$0x750]  }
0x12f: {  	[tilespmem:s24+$0x6C0] =	vst v3;
	v3 =	vmul.f32 v8, v14;
	v8 =	vld [tilespmem:s24+$0x760]  }
0x130: {  	[tilespmem:s24+$0x700] =	vst v2;
	v2 =	vmul.f32 v12, v14;
	v10 =	vld [tilespmem:s24+$0x770]  }
0x131: {  	[tilespmem:s24+$0x710] =	vst v3;
	v3 =	vld [tilespmem:s24+$0x780]  }
0x132: {  	[tilespmem:s24+$0x150] =	vst v11;
	v9 =	vmul.f32 v9, v14;
	v11 =	vld [tilespmem:s24+$0x790]  }
0x133: {  	[tilespmem:s24+$0x6E0] =	vst v5;
	v5 =	vmul.f32 v7, v14;
	v7 =	vld [tilespmem:s24+$0x7A0]  }
0x134: {  	[tilespmem:s24+$0x740] =	vst v9;
	v8 =	vmul.f32 v8, v14;
	v9 =	vbroadcast v1, $0xD;
	v12 =	vld [tilespmem:s24+$0x7B0]  }
0x135: {  	[tilespmem:s24+$0x750] =	vst v5;
	v5 =	vmul.f32 v10, v14;
	v10 =	vld [tilespmem:s24+$0x7C0]  }
0x136: {  	[tilespmem:s24+$0x760] =	vst v8;
	v3 =	vmul.f32 v3, v9;
	v8 =	vld [tilespmem:s24+$0x7D0]  }
0x137: {  	[tilespmem:s24+$0x770] =	vst v5;
	v5 =	vmul.f32 v11, v9;
	v11 =	vld [tilespmem:s24+$0x7E0]  }
0x138: {  	[tilespmem:s24+$0x780] =	vst v3;
	v3 =	vmul.f32 v7, v9;
	v7 =	vld [tilespmem:s24+$0x7F0]  }
0x139: {  	[tilespmem:s24+$0x790] =	vst v5;
	v5 =	vmul.f32 v12, v9;
	v12 =	vld [tilespmem:s24+$0x800]  }
0x13a: {  	[tilespmem:s24+$0x7A0] =	vst v3;
	v3 =	vmul.f32 v10, v9;
	v10 =	vld [tilespmem:s24+$0x810]  }
0x13b: {  	[tilespmem:s24+$0x7B0] =	vst v5;
	v5 =	vmul.f32 v8, v9;
	v8 =	vld [tilespmem:s24+$0x820]  }
0x13c: {  	v1 =	vbroadcast v1, $0xE;
	[tilespmem:s24+$0x6F0] =	vst v6;
	v6 =	vmul.f32 v11, v9;
	v11 =	vld [tilespmem:s24+$0x830]  }
0x13d: {  	[tilespmem:s24+$0x7D0] =	vst v5;
	v5 =	vmul.f32 v7, v9;
	v7 =	vld [tilespmem:s24+$0x840]  }
0x13e: {  	[tilespmem:s24+$0x7E0] =	vst v6;
	v6 =	vmul.f32 v12, v1;
	v9 =	vld [tilespmem:s24+$0x850]  }
0x13f: {  	[tilespmem:s24+$0x7F0] =	vst v5;
	v5 =	vmul.f32 v10, v1;
	v10 =	vld [tilespmem:s24+$0x860]  }
0x140: {  	[tilespmem:s24+$0x800] =	vst v6;
	v6 =	vmul.f32 v8, v1;
	v8 =	vld [tilespmem:s24+$0x870]  }
0x141: {  	[tilespmem:s24+$0x810] =	vst v5;
	v5 =	vmul.f32 v11, v1;
	v11 =	vld [tilespmem:s24+$0x880]  }
0x142: {  	[tilespmem:s24+$0x820] =	vst v6;
	v6 =	vmul.f32 v7, v1;
	v7 =	vld [tilespmem:s24+$0x890]  }
0x143: {  	[tilespmem:s24+$0x830] =	vst v5;
	v5 =	vmul.f32 v9, v1;
	v9 =	vld [tilespmem:s24+$0x8A0]  }
0x144: {  	[tilespmem:s24+$0x840] =	vst v6;
	v6 =	vmul.f32 v10, v1;
	v10 =	vld [tilespmem:s24+$0x8B0]  }
0x145: {  	[tilespmem:s24+$0x7C0] =	vst v3;
	v1 =	vmul.f32 v8, v1;
	v3 =	vld [tilespmem:s24+$0x8C0]  }
0x146: {  	[tilespmem:s24+$0x860] =	vst v6;
	v6 =	vmul.f32 v11, v4;
	v8 =	vld [tilespmem:s24+$0x8E0]  }
0x147: {  	[tilespmem:s24+$0x870] =	vst v1;
	v1 =	vmul.f32 v7, v4;
	v7 =	vld [tilespmem:s24+$0x8F0]  }
0x148: {  	[tilespmem:s24+$0x880] =	vst v6;
	v6 =	vmul.f32 v9, v4  }
0x149: {  	[tilespmem:s24+$0x890] =	vst v1;
	v1 =	vmul.f32 v10, v4  }
0x14a: {  	v9 =	vmul.f32 v15, v14;
	[tilespmem:s24+$0x8A0] =	vst v6  }
0x14b: {  	[tilespmem:s24+$0x8B0] =	vst v1;
	v1 =	vmul.f32 v3, v4  }
.Ltmp0:
0x14c: {  	[tilespmem:s24+$0x730] =	vst v9;
	v3 =	vmul.f32 v7, v4;
	(pc) =	sbr.rel @p1 .LBB2_3-.Ltmp0, $4  }
0x14d: {  	[tilespmem:s24+$0x8C0] =	vst v1  }
0x14e: {  	v1 =	vmul.f32 v8, v4;
	[tilespmem:s24+$0x8F0] =	vst v3  }
0x14f: {  	[tilespmem:s24+$0x850] =	vst v5  }
0x150: {  	[tilespmem:s24+$0x8E0] =	vst v1  }
0x151: {  	s23 =	sadd.s32 $0x1, s23  }
0x152: {  	p1 =	sne.s32 s23, $0xFA  }
.Ltmp1:
0x153: {  	[tilespmem:s24+$0x720] =	vst v2;
	(pc) =	sbr.rel @p1 .LBB2_2-.Ltmp1, $4  }
0x154: {  	[spmem:s3] =	stream.indirect.scatter.add.f32 [tilespmem:s21], [sflag:$0x2], $0x80, s18, s20, $0xb8;
	[tilespmem:$0x16200] =	vst v63  }
0x155: {  	_ =	swait.ge [sflag:s16], $0x2800  }
0x156: {  	[sflag:s16] =	ssyncset.done $0x0  }
0x157: {  	[sflag:s16] =	ssyncadd.s32 $0xFFFFD800  }
0x158: {  	[bflag:$0x0] =	sbarrier.arrive $0xFFFF  }
0x159: {  	[hbm:s12], [sflag:s9] =	dma.local [spmem:s15], $0x2700  }
0x15a: {  	s4 =	sadd.s32 $0x1, s4;
	_ =	swait.ge [sflag:s16], $0x2700  }
0x15b: {  	p1 =	sne.s32 s4, s14;
	[sflag:s16] =	ssyncset.done $0x0  }
.Ltmp2:
0x15c: {  	s23 =	simm.s32 @!p0 $0x2;
	[sflag:s16] =	ssyncadd.s32 $0xFFFFD900;
	(pc) =	sbr.rel @p1 .LBB2_1-.Ltmp2, $4  }
0x15d: {  	[hbm:s13], [sflag:s9] =	dma.local @!p0 [spmem:s17], $0x100  }
0x15e: {  	_ =	swait.ge @!p0 [sflag:s23], $0x100  }
0x15f: {  	[sflag:s23] =	ssyncset.done @!p0 $0x0  }
0x160: {  	[sflag:s23] =	ssyncadd.s32 @!p0 $0xFFFFFF00  }
0x161: {  	_ =	sfence.sel $0x180000  }
0x162: {  	[bflag:$0x0] =	sbarrier.arrive $0xFFFF  }
0x163: {  	p0 =	sne.s32 s5, $0x0;
	_ =	strace $0x90000047  }
0x164: {  	s0 =	sadd.s32 @!p0 $0x100000, s0;
	[bflag:$0x2] =	sbarrier.arrive $0xFFFF  }
0x165: {  	[sflag:s0] =	ssyncadd.tile.s32 @!p0 $0x1;
	_ =	shalt  }
.Lfunc_end2:
_tile_overlayer_lowered:
.L_overlay_start_2:
0x166: {  	(tag) =	ssettag $0x2  }
0x167: {  	s0 =	rddreg [dreg:$0x0];
	s2 =	stileid.u32  }
0x168: {  	s1 =	rddreg [dreg:$0x1];
	p0 =	sne.s32 s2, $0x0  }
0x169: {  	s3 =	rddreg [dreg:$0x2];
	[bflag:$0x3] =	sbarrier.arrive $0xFFFF;
	s2 =	simm.s32 @!p0 $0x1C02  }
0x16a: {  	[timem:s3], [sflag:s2] =	dma.local @!p0 [hbm:s0], s1  }
0x16b: {  	s0 =	simm.s32 @!p0 $0x2  }
0x16c: {  	_ =	swait.ge @!p0 [sflag:s0], s1  }
0x16d: {  	s1 =	ssub.s32 @!p0 $0x0, s1;
	[sflag:s0] =	ssyncset.done @!p0 $0x0  }
0x16e: {  	[sflag:s0] =	ssyncadd.s32 @!p0 s1  }
0x16f: {  	[bflag:$0x3] =	sbarrier.arrive $0xFFFF  }
0x170: {  	_ =	shalt  }

</sc_bundles>
